<compile_context>
chip_gen: v7x
topology: tpu7x:2x2x1
jax: 0.10.2.dev20260603
libtpu: 0.0.44.dev20260713+nightly
codegen_flags: <defaults>
</compile_context>

<pallas_src>
import functools

import jax
import jax.numpy as jnp
from jax import lax
from jax.experimental import pallas as pl
from jax.experimental.pallas import tpu as pltpu
from jax.experimental.pallas import tpu_sc as plsc

N = 10000
E = 320000
NPAD = 10240
F = 128
C = 40
NC = 2
NS = 16
NW = NC * NS
EPW = E // NW
CH1 = 80
NCH1 = EPW // CH1
DEPTH = 4
CH = 128
NCHUNK = 79
EPW_PAD = NCHUNK * CH
PH0 = 40
RPT = NPAD // NS
BR = 1024
GR = NPAD // BR

_MESH = plsc.VectorSubcoreMesh(
    core_axis_name="c", subcore_axis_name="s", num_cores=NC, num_subcores=NS)


@functools.partial(
    pl.kernel,
    out_type=(jax.ShapeDtypeStruct((NC, NPAD), jnp.float32),
              jax.ShapeDtypeStruct((NC, NPAD), jnp.float32)),
    mesh=_MESH,
    scratch_types=(
        pltpu.VMEM((NCH1, CH1), jnp.int32),
        pltpu.VMEM((NCH1, CH1), jnp.int32),
        pltpu.VMEM((CH1,), jnp.float32),
        pltpu.VMEM((RPT,), jnp.float32),
        pltpu.VMEM_SHARED((NPAD,), jnp.float32),
        pltpu.VMEM_SHARED((NPAD,), jnp.float32),
        pltpu.SemaphoreType.DMA,
        pltpu.SemaphoreType.DMA,
    ),
)
def _degrees(src_hbm, dst_hbm, dsrc_out, ddst_out,
             sidx, didx, ones, zbuf, dsrc_sp, ddst_sp, sem_s, sem_d):
    c = lax.axis_index("c")
    s = lax.axis_index("s")
    wid = s * NC + c

    def _zero(i, _):
        zbuf[pl.ds(i * 16, 16)] = jnp.zeros((16,), jnp.float32)
        return _
    lax.fori_loop(0, RPT // 16, _zero, None)

    def _ones(i, _):
        ones[pl.ds(i * 16, 16)] = jnp.ones((16,), jnp.float32)
        return _
    lax.fori_loop(0, CH1 // 16, _ones, None)

    pltpu.sync_copy(src_hbm.at[wid], sidx)
    pltpu.sync_copy(dst_hbm.at[wid], didx)
    pltpu.sync_copy(zbuf, dsrc_sp.at[pl.ds(s * RPT, RPT)])
    pltpu.sync_copy(zbuf, ddst_sp.at[pl.ds(s * RPT, RPT)])
    plsc.subcore_barrier()

    def _body(i, _):
        pltpu.async_copy(ones, dsrc_sp.at[sidx.at[i]], sem_s, add=True)
        pltpu.async_copy(ones, ddst_sp.at[didx.at[i]], sem_d, add=True)

        @pl.when(i >= DEPTH)
        def _w():
            j = i - DEPTH
            pltpu.make_async_copy(ones, dsrc_sp.at[sidx.at[j]], sem_s).wait()
            pltpu.make_async_copy(ones, ddst_sp.at[didx.at[j]], sem_d).wait()
        return _
    lax.fori_loop(0, NCH1, _body, None)

    def _drain(i, _):
        j = NCH1 - DEPTH + i
        pltpu.make_async_copy(ones, dsrc_sp.at[sidx.at[j]], sem_s).wait()
        pltpu.make_async_copy(ones, ddst_sp.at[didx.at[j]], sem_d).wait()
        return _
    lax.fori_loop(0, DEPTH, _drain, None)
    plsc.subcore_barrier()

    pltpu.sync_copy(dsrc_sp.at[pl.ds(s * RPT, RPT)],
                    dsrc_out.at[c].at[pl.ds(s * RPT, RPT)])
    pltpu.sync_copy(ddst_sp.at[pl.ds(s * RPT, RPT)],
                    ddst_out.at[c].at[pl.ds(s * RPT, RPT)])


def _mm_body(x_ref, w_ref, dso_ref, dsi_ref, h_ref, rout_ref, rin_ref):
    do = dso_ref[0] + dso_ref[1]
    di = dsi_ref[0] + dsi_ref[1]
    ro = lax.rsqrt(jnp.maximum(do, 1.0))
    ri = lax.rsqrt(jnp.maximum(di, 1.0))
    rout_ref[...] = ro
    rin_ref[...] = ri
    h_ref[...] = jnp.dot(x_ref[...] * ro, w_ref[...],
                         preferred_element_type=jnp.float32)


def _matmul(x_pad, W1, dsrc_p, ddst_p):
    return pl.pallas_call(
        _mm_body,
        grid=(GR,),
        in_specs=[
            pl.BlockSpec((BR, F), lambda i: (i, 0)),
            pl.BlockSpec((F, F), lambda i: (0, 0)),
            pl.BlockSpec((NC, BR, 1), lambda i: (0, i, 0)),
            pl.BlockSpec((NC, BR, 1), lambda i: (0, i, 0)),
        ],
        out_specs=[
            pl.BlockSpec((BR, F), lambda i: (i, 0)),
            pl.BlockSpec((BR, 1), lambda i: (i, 0)),
            pl.BlockSpec((BR, 1), lambda i: (i, 0)),
        ],
        out_shape=[
            jax.ShapeDtypeStruct((NPAD, F), jnp.float32),
            jax.ShapeDtypeStruct((NPAD, 1), jnp.float32),
            jax.ShapeDtypeStruct((NPAD, 1), jnp.float32),
        ],
    )(x_pad, W1, dsrc_p, ddst_p)


@functools.partial(
    pl.kernel,
    out_type=(jax.ShapeDtypeStruct((NC, NPAD, F), jnp.float32),
              jax.ShapeDtypeStruct((NC, NPAD), jnp.float32)),
    mesh=_MESH,
    scratch_types=(
        pltpu.VMEM((PH0, CH), jnp.int32),
        pltpu.VMEM((PH0, CH), jnp.int32),
        pltpu.VMEM((CH, F), jnp.float32),
        pltpu.VMEM((CH, F), jnp.float32),
        pltpu.VMEM((CH,), jnp.float32),
        pltpu.VMEM((CH,), jnp.float32),
        pltpu.VMEM_SHARED((NPAD, F), jnp.float32),
        pltpu.VMEM_SHARED((NPAD,), jnp.float32),
        pltpu.VMEM_SHARED((NPAD,), jnp.float32),
        pltpu.SemaphoreType.DMA,
        pltpu.SemaphoreType.DMA,
        pltpu.SemaphoreType.DMA,
        pltpu.SemaphoreType.DMA,
        pltpu.SemaphoreType.DMA,
        pltpu.SemaphoreType.DMA,
        pltpu.SemaphoreType.DMA,
        pltpu.SemaphoreType.DMA,
    ),
)
def _propagate(h_hbm, src_hbm, dst_hbm, rin_hbm, agg_out, c_out,
               sidx, didx, rows0, rows1, rvals0, rvals1,
               agg_sp, c_sp, rin_sp, gsem0, gsem1, ssem0, ssem1,
               rgsem0, rgsem1, rssem0, rssem1):
    c = lax.axis_index("c")
    s = lax.axis_index("s")
    wid = s * NC + c

    def _zero(i, _):
        r = i // (F // 16)
        k = i % (F // 16)
        rows0[r, pl.ds(k * 16, 16)] = jnp.zeros((16,), jnp.float32)
        return _
    lax.fori_loop(0, CH * (F // 16), _zero, None)

    for k in range(RPT // CH):
        pltpu.sync_copy(rows0, agg_sp.at[pl.ds(s * RPT + k * CH, CH)])
    for k in range(RPT // F):
        pltpu.sync_copy(rows0.at[0], c_sp.at[pl.ds(s * RPT + k * F, F)])

    @pl.when(s == 0)
    def _stage_rin():
        pltpu.sync_copy(rin_hbm, rin_sp)
    plsc.subcore_barrier()

    rbufs = ((rows0, gsem0, ssem0), (rows1, gsem1, ssem1))
    cbufs = ((rvals0, rgsem0, rssem0), (rvals1, rgsem1, rssem1))

    def _start_gather(j, b):
        rows, gsem, _ = rbufs[b]
        pltpu.async_copy(h_hbm.at[sidx.at[j]], rows, gsem)

    def _wait_gather(j, b):
        rows, gsem, _ = rbufs[b]
        pltpu.make_async_copy(h_hbm.at[sidx.at[j]], rows, gsem).wait()

    def _start_scatter(j, b):
        rows, _, ssem = rbufs[b]
        pltpu.async_copy(rows, agg_sp.at[didx.at[j]], ssem, add=True)

    def _wait_scatter(j, b):
        rows, _, ssem = rbufs[b]
        pltpu.make_async_copy(rows, agg_sp.at[didx.at[j]], ssem).wait()

    def _start_rgather(j, b):
        rvals, rgsem, _ = cbufs[b]
        pltpu.async_copy(rin_sp.at[didx.at[j]], rvals, rgsem)

    def _wait_rgather(j, b):
        rvals, rgsem, _ = cbufs[b]
        pltpu.make_async_copy(rin_sp.at[didx.at[j]], rvals, rgsem).wait()

    def _start_cscatter(j, b):
        rvals, _, rssem = cbufs[b]
        pltpu.async_copy(rvals, c_sp.at[sidx.at[j]], rssem, add=True)

    def _wait_cscatter(j, b):
        rvals, _, rssem = cbufs[b]
        pltpu.make_async_copy(rvals, c_sp.at[sidx.at[j]], rssem).wait()

    def _phase(glo, cnt):
        pltpu.sync_copy(src_hbm.at[wid].at[pl.ds(glo, cnt)],
                        sidx.at[pl.ds(0, cnt)])
        pltpu.sync_copy(dst_hbm.at[wid].at[pl.ds(glo, cnt)],
                        didx.at[pl.ds(0, cnt)])

        _start_gather(0, 0)

        def _body(i, _):
            j = i * 2
            _wait_gather(j, 0)

            @pl.when(i > 0)
            def _():
                _wait_scatter(j - 1, 1)
            _start_gather(j + 1, 1)
            _start_scatter(j, 0)

            @pl.when(i > 0)
            def _():
                _wait_cscatter(j - 2, 0)
                _wait_cscatter(j - 1, 1)
            _start_rgather(j, 0)
            _start_rgather(j + 1, 1)

            _wait_gather(j + 1, 1)
            _wait_scatter(j, 0)
            _start_gather(j + 2, 0)
            _start_scatter(j + 1, 1)

            _wait_rgather(j, 0)
            _start_cscatter(j, 0)
            _wait_rgather(j + 1, 1)
            _start_cscatter(j + 1, 1)
            return _
        nb = (cnt - 1) // 2
        lax.fori_loop(0, nb, _body, None)

        if cnt % 2 == 0:
            _wait_gather(cnt - 2, 0)
            _wait_scatter(cnt - 3, 1)
            _start_gather(cnt - 1, 1)
            _start_scatter(cnt - 2, 0)
            _wait_gather(cnt - 1, 1)
            _wait_scatter(cnt - 2, 0)
            _start_scatter(cnt - 1, 1)
            _wait_scatter(cnt - 1, 1)
            _wait_cscatter(cnt - 4, 0)
            _wait_cscatter(cnt - 3, 1)
            _start_rgather(cnt - 2, 0)
            _start_rgather(cnt - 1, 1)
            _wait_rgather(cnt - 2, 0)
            _start_cscatter(cnt - 2, 0)
            _wait_rgather(cnt - 1, 1)
            _start_cscatter(cnt - 1, 1)
            _wait_cscatter(cnt - 2, 0)
            _wait_cscatter(cnt - 1, 1)
        else:
            _wait_gather(cnt - 1, 0)
            _wait_scatter(cnt - 2, 1)
            _start_scatter(cnt - 1, 0)
            _wait_scatter(cnt - 1, 0)
            _wait_cscatter(cnt - 3, 0)
            _wait_cscatter(cnt - 2, 1)
            _start_rgather(cnt - 1, 0)
            _wait_rgather(cnt - 1, 0)
            _start_cscatter(cnt - 1, 0)
            _wait_cscatter(cnt - 1, 0)

    _phase(0, PH0)
    _phase(PH0, NCHUNK - PH0)
    plsc.subcore_barrier()

    pltpu.sync_copy(agg_sp.at[pl.ds(s * RPT, RPT)],
                    agg_out.at[c].at[pl.ds(s * RPT, RPT)])
    pltpu.sync_copy(c_sp.at[pl.ds(s * RPT, RPT)],
                    c_out.at[c].at[pl.ds(s * RPT, RPT)])


def _fin_body(agg_ref, c_ref, rin_ref, rout_ref, b1_ref, w2_ref, b2_ref,
              out_ref, acc_ref):
    i = pl.program_id(0)
    a = agg_ref[0] + agg_ref[1]
    g = a * rin_ref[...] + b1_ref[...]
    h1 = jnp.maximum(g, 0.0)
    row = jax.lax.broadcasted_iota(jnp.int32, (BR, 1), 0) + i * BR
    w = jnp.where(row < N, (c_ref[0] + c_ref[1]) * rout_ref[...], 0.0)
    part = jnp.sum((h1 * w).reshape(BR // 8, 8, F), axis=0)

    @pl.when(i == 0)
    def _():
        acc_ref[...] = part

    @pl.when(i > 0)
    def _():
        acc_ref[...] = acc_ref[...] + part

    @pl.when(i == GR - 1)
    def _():
        sv = jnp.sum(acc_ref[...], axis=0, keepdims=True)
        out_ref[...] = (jnp.dot(sv, w2_ref[...],
                                preferred_element_type=jnp.float32)
                        * (1.0 / N) + b2_ref[...])


def _finalize(agg_p, c_p, r_in, r_out, b1, W2, b2):
    return pl.pallas_call(
        _fin_body,
        grid=(GR,),
        in_specs=[
            pl.BlockSpec((NC, BR, F), lambda i: (0, i, 0)),
            pl.BlockSpec((NC, BR, 1), lambda i: (0, i, 0)),
            pl.BlockSpec((BR, 1), lambda i: (i, 0)),
            pl.BlockSpec((BR, 1), lambda i: (i, 0)),
            pl.BlockSpec((1, F), lambda i: (0, 0)),
            pl.BlockSpec((F, C), lambda i: (0, 0)),
            pl.BlockSpec((1, C), lambda i: (0, 0)),
        ],
        out_specs=pl.BlockSpec((1, C), lambda i: (0, 0)),
        out_shape=jax.ShapeDtypeStruct((1, C), jnp.float32),
        scratch_shapes=[pltpu.VMEM((8, F), jnp.float32)],
    )(agg_p, c_p, r_in, r_out, b1, W2, b2)


def kernel(x, edge_index, W1, b1, W2, b2):
    src = edge_index[0].astype(jnp.int32)
    dst = edge_index[1].astype(jnp.int32)
    src32 = src.reshape(NW, NCH1, CH1)
    dst32 = dst.reshape(NW, NCH1, CH1)
    npad_e = EPW_PAD - EPW
    pad_rows = (jnp.arange(NW * npad_e, dtype=jnp.int32).reshape(NW, npad_e)
                % (NPAD - N)) + N
    srcp = jnp.concatenate(
        [src.reshape(NW, EPW), pad_rows], axis=1).reshape(NW, NCHUNK, CH)
    dstp = jnp.concatenate(
        [dst.reshape(NW, EPW), pad_rows], axis=1).reshape(NW, NCHUNK, CH)
    x_pad = jnp.zeros((NPAD, F), jnp.float32).at[:N].set(x)
    dsrc_p, ddst_p = _degrees(src32, dst32)
    h, r_out, r_in = _matmul(x_pad, W1,
                             dsrc_p.reshape(NC, NPAD, 1),
                             ddst_p.reshape(NC, NPAD, 1))
    agg_p, c_p = _propagate(h, srcp, dstp, r_in.reshape(NPAD))
    out = _finalize(agg_p, c_p.reshape(NC, NPAD, 1), r_in, r_out,
                    b1.reshape(1, F), W2, b2.reshape(1, C))
    return out

# --- scband reference (transcript-rebuilt; emitter-appended) ---
"""Pipeline reference for scband-gcn-31834297598206 (READ-ONLY COPY).

The authoritative reference and input builder live on the scoring server;
editing this copy changes nothing except your own understanding.
"""

import jax, jax.numpy as jnp
import numpy as np

N = 10000
E = 320000
IN_FEAT = 128
H_FEAT = 128
NUM_CLASSES = 40


def setup_inputs(seed: int = 0) -> dict:
    key = jax.random.key(seed)
    k1, k2, k3, k4, k5, k6 = jax.random.split(key, 6)
    x = jax.random.normal(k1, (N, IN_FEAT), dtype=jnp.float32)
    edge_index = jax.random.randint(k2, (2, E), 0, N)
    W1 = jax.random.normal(k3, (IN_FEAT, H_FEAT), dtype=jnp.float32) * 0.05
    b1 = jnp.zeros((H_FEAT,), dtype=jnp.float32)
    W2 = jax.random.normal(k4, (H_FEAT, NUM_CLASSES), dtype=jnp.float32) * 0.05
    b2 = jnp.zeros((NUM_CLASSES,), dtype=jnp.float32)
    return {"x": x, "edge_index": edge_index, "W1": W1, "b1": b1, "W2": W2, "b2": b2}


def _gcn_layer(x, src, dst, W, b):
    # DGL GraphConv with norm='both': D_dst^{-1/2} A D_src^{-1/2} X W + b
    deg_out = jnp.clip(jnp.bincount(src, length=N), 1)
    deg_in = jnp.clip(jnp.bincount(dst, length=N), 1)
    h = x * jax.lax.rsqrt(deg_out.astype(x.dtype))[:, None]
    h = h @ W
    msg = jnp.take(h, src, axis=0)
    agg = jnp.zeros((N, h.shape[1]), dtype=h.dtype).at[dst].add(msg)
    agg = agg * jax.lax.rsqrt(deg_in.astype(x.dtype))[:, None]
    return agg + b


def reference(x, edge_index, W1, b1, W2, b2):
    src = edge_index[0]
    dst = edge_index[1]
    h = _gcn_layer(x, src, dst, W1, b1)
    h = jax.nn.relu(h)
    # dropout omitted (eval mode / deterministic reference)
    h = _gcn_layer(h, src, dst, W2, b2)
    # dgl.mean_nodes with a single graph: mean over all nodes -> [1, num_classes]
    return jnp.mean(h, axis=0, keepdims=True)

if __name__ == "__main__":
    import jax
    _d = setup_inputs()
    print(jax.jit(kernel)(*tuple(_d.values())))

</pallas_src>

<mosaic_0001>
#map = affine_map<(d0, d1) -> (0, 0, 0)>
#map1 = affine_map<(d0, d1) -> (0, 0)>
module attributes {stable_mosaic.version = 14 : i64} {
  func.func @_degrees(%arg0: i32, %arg1: i32, %arg2: memref<32x125x80xi32, #tpu.memory_space<hbm>>, %arg3: memref<32x125x80xi32, #tpu.memory_space<hbm>>, %arg4: memref<2x10240xf32, #tpu.memory_space<hbm>>, %arg5: memref<2x10240xf32, #tpu.memory_space<hbm>>, %arg6: memref<125x80xi32, #tpu.memory_space<vmem>>, %arg7: memref<125x80xi32, #tpu.memory_space<vmem>>, %arg8: memref<80xf32, #tpu.memory_space<vmem>>, %arg9: memref<640xf32, #tpu.memory_space<vmem>>, %arg10: memref<10240xf32, #tpu.memory_space<vmem_shared>>, %arg11: memref<10240xf32, #tpu.memory_space<vmem_shared>>, %arg12: memref<!tpu.dma_semaphore, #tpu.memory_space<semaphore_mem>>, %arg13: memref<!tpu.dma_semaphore, #tpu.memory_space<semaphore_mem>>) attributes {dimension_semantics = [#tpu.dimension_semantics<core_parallel>, #tpu.dimension_semantics<subcore_parallel>], iteration_bounds = array<i64: 2, 16>, scalar_prefetch = 0 : i64, scratch_operands = 8 : i64, tpu.core_type = #tpu.core_type<sc_vector_subcore>, window_params = [{transform_indices = #map}, {transform_indices = #map}, {transform_indices = #map1}, {transform_indices = #map1}]} {
    %mul3A = arith.constant 2 : i32
    %mul3A_0 = arith.muli %arg1, %mul3A : i32
    %add3A = arith.addi %mul3A_0, %arg0 : i32
    %scan3A = arith.constant 0 : i32
    %scan3A_1 = arith.constant 40 : i32
    %scan3A_2 = arith.addi %scan3A, %scan3A_1 : i32
    %scan3A_3 = arith.constant 1 : i32
    scf.for %scan3A_33 = %scan3A to %scan3A_2 step %scan3A_3  : i32 {
      %broadcast_in_dim3A = arith.constant 0.000000e+00 : f32
      %broadcast_in_dim3A_34 = vector.broadcast %broadcast_in_dim3A : f32 to vector<16xf32>
      %mul3A_35 = arith.constant 16 : i32
      %mul3A_36 = arith.muli %scan3A_33, %mul3A_35 : i32
      %swap3A = arith.index_cast %mul3A_36 : i32 to index
      %swap3A_37 = tpu.vector_load %arg9[%swap3A] {strides = array<i32>} : memref<640xf32, #tpu.memory_space<vmem>>, vector<16xf32>,
      %swap3A_38 = vector.shape_cast %swap3A_37 : vector<16xf32> to vector<16xf32>
      %swap3A_39 = vector.shape_cast %broadcast_in_dim3A_34 : vector<16xf32> to vector<16xf32>
      tpu.vector_store %arg9[%swap3A], %swap3A_39 {strides = array<i32>} : memref<640xf32, #tpu.memory_space<vmem>>, vector<16xf32>,
    }
    %scan3A_4 = arith.constant 40 : i32
    %scan3A_5 = arith.constant 0 : i32
    %scan3A_6 = arith.constant 5 : i32
    %scan3A_7 = arith.addi %scan3A_5, %scan3A_6 : i32
    %scan3A_8 = arith.constant 1 : i32
    scf.for %scan3A_33 = %scan3A_5 to %scan3A_7 step %scan3A_8  : i32 {
      %broadcast_in_dim3A = arith.constant 1.000000e+00 : f32
      %broadcast_in_dim3A_34 = vector.broadcast %broadcast_in_dim3A : f32 to vector<16xf32>
      %mul3A_35 = arith.constant 16 : i32
      %mul3A_36 = arith.muli %scan3A_33, %mul3A_35 : i32
      %swap3A = arith.index_cast %mul3A_36 : i32 to index
      %swap3A_37 = tpu.vector_load %arg8[%swap3A] {strides = array<i32>} : memref<80xf32, #tpu.memory_space<vmem>>, vector<16xf32>,
      %swap3A_38 = vector.shape_cast %swap3A_37 : vector<16xf32> to vector<16xf32>
      %swap3A_39 = vector.shape_cast %broadcast_in_dim3A_34 : vector<16xf32> to vector<16xf32>
      tpu.vector_store %arg8[%swap3A], %swap3A_39 {strides = array<i32>} : memref<80xf32, #tpu.memory_space<vmem>>, vector<16xf32>,
    }
    %scan3A_9 = arith.constant 5 : i32
    "tpu.region"() ({
      %run_scoped3A = tpu.sem_alloc : memref<!tpu.dma_semaphore, #tpu.memory_space<semaphore_mem>>
      %dma_start3A = arith.constant 0 : i32
      %dma_start3A_33 = arith.constant 0 : i32
      %dma_start3A_34 = tpu.memref_slice %arg2[%add3A, %dma_start3A, %dma_start3A_33] : memref<32x125x80xi32, #tpu.memory_space<hbm>> -> memref<1x125x80xi32, #tpu.memory_space<hbm>>
      %dma_start3A_35 = tpu.memref_squeeze %dma_start3A_34 : memref<1x125x80xi32, #tpu.memory_space<hbm>> -> memref<125x80xi32, #tpu.memory_space<hbm>>
      %dma_start3A_36 = arith.constant 0 : i32
      %dma_start3A_37 = arith.constant 0 : i32
      %dma_start3A_38 = tpu.memref_slice %arg2[%add3A, %dma_start3A_36, %dma_start3A_37] : memref<32x125x80xi32, #tpu.memory_space<hbm>> -> memref<1x125x80xi32, #tpu.memory_space<hbm>>
      %dma_start3A_39 = tpu.memref_squeeze %dma_start3A_38 : memref<1x125x80xi32, #tpu.memory_space<hbm>> -> memref<125x80xi32, #tpu.memory_space<hbm>>
      tpu.enqueue_dma source(%dma_start3A_39 : memref<125x80xi32, #tpu.memory_space<hbm>>) target(%arg6 : memref<125x80xi32, #tpu.memory_space<vmem>>) target_semaphore(%run_scoped3A : memref<!tpu.dma_semaphore, #tpu.memory_space<semaphore_mem>>)
      %dma_wait3A = arith.constant 0 : i32
      %dma_wait3A_40 = arith.constant 0 : i32
      %dma_wait3A_41 = tpu.memref_slice %arg2[%add3A, %dma_wait3A, %dma_wait3A_40] : memref<32x125x80xi32, #tpu.memory_space<hbm>> -> memref<1x125x80xi32, #tpu.memory_space<hbm>>
      %dma_wait3A_42 = tpu.memref_squeeze %dma_wait3A_41 : memref<1x125x80xi32, #tpu.memory_space<hbm>> -> memref<125x80xi32, #tpu.memory_space<hbm>>
      %dma_wait3A_43 = arith.constant 0 : i32
      %dma_wait3A_44 = arith.constant 0 : i32
      %dma_wait3A_45 = tpu.memref_slice %arg2[%add3A, %dma_wait3A_43, %dma_wait3A_44] : memref<32x125x80xi32, #tpu.memory_space<hbm>> -> memref<1x125x80xi32, #tpu.memory_space<hbm>>
      %dma_wait3A_46 = tpu.memref_squeeze %dma_wait3A_45 : memref<1x125x80xi32, #tpu.memory_space<hbm>> -> memref<125x80xi32, #tpu.memory_space<hbm>>
      tpu.wait_dma2 semaphore(%run_scoped3A : memref<!tpu.dma_semaphore, #tpu.memory_space<semaphore_mem>>) src(%dma_wait3A_46 : memref<125x80xi32, #tpu.memory_space<hbm>>) dst(%arg6 : memref<125x80xi32, #tpu.memory_space<vmem>>)
      tpu.yield
    }) : () -> ()
    "tpu.region"() ({
      %run_scoped3A = tpu.sem_alloc : memref<!tpu.dma_semaphore, #tpu.memory_space<semaphore_mem>>
      %dma_start3A = arith.constant 0 : i32
      %dma_start3A_33 = arith.constant 0 : i32
      %dma_start3A_34 = tpu.memref_slice %arg3[%add3A, %dma_start3A, %dma_start3A_33] : memref<32x125x80xi32, #tpu.memory_space<hbm>> -> memref<1x125x80xi32, #tpu.memory_space<hbm>>
      %dma_start3A_35 = tpu.memref_squeeze %dma_start3A_34 : memref<1x125x80xi32, #tpu.memory_space<hbm>> -> memref<125x80xi32, #tpu.memory_space<hbm>>
      %dma_start3A_36 = arith.constant 0 : i32
      %dma_start3A_37 = arith.constant 0 : i32
      %dma_start3A_38 = tpu.memref_slice %arg3[%add3A, %dma_start3A_36, %dma_start3A_37] : memref<32x125x80xi32, #tpu.memory_space<hbm>> -> memref<1x125x80xi32, #tpu.memory_space<hbm>>
      %dma_start3A_39 = tpu.memref_squeeze %dma_start3A_38 : memref<1x125x80xi32, #tpu.memory_space<hbm>> -> memref<125x80xi32, #tpu.memory_space<hbm>>
      tpu.enqueue_dma source(%dma_start3A_39 : memref<125x80xi32, #tpu.memory_space<hbm>>) target(%arg7 : memref<125x80xi32, #tpu.memory_space<vmem>>) target_semaphore(%run_scoped3A : memref<!tpu.dma_semaphore, #tpu.memory_space<semaphore_mem>>)
      %dma_wait3A = arith.constant 0 : i32
      %dma_wait3A_40 = arith.constant 0 : i32
      %dma_wait3A_41 = tpu.memref_slice %arg3[%add3A, %dma_wait3A, %dma_wait3A_40] : memref<32x125x80xi32, #tpu.memory_space<hbm>> -> memref<1x125x80xi32, #tpu.memory_space<hbm>>
      %dma_wait3A_42 = tpu.memref_squeeze %dma_wait3A_41 : memref<1x125x80xi32, #tpu.memory_space<hbm>> -> memref<125x80xi32, #tpu.memory_space<hbm>>
      %dma_wait3A_43 = arith.constant 0 : i32
      %dma_wait3A_44 = arith.constant 0 : i32
      %dma_wait3A_45 = tpu.memref_slice %arg3[%add3A, %dma_wait3A_43, %dma_wait3A_44] : memref<32x125x80xi32, #tpu.memory_space<hbm>> -> memref<1x125x80xi32, #tpu.memory_space<hbm>>
      %dma_wait3A_46 = tpu.memref_squeeze %dma_wait3A_45 : memref<1x125x80xi32, #tpu.memory_space<hbm>> -> memref<125x80xi32, #tpu.memory_space<hbm>>
      tpu.wait_dma2 semaphore(%run_scoped3A : memref<!tpu.dma_semaphore, #tpu.memory_space<semaphore_mem>>) src(%dma_wait3A_46 : memref<125x80xi32, #tpu.memory_space<hbm>>) dst(%arg7 : memref<125x80xi32, #tpu.memory_space<vmem>>)
      tpu.yield
    }) : () -> ()
    %mul3A_10 = arith.constant 640 : i32
    %mul3A_11 = arith.muli %arg1, %mul3A_10 : i32
    "tpu.region"() ({
      %run_scoped3A = tpu.sem_alloc : memref<!tpu.dma_semaphore, #tpu.memory_space<semaphore_mem>>
      %dma_start3A = tpu.memref_slice %arg10[%mul3A_11] : memref<10240xf32, #tpu.memory_space<vmem_shared>> -> memref<640xf32, #tpu.memory_space<vmem_shared>>
      %dma_start3A_33 = tpu.memref_slice %arg10[%mul3A_11] : memref<10240xf32, #tpu.memory_space<vmem_shared>> -> memref<640xf32, #tpu.memory_space<vmem_shared>>
      tpu.enqueue_dma source(%arg9 : memref<640xf32, #tpu.memory_space<vmem>>) target(%dma_start3A_33 : memref<640xf32, #tpu.memory_space<vmem_shared>>) target_semaphore(%run_scoped3A : memref<!tpu.dma_semaphore, #tpu.memory_space<semaphore_mem>>)
      %dma_wait3A = tpu.memref_slice %arg10[%mul3A_11] : memref<10240xf32, #tpu.memory_space<vmem_shared>> -> memref<640xf32, #tpu.memory_space<vmem_shared>>
      %dma_wait3A_34 = tpu.memref_slice %arg10[%mul3A_11] : memref<10240xf32, #tpu.memory_space<vmem_shared>> -> memref<640xf32, #tpu.memory_space<vmem_shared>>
      tpu.wait_dma2 semaphore(%run_scoped3A : memref<!tpu.dma_semaphore, #tpu.memory_space<semaphore_mem>>) src(%arg9 : memref<640xf32, #tpu.memory_space<vmem>>) dst(%dma_wait3A_34 : memref<640xf32, #tpu.memory_space<vmem_shared>>)
      tpu.yield
    }) : () -> ()
    %mul3A_12 = arith.constant 640 : i32
    %mul3A_13 = arith.muli %arg1, %mul3A_12 : i32
    "tpu.region"() ({
      %run_scoped3A = tpu.sem_alloc : memref<!tpu.dma_semaphore, #tpu.memory_space<semaphore_mem>>
      %dma_start3A = tpu.memref_slice %arg11[%mul3A_13] : memref<10240xf32, #tpu.memory_space<vmem_shared>> -> memref<640xf32, #tpu.memory_space<vmem_shared>>
      %dma_start3A_33 = tpu.memref_slice %arg11[%mul3A_13] : memref<10240xf32, #tpu.memory_space<vmem_shared>> -> memref<640xf32, #tpu.memory_space<vmem_shared>>
      tpu.enqueue_dma source(%arg9 : memref<640xf32, #tpu.memory_space<vmem>>) target(%dma_start3A_33 : memref<640xf32, #tpu.memory_space<vmem_shared>>) target_semaphore(%run_scoped3A : memref<!tpu.dma_semaphore, #tpu.memory_space<semaphore_mem>>)
      %dma_wait3A = tpu.memref_slice %arg11[%mul3A_13] : memref<10240xf32, #tpu.memory_space<vmem_shared>> -> memref<640xf32, #tpu.memory_space<vmem_shared>>
      %dma_wait3A_34 = tpu.memref_slice %arg11[%mul3A_13] : memref<10240xf32, #tpu.memory_space<vmem_shared>> -> memref<640xf32, #tpu.memory_space<vmem_shared>>
      tpu.wait_dma2 semaphore(%run_scoped3A : memref<!tpu.dma_semaphore, #tpu.memory_space<semaphore_mem>>) src(%arg9 : memref<640xf32, #tpu.memory_space<vmem>>) dst(%dma_wait3A_34 : memref<640xf32, #tpu.memory_space<vmem_shared>>)
      tpu.yield
    }) : () -> ()
    %barrier3A = arith.constant 0 : index
    tpu.barrier barrier_id(%barrier3A)
    %scan3A_14 = arith.constant 0 : i32
    %scan3A_15 = arith.constant 125 : i32
    %scan3A_16 = arith.addi %scan3A_14, %scan3A_15 : i32
    %scan3A_17 = arith.constant 1 : i32
    scf.for %scan3A_33 = %scan3A_14 to %scan3A_16 step %scan3A_17  : i32 {
      %dma_start3A = arith.constant 0 : i32
      %dma_start3A_34 = tpu.memref_slice %arg6[%scan3A_33, %dma_start3A] : memref<125x80xi32, #tpu.memory_space<vmem>> -> memref<1x80xi32, #tpu.memory_space<vmem>>
      %dma_start3A_35 = tpu.memref_squeeze %dma_start3A_34 : memref<1x80xi32, #tpu.memory_space<vmem>> -> memref<80xi32, #tpu.memory_space<vmem>>
      %dma_start3A_36 = arith.constant 0 : i32
      %dma_start3A_37 = tpu.memref_slice %arg10[%dma_start3A_36] : memref<10240xf32, #tpu.memory_space<vmem_shared>> -> memref<10240xf32, #tpu.memory_space<vmem_shared>>
      tpu.enqueue_indirect_dma source(%arg8 : memref<80xf32, #tpu.memory_space<vmem>>) target(%dma_start3A_37 : memref<10240xf32, #tpu.memory_space<vmem_shared>>) offsets(%dma_start3A_35 : memref<80xi32, #tpu.memory_space<vmem>>) semaphore(%arg12 : memref<!tpu.dma_semaphore, #tpu.memory_space<semaphore_mem>>) {add = true}
      %dma_start3A_38 = arith.constant 0 : i32
      %dma_start3A_39 = tpu.memref_slice %arg7[%scan3A_33, %dma_start3A_38] : memref<125x80xi32, #tpu.memory_space<vmem>> -> memref<1x80xi32, #tpu.memory_space<vmem>>
      %dma_start3A_40 = tpu.memref_squeeze %dma_start3A_39 : memref<1x80xi32, #tpu.memory_space<vmem>> -> memref<80xi32, #tpu.memory_space<vmem>>
      %dma_start3A_41 = arith.constant 0 : i32
      %dma_start3A_42 = tpu.memref_slice %arg11[%dma_start3A_41] : memref<10240xf32, #tpu.memory_space<vmem_shared>> -> memref<10240xf32, #tpu.memory_space<vmem_shared>>
      tpu.enqueue_indirect_dma source(%arg8 : memref<80xf32, #tpu.memory_space<vmem>>) target(%dma_start3A_42 : memref<10240xf32, #tpu.memory_space<vmem_shared>>) offsets(%dma_start3A_40 : memref<80xi32, #tpu.memory_space<vmem>>) semaphore(%arg13 : memref<!tpu.dma_semaphore, #tpu.memory_space<semaphore_mem>>) {add = true}
      %ge3A = arith.constant 4 : i32
      %ge3A_43 = arith.cmpi sge, %scan3A_33, %ge3A : i32
      %convert_element_type3A = arith.extui %ge3A_43 : i1 to i32
      %cond3A = arith.constant 0 : i32
      %cond3A_44 = arith.cmpi ne, %convert_element_type3A, %cond3A : i32
      scf.if %cond3A_44 {
        %sub3A = arith.constant 4 : i32
        %sub3A_45 = arith.subi %scan3A_33, %sub3A : i32
        %dma_wait3A = arith.constant 0 : i32
        %dma_wait3A_46 = tpu.memref_slice %arg6[%sub3A_45, %dma_wait3A] : memref<125x80xi32, #tpu.memory_space<vmem>> -> memref<1x80xi32, #tpu.memory_space<vmem>>
        %dma_wait3A_47 = tpu.memref_squeeze %dma_wait3A_46 : memref<1x80xi32, #tpu.memory_space<vmem>> -> memref<80xi32, #tpu.memory_space<vmem>>
        %dma_wait3A_48 = arith.constant 0 : i32
        %dma_wait3A_49 = tpu.memref_slice %arg10[%dma_wait3A_48] : memref<10240xf32, #tpu.memory_space<vmem_shared>> -> memref<10240xf32, #tpu.memory_space<vmem_shared>>
        tpu.wait_indirect_dma semaphore(%arg12 : memref<!tpu.dma_semaphore, #tpu.memory_space<semaphore_mem>>) src(%arg8 : memref<80xf32, #tpu.memory_space<vmem>>) dst(%dma_wait3A_49 : memref<10240xf32, #tpu.memory_space<vmem_shared>>)
        %dma_wait3A_50 = arith.constant 0 : i32
        %dma_wait3A_51 = tpu.memref_slice %arg7[%sub3A_45, %dma_wait3A_50] : memref<125x80xi32, #tpu.memory_space<vmem>> -> memref<1x80xi32, #tpu.memory_space<vmem>>
        %dma_wait3A_52 = tpu.memref_squeeze %dma_wait3A_51 : memref<1x80xi32, #tpu.memory_space<vmem>> -> memref<80xi32, #tpu.memory_space<vmem>>
        %dma_wait3A_53 = arith.constant 0 : i32
        %dma_wait3A_54 = tpu.memref_slice %arg11[%dma_wait3A_53] : memref<10240xf32, #tpu.memory_space<vmem_shared>> -> memref<10240xf32, #tpu.memory_space<vmem_shared>>
        tpu.wait_indirect_dma semaphore(%arg13 : memref<!tpu.dma_semaphore, #tpu.memory_space<semaphore_mem>>) src(%arg8 : memref<80xf32, #tpu.memory_space<vmem>>) dst(%dma_wait3A_54 : memref<10240xf32, #tpu.memory_space<vmem_shared>>)
      } else {
      }
    }
    %scan3A_18 = arith.constant 125 : i32
    %scan3A_19 = arith.constant 0 : i32
    %scan3A_20 = arith.constant 4 : i32
    %scan3A_21 = arith.addi %scan3A_19, %scan3A_20 : i32
    %scan3A_22 = arith.constant 1 : i32
    scf.for %scan3A_33 = %scan3A_19 to %scan3A_21 step %scan3A_22  : i32 {
      %add3A_34 = arith.constant 121 : i32
      %add3A_35 = arith.addi %add3A_34, %scan3A_33 : i32
      %dma_wait3A = arith.constant 0 : i32
      %dma_wait3A_36 = tpu.memref_slice %arg6[%add3A_35, %dma_wait3A] : memref<125x80xi32, #tpu.memory_space<vmem>> -> memref<1x80xi32, #tpu.memory_space<vmem>>
      %dma_wait3A_37 = tpu.memref_squeeze %dma_wait3A_36 : memref<1x80xi32, #tpu.memory_space<vmem>> -> memref<80xi32, #tpu.memory_space<vmem>>
      %dma_wait3A_38 = arith.constant 0 : i32
      %dma_wait3A_39 = tpu.memref_slice %arg10[%dma_wait3A_38] : memref<10240xf32, #tpu.memory_space<vmem_shared>> -> memref<10240xf32, #tpu.memory_space<vmem_shared>>
      tpu.wait_indirect_dma semaphore(%arg12 : memref<!tpu.dma_semaphore, #tpu.memory_space<semaphore_mem>>) src(%arg8 : memref<80xf32, #tpu.memory_space<vmem>>) dst(%dma_wait3A_39 : memref<10240xf32, #tpu.memory_space<vmem_shared>>)
      %dma_wait3A_40 = arith.constant 0 : i32
      %dma_wait3A_41 = tpu.memref_slice %arg7[%add3A_35, %dma_wait3A_40] : memref<125x80xi32, #tpu.memory_space<vmem>> -> memref<1x80xi32, #tpu.memory_space<vmem>>
      %dma_wait3A_42 = tpu.memref_squeeze %dma_wait3A_41 : memref<1x80xi32, #tpu.memory_space<vmem>> -> memref<80xi32, #tpu.memory_space<vmem>>
      %dma_wait3A_43 = arith.constant 0 : i32
      %dma_wait3A_44 = tpu.memref_slice %arg11[%dma_wait3A_43] : memref<10240xf32, #tpu.memory_space<vmem_shared>> -> memref<10240xf32, #tpu.memory_space<vmem_shared>>
      tpu.wait_indirect_dma semaphore(%arg13 : memref<!tpu.dma_semaphore, #tpu.memory_space<semaphore_mem>>) src(%arg8 : memref<80xf32, #tpu.memory_space<vmem>>) dst(%dma_wait3A_44 : memref<10240xf32, #tpu.memory_space<vmem_shared>>)
    }
    %scan3A_23 = arith.constant 4 : i32
    %barrier3A_24 = arith.constant 0 : index
    tpu.barrier barrier_id(%barrier3A_24)
    %mul3A_25 = arith.constant 640 : i32
    %mul3A_26 = arith.muli %arg1, %mul3A_25 : i32
    %mul3A_27 = arith.constant 640 : i32
    %mul3A_28 = arith.muli %arg1, %mul3A_27 : i32
    "tpu.region"() ({
      %run_scoped3A = tpu.sem_alloc : memref<!tpu.dma_semaphore, #tpu.memory_space<semaphore_mem>>
      %dma_start3A = arith.constant 0 : i32
      %dma_start3A_33 = tpu.memref_slice %arg4[%arg0, %dma_start3A] : memref<2x10240xf32, #tpu.memory_space<hbm>> -> memref<1x10240xf32, #tpu.memory_space<hbm>>
      %dma_start3A_34 = tpu.memref_squeeze %dma_start3A_33 : memref<1x10240xf32, #tpu.memory_space<hbm>> -> memref<10240xf32, #tpu.memory_space<hbm>>
      %dma_start3A_35 = tpu.memref_slice %dma_start3A_34[%mul3A_28] : memref<10240xf32, #tpu.memory_space<hbm>> -> memref<640xf32, #tpu.memory_space<hbm>>
      %dma_start3A_36 = tpu.memref_slice %arg10[%mul3A_26] : memref<10240xf32, #tpu.memory_space<vmem_shared>> -> memref<640xf32, #tpu.memory_space<vmem_shared>>
      tpu.enqueue_dma source(%dma_start3A_36 : memref<640xf32, #tpu.memory_space<vmem_shared>>) target(%dma_start3A_35 : memref<640xf32, #tpu.memory_space<hbm>>) target_semaphore(%run_scoped3A : memref<!tpu.dma_semaphore, #tpu.memory_space<semaphore_mem>>)
      %dma_wait3A = arith.constant 0 : i32
      %dma_wait3A_37 = tpu.memref_slice %arg4[%arg0, %dma_wait3A] : memref<2x10240xf32, #tpu.memory_space<hbm>> -> memref<1x10240xf32, #tpu.memory_space<hbm>>
      %dma_wait3A_38 = tpu.memref_squeeze %dma_wait3A_37 : memref<1x10240xf32, #tpu.memory_space<hbm>> -> memref<10240xf32, #tpu.memory_space<hbm>>
      %dma_wait3A_39 = tpu.memref_slice %dma_wait3A_38[%mul3A_28] : memref<10240xf32, #tpu.memory_space<hbm>> -> memref<640xf32, #tpu.memory_space<hbm>>
      %dma_wait3A_40 = tpu.memref_slice %arg10[%mul3A_26] : memref<10240xf32, #tpu.memory_space<vmem_shared>> -> memref<640xf32, #tpu.memory_space<vmem_shared>>
      tpu.wait_dma2 semaphore(%run_scoped3A : memref<!tpu.dma_semaphore, #tpu.memory_space<semaphore_mem>>) src(%dma_wait3A_40 : memref<640xf32, #tpu.memory_space<vmem_shared>>) dst(%dma_wait3A_39 : memref<640xf32, #tpu.memory_space<hbm>>)
      tpu.yield
    }) : () -> ()
    %mul3A_29 = arith.constant 640 : i32
    %mul3A_30 = arith.muli %arg1, %mul3A_29 : i32
    %mul3A_31 = arith.constant 640 : i32
    %mul3A_32 = arith.muli %arg1, %mul3A_31 : i32
    "tpu.region"() ({
      %run_scoped3A = tpu.sem_alloc : memref<!tpu.dma_semaphore, #tpu.memory_space<semaphore_mem>>
      %dma_start3A = arith.constant 0 : i32
      %dma_start3A_33 = tpu.memref_slice %arg5[%arg0, %dma_start3A] : memref<2x10240xf32, #tpu.memory_space<hbm>> -> memref<1x10240xf32, #tpu.memory_space<hbm>>
      %dma_start3A_34 = tpu.memref_squeeze %dma_start3A_33 : memref<1x10240xf32, #tpu.memory_space<hbm>> -> memref<10240xf32, #tpu.memory_space<hbm>>
      %dma_start3A_35 = tpu.memref_slice %dma_start3A_34[%mul3A_32] : memref<10240xf32, #tpu.memory_space<hbm>> -> memref<640xf32, #tpu.memory_space<hbm>>
      %dma_start3A_36 = tpu.memref_slice %arg11[%mul3A_30] : memref<10240xf32, #tpu.memory_space<vmem_shared>> -> memref<640xf32, #tpu.memory_space<vmem_shared>>
      tpu.enqueue_dma source(%dma_start3A_36 : memref<640xf32, #tpu.memory_space<vmem_shared>>) target(%dma_start3A_35 : memref<640xf32, #tpu.memory_space<hbm>>) target_semaphore(%run_scoped3A : memref<!tpu.dma_semaphore, #tpu.memory_space<semaphore_mem>>)
      %dma_wait3A = arith.constant 0 : i32
      %dma_wait3A_37 = tpu.memref_slice %arg5[%arg0, %dma_wait3A] : memref<2x10240xf32, #tpu.memory_space<hbm>> -> memref<1x10240xf32, #tpu.memory_space<hbm>>
      %dma_wait3A_38 = tpu.memref_squeeze %dma_wait3A_37 : memref<1x10240xf32, #tpu.memory_space<hbm>> -> memref<10240xf32, #tpu.memory_space<hbm>>
      %dma_wait3A_39 = tpu.memref_slice %dma_wait3A_38[%mul3A_32] : memref<10240xf32, #tpu.memory_space<hbm>> -> memref<640xf32, #tpu.memory_space<hbm>>
      %dma_wait3A_40 = tpu.memref_slice %arg11[%mul3A_30] : memref<10240xf32, #tpu.memory_space<vmem_shared>> -> memref<640xf32, #tpu.memory_space<vmem_shared>>
      tpu.wait_dma2 semaphore(%run_scoped3A : memref<!tpu.dma_semaphore, #tpu.memory_space<semaphore_mem>>) src(%dma_wait3A_40 : memref<640xf32, #tpu.memory_space<vmem_shared>>) dst(%dma_wait3A_39 : memref<640xf32, #tpu.memory_space<hbm>>)
      tpu.yield
    }) : () -> ()
    return
  }
}

#map = affine_map<(d0, d1) -> (0, 0)>
#map1 = affine_map<(d0, d1) -> (0, 0, 0)>
#map2 = affine_map<(d0, d1) -> (0)>
module attributes {stable_mosaic.version = 14 : i64} {
  func.func @_propagate(%arg0: i32, %arg1: i32, %arg2: memref<10240x128xf32, #tpu.memory_space<hbm>>, %arg3: memref<32x79x128xi32, #tpu.memory_space<hbm>>, %arg4: memref<32x79x128xi32, #tpu.memory_space<hbm>>, %arg5: memref<10240xf32, #tpu.memory_space<hbm>>, %arg6: memref<2x10240x128xf32, #tpu.memory_space<hbm>>, %arg7: memref<2x10240xf32, #tpu.memory_space<hbm>>, %arg8: memref<40x128xi32, #tpu.memory_space<vmem>>, %arg9: memref<40x128xi32, #tpu.memory_space<vmem>>, %arg10: memref<128x128xf32, #tpu.memory_space<vmem>>, %arg11: memref<128x128xf32, #tpu.memory_space<vmem>>, %arg12: memref<128xf32, #tpu.memory_space<vmem>>, %arg13: memref<128xf32, #tpu.memory_space<vmem>>, %arg14: memref<10240x128xf32, #tpu.memory_space<vmem_shared>>, %arg15: memref<10240xf32, #tpu.memory_space<vmem_shared>>, %arg16: memref<10240xf32, #tpu.memory_space<vmem_shared>>, %arg17: memref<!tpu.dma_semaphore, #tpu.memory_space<semaphore_mem>>, %arg18: memref<!tpu.dma_semaphore, #tpu.memory_space<semaphore_mem>>, %arg19: memref<!tpu.dma_semaphore, #tpu.memory_space<semaphore_mem>>, %arg20: memref<!tpu.dma_semaphore, #tpu.memory_space<semaphore_mem>>, %arg21: memref<!tpu.dma_semaphore, #tpu.memory_space<semaphore_mem>>, %arg22: memref<!tpu.dma_semaphore, #tpu.memory_space<semaphore_mem>>, %arg23: memref<!tpu.dma_semaphore, #tpu.memory_space<semaphore_mem>>, %arg24: memref<!tpu.dma_semaphore, #tpu.memory_space<semaphore_mem>>) attributes {dimension_semantics = [#tpu.dimension_semantics<core_parallel>, #tpu.dimension_semantics<subcore_parallel>], iteration_bounds = array<i64: 2, 16>, scalar_prefetch = 0 : i64, scratch_operands = 17 : i64, tpu.core_type = #tpu.core_type<sc_vector_subcore>, window_params = [{transform_indices = #map}, {transform_indices = #map1}, {transform_indices = #map1}, {transform_indices = #map2}, {transform_indices = #map1}, {transform_indices = #map}]} {
    %mul3A = arith.constant 2 : i32
    %mul3A_0 = arith.muli %arg1, %mul3A : i32
    %add3A = arith.addi %mul3A_0, %arg0 : i32
    %scan3A = arith.constant 0 : i32
    %scan3A_1 = arith.constant 1024 : i32
    %scan3A_2 = arith.addi %scan3A, %scan3A_1 : i32
    %scan3A_3 = arith.constant 1 : i32
    scf.for %scan3A_262 = %scan3A to %scan3A_2 step %scan3A_3  : i32 {
      %jit3A = arith.constant 8 : i32
      %div3A = arith.divsi %scan3A_262, %jit3A : i32
      %sign3A = arith.constant 0 : i32
      %sign3A_263 = arith.cmpi sgt, %scan3A_262, %sign3A : i32
      %sign3A_264 = arith.extui %sign3A_263 : i1 to i32
      %sign3A_265 = arith.constant 0 : i32
      %sign3A_266 = arith.cmpi slt, %scan3A_262, %sign3A_265 : i32
      %sign3A_267 = arith.extui %sign3A_266 : i1 to i32
      %sign3A_268 = arith.subi %sign3A_264, %sign3A_267 : i32
      %sign3A_269 = arith.constant 0 : i32
      %sign3A_270 = arith.cmpi sgt, %jit3A, %sign3A_269 : i32
      %sign3A_271 = arith.extui %sign3A_270 : i1 to i32
      %sign3A_272 = arith.constant 0 : i32
      %sign3A_273 = arith.cmpi slt, %jit3A, %sign3A_272 : i32
      %sign3A_274 = arith.extui %sign3A_273 : i1 to i32
      %sign3A_275 = arith.subi %sign3A_271, %sign3A_274 : i32
      %ne3A = arith.cmpi ne, %sign3A_268, %sign3A_275 : i32
      %rem3A = arith.remsi %scan3A_262, %jit3A : i32
      %ne3A_276 = arith.constant 0 : i32
      %ne3A_277 = arith.cmpi ne, %rem3A, %ne3A_276 : i32
      %and3A = arith.andi %ne3A, %ne3A_277 : i1
      %sub3A = arith.constant 1 : i32
      %sub3A_278 = arith.subi %div3A, %sub3A : i32
      %select_n3A = arith.select %and3A, %sub3A_278, %div3A : i32
      %jit3A_279 = arith.constant 8 : i32
      %eq3A_280 = arith.constant 0 : i32
      %eq3A_281 = arith.cmpi eq, %jit3A_279, %eq3A_280 : i32
      %jit3A_282 = arith.constant 1 : i32
      %select_n3A_283 = arith.select %eq3A_281, %jit3A_282, %jit3A_279 : i32
      %rem3A_284 = arith.remsi %scan3A_262, %select_n3A_283 : i32
      %ne3A_285 = arith.constant 0 : i32
      %ne3A_286 = arith.cmpi ne, %rem3A_284, %ne3A_285 : i32
      %lt3A = arith.constant 0 : i32
      %lt3A_287 = arith.cmpi slt, %rem3A_284, %lt3A : i32
      %lt3A_288 = arith.constant 0 : i32
      %lt3A_289 = arith.cmpi slt, %select_n3A_283, %lt3A_288 : i32
      %ne3A_290 = arith.xori %lt3A_287, %lt3A_289 : i1
      %and3A_291 = arith.andi %ne3A_290, %ne3A_286 : i1
      %add3A_292 = arith.addi %rem3A_284, %select_n3A_283 : i32
      %select_n3A_293 = arith.select %and3A_291, %add3A_292, %rem3A_284 : i32
      %broadcast_in_dim3A = arith.constant 0.000000e+00 : f32
      %broadcast_in_dim3A_294 = vector.broadcast %broadcast_in_dim3A : f32 to vector<16xf32>
      %mul3A_295 = arith.constant 16 : i32
      %mul3A_296 = arith.muli %select_n3A_293, %mul3A_295 : i32
      %swap3A = arith.index_cast %select_n3A : i32 to index
      %swap3A_297 = arith.index_cast %mul3A_296 : i32 to index
      %swap3A_298 = tpu.vector_load %arg10[%swap3A, %swap3A_297] {strides = array<i32>} : memref<128x128xf32, #tpu.memory_space<vmem>>, vector<1x16xf32>,
      %swap3A_299 = vector.shape_cast %swap3A_298 : vector<1x16xf32> to vector<16xf32>
      %swap3A_300 = vector.shape_cast %broadcast_in_dim3A_294 : vector<16xf32> to vector<1x16xf32>
      tpu.vector_store %arg10[%swap3A, %swap3A_297], %swap3A_300 {strides = array<i32>} : memref<128x128xf32, #tpu.memory_space<vmem>>, vector<1x16xf32>,
    }
    %scan3A_4 = arith.constant 1024 : i32
    %mul3A_5 = arith.constant 640 : i32
    %mul3A_6 = arith.muli %arg1, %mul3A_5 : i32
    %add3A_7 = arith.constant 0 : i32
    %add3A_8 = arith.addi %mul3A_6, %add3A_7 : i32
    "tpu.region"() ({
      %run_scoped3A_262 = tpu.sem_alloc : memref<!tpu.dma_semaphore, #tpu.memory_space<semaphore_mem>>
      %dma_start3A_263 = arith.constant 0 : i32
      %dma_start3A_264 = tpu.memref_slice %arg14[%add3A_8, %dma_start3A_263] : memref<10240x128xf32, #tpu.memory_space<vmem_shared>> -> memref<128x128xf32, #tpu.memory_space<vmem_shared>>
      %dma_start3A_265 = arith.constant 0 : i32
      %dma_start3A_266 = tpu.memref_slice %arg14[%add3A_8, %dma_start3A_265] : memref<10240x128xf32, #tpu.memory_space<vmem_shared>> -> memref<128x128xf32, #tpu.memory_space<vmem_shared>>
      tpu.enqueue_dma source(%arg10 : memref<128x128xf32, #tpu.memory_space<vmem>>) target(%dma_start3A_266 : memref<128x128xf32, #tpu.memory_space<vmem_shared>>) target_semaphore(%run_scoped3A_262 : memref<!tpu.dma_semaphore, #tpu.memory_space<semaphore_mem>>)
      %dma_wait3A_267 = arith.constant 0 : i32
      %dma_wait3A_268 = tpu.memref_slice %arg14[%add3A_8, %dma_wait3A_267] : memref<10240x128xf32, #tpu.memory_space<vmem_shared>> -> memref<128x128xf32, #tpu.memory_space<vmem_shared>>
      %dma_wait3A_269 = arith.constant 0 : i32
      %dma_wait3A_270 = tpu.memref_slice %arg14[%add3A_8, %dma_wait3A_269] : memref<10240x128xf32, #tpu.memory_space<vmem_shared>> -> memref<128x128xf32, #tpu.memory_space<vmem_shared>>
      tpu.wait_dma2 semaphore(%run_scoped3A_262 : memref<!tpu.dma_semaphore, #tpu.memory_space<semaphore_mem>>) src(%arg10 : memref<128x128xf32, #tpu.memory_space<vmem>>) dst(%dma_wait3A_270 : memref<128x128xf32, #tpu.memory_space<vmem_shared>>)
      tpu.yield
    }) : () -> ()
    %mul3A_9 = arith.constant 640 : i32
    %mul3A_10 = arith.muli %arg1, %mul3A_9 : i32
    %add3A_11 = arith.constant 128 : i32
    %add3A_12 = arith.addi %mul3A_10, %add3A_11 : i32
    "tpu.region"() ({
      %run_scoped3A_262 = tpu.sem_alloc : memref<!tpu.dma_semaphore, #tpu.memory_space<semaphore_mem>>
      %dma_start3A_263 = arith.constant 0 : i32
      %dma_start3A_264 = tpu.memref_slice %arg14[%add3A_12, %dma_start3A_263] : memref<10240x128xf32, #tpu.memory_space<vmem_shared>> -> memref<128x128xf32, #tpu.memory_space<vmem_shared>>
      %dma_start3A_265 = arith.constant 0 : i32
      %dma_start3A_266 = tpu.memref_slice %arg14[%add3A_12, %dma_start3A_265] : memref<10240x128xf32, #tpu.memory_space<vmem_shared>> -> memref<128x128xf32, #tpu.memory_space<vmem_shared>>
      tpu.enqueue_dma source(%arg10 : memref<128x128xf32, #tpu.memory_space<vmem>>) target(%dma_start3A_266 : memref<128x128xf32, #tpu.memory_space<vmem_shared>>) target_semaphore(%run_scoped3A_262 : memref<!tpu.dma_semaphore, #tpu.memory_space<semaphore_mem>>)
      %dma_wait3A_267 = arith.constant 0 : i32
      %dma_wait3A_268 = tpu.memref_slice %arg14[%add3A_12, %dma_wait3A_267] : memref<10240x128xf32, #tpu.memory_space<vmem_shared>> -> memref<128x128xf32, #tpu.memory_space<vmem_shared>>
      %dma_wait3A_269 = arith.constant 0 : i32
      %dma_wait3A_270 = tpu.memref_slice %arg14[%add3A_12, %dma_wait3A_269] : memref<10240x128xf32, #tpu.memory_space<vmem_shared>> -> memref<128x128xf32, #tpu.memory_space<vmem_shared>>
      tpu.wait_dma2 semaphore(%run_scoped3A_262 : memref<!tpu.dma_semaphore, #tpu.memory_space<semaphore_mem>>) src(%arg10 : memref<128x128xf32, #tpu.memory_space<vmem>>) dst(%dma_wait3A_270 : memref<128x128xf32, #tpu.memory_space<vmem_shared>>)
      tpu.yield
    }) : () -> ()
    %mul3A_13 = arith.constant 640 : i32
    %mul3A_14 = arith.muli %arg1, %mul3A_13 : i32
    %add3A_15 = arith.constant 256 : i32
    %add3A_16 = arith.addi %mul3A_14, %add3A_15 : i32
    "tpu.region"() ({
      %run_scoped3A_262 = tpu.sem_alloc : memref<!tpu.dma_semaphore, #tpu.memory_space<semaphore_mem>>
      %dma_start3A_263 = arith.constant 0 : i32
      %dma_start3A_264 = tpu.memref_slice %arg14[%add3A_16, %dma_start3A_263] : memref<10240x128xf32, #tpu.memory_space<vmem_shared>> -> memref<128x128xf32, #tpu.memory_space<vmem_shared>>
      %dma_start3A_265 = arith.constant 0 : i32
      %dma_start3A_266 = tpu.memref_slice %arg14[%add3A_16, %dma_start3A_265] : memref<10240x128xf32, #tpu.memory_space<vmem_shared>> -> memref<128x128xf32, #tpu.memory_space<vmem_shared>>
      tpu.enqueue_dma source(%arg10 : memref<128x128xf32, #tpu.memory_space<vmem>>) target(%dma_start3A_266 : memref<128x128xf32, #tpu.memory_space<vmem_shared>>) target_semaphore(%run_scoped3A_262 : memref<!tpu.dma_semaphore, #tpu.memory_space<semaphore_mem>>)
      %dma_wait3A_267 = arith.constant 0 : i32
      %dma_wait3A_268 = tpu.memref_slice %arg14[%add3A_16, %dma_wait3A_267] : memref<10240x128xf32, #tpu.memory_space<vmem_shared>> -> memref<128x128xf32, #tpu.memory_space<vmem_shared>>
      %dma_wait3A_269 = arith.constant 0 : i32
      %dma_wait3A_270 = tpu.memref_slice %arg14[%add3A_16, %dma_wait3A_269] : memref<10240x128xf32, #tpu.memory_space<vmem_shared>> -> memref<128x128xf32, #tpu.memory_space<vmem_shared>>
      tpu.wait_dma2 semaphore(%run_scoped3A_262 : memref<!tpu.dma_semaphore, #tpu.memory_space<semaphore_mem>>) src(%arg10 : memref<128x128xf32, #tpu.memory_space<vmem>>) dst(%dma_wait3A_270 : memref<128x128xf32, #tpu.memory_space<vmem_shared>>)
      tpu.yield
    }) : () -> ()
    %mul3A_17 = arith.constant 640 : i32
    %mul3A_18 = arith.muli %arg1, %mul3A_17 : i32
    %add3A_19 = arith.constant 384 : i32
    %add3A_20 = arith.addi %mul3A_18, %add3A_19 : i32
    "tpu.region"() ({
      %run_scoped3A_262 = tpu.sem_alloc : memref<!tpu.dma_semaphore, #tpu.memory_space<semaphore_mem>>
      %dma_start3A_263 = arith.constant 0 : i32
      %dma_start3A_264 = tpu.memref_slice %arg14[%add3A_20, %dma_start3A_263] : memref<10240x128xf32, #tpu.memory_space<vmem_shared>> -> memref<128x128xf32, #tpu.memory_space<vmem_shared>>
      %dma_start3A_265 = arith.constant 0 : i32
      %dma_start3A_266 = tpu.memref_slice %arg14[%add3A_20, %dma_start3A_265] : memref<10240x128xf32, #tpu.memory_space<vmem_shared>> -> memref<128x128xf32, #tpu.memory_space<vmem_shared>>
      tpu.enqueue_dma source(%arg10 : memref<128x128xf32, #tpu.memory_space<vmem>>) target(%dma_start3A_266 : memref<128x128xf32, #tpu.memory_space<vmem_shared>>) target_semaphore(%run_scoped3A_262 : memref<!tpu.dma_semaphore, #tpu.memory_space<semaphore_mem>>)
      %dma_wait3A_267 = arith.constant 0 : i32
      %dma_wait3A_268 = tpu.memref_slice %arg14[%add3A_20, %dma_wait3A_267] : memref<10240x128xf32, #tpu.memory_space<vmem_shared>> -> memref<128x128xf32, #tpu.memory_space<vmem_shared>>
      %dma_wait3A_269 = arith.constant 0 : i32
      %dma_wait3A_270 = tpu.memref_slice %arg14[%add3A_20, %dma_wait3A_269] : memref<10240x128xf32, #tpu.memory_space<vmem_shared>> -> memref<128x128xf32, #tpu.memory_space<vmem_shared>>
      tpu.wait_dma2 semaphore(%run_scoped3A_262 : memref<!tpu.dma_semaphore, #tpu.memory_space<semaphore_mem>>) src(%arg10 : memref<128x128xf32, #tpu.memory_space<vmem>>) dst(%dma_wait3A_270 : memref<128x128xf32, #tpu.memory_space<vmem_shared>>)
      tpu.yield
    }) : () -> ()
    %mul3A_21 = arith.constant 640 : i32
    %mul3A_22 = arith.muli %arg1, %mul3A_21 : i32
    %add3A_23 = arith.constant 512 : i32
    %add3A_24 = arith.addi %mul3A_22, %add3A_23 : i32
    "tpu.region"() ({
      %run_scoped3A_262 = tpu.sem_alloc : memref<!tpu.dma_semaphore, #tpu.memory_space<semaphore_mem>>
      %dma_start3A_263 = arith.constant 0 : i32
      %dma_start3A_264 = tpu.memref_slice %arg14[%add3A_24, %dma_start3A_263] : memref<10240x128xf32, #tpu.memory_space<vmem_shared>> -> memref<128x128xf32, #tpu.memory_space<vmem_shared>>
      %dma_start3A_265 = arith.constant 0 : i32
      %dma_start3A_266 = tpu.memref_slice %arg14[%add3A_24, %dma_start3A_265] : memref<10240x128xf32, #tpu.memory_space<vmem_shared>> -> memref<128x128xf32, #tpu.memory_space<vmem_shared>>
      tpu.enqueue_dma source(%arg10 : memref<128x128xf32, #tpu.memory_space<vmem>>) target(%dma_start3A_266 : memref<128x128xf32, #tpu.memory_space<vmem_shared>>) target_semaphore(%run_scoped3A_262 : memref<!tpu.dma_semaphore, #tpu.memory_space<semaphore_mem>>)
      %dma_wait3A_267 = arith.constant 0 : i32
      %dma_wait3A_268 = tpu.memref_slice %arg14[%add3A_24, %dma_wait3A_267] : memref<10240x128xf32, #tpu.memory_space<vmem_shared>> -> memref<128x128xf32, #tpu.memory_space<vmem_shared>>
      %dma_wait3A_269 = arith.constant 0 : i32
      %dma_wait3A_270 = tpu.memref_slice %arg14[%add3A_24, %dma_wait3A_269] : memref<10240x128xf32, #tpu.memory_space<vmem_shared>> -> memref<128x128xf32, #tpu.memory_space<vmem_shared>>
      tpu.wait_dma2 semaphore(%run_scoped3A_262 : memref<!tpu.dma_semaphore, #tpu.memory_space<semaphore_mem>>) src(%arg10 : memref<128x128xf32, #tpu.memory_space<vmem>>) dst(%dma_wait3A_270 : memref<128x128xf32, #tpu.memory_space<vmem_shared>>)
      tpu.yield
    }) : () -> ()
    %mul3A_25 = arith.constant 640 : i32
    %mul3A_26 = arith.muli %arg1, %mul3A_25 : i32
    %add3A_27 = arith.constant 0 : i32
    %add3A_28 = arith.addi %mul3A_26, %add3A_27 : i32
    %run_scoped3A = arith.constant 0 : i32
    "tpu.region"() ({
      %run_scoped3A_262 = tpu.sem_alloc : memref<!tpu.dma_semaphore, #tpu.memory_space<semaphore_mem>>
      %dma_start3A_263 = arith.constant 0 : i32
      %dma_start3A_264 = tpu.memref_slice %arg10[%run_scoped3A, %dma_start3A_263] : memref<128x128xf32, #tpu.memory_space<vmem>> -> memref<1x128xf32, #tpu.memory_space<vmem>>
      %dma_start3A_265 = tpu.memref_squeeze %dma_start3A_264 : memref<1x128xf32, #tpu.memory_space<vmem>> -> memref<128xf32, #tpu.memory_space<vmem>>
      %dma_start3A_266 = tpu.memref_slice %arg15[%add3A_28] : memref<10240xf32, #tpu.memory_space<vmem_shared>> -> memref<128xf32, #tpu.memory_space<vmem_shared>>
      %dma_start3A_267 = tpu.memref_slice %arg15[%add3A_28] : memref<10240xf32, #tpu.memory_space<vmem_shared>> -> memref<128xf32, #tpu.memory_space<vmem_shared>>
      %dma_start3A_268 = arith.constant 0 : i32
      %dma_start3A_269 = tpu.memref_slice %arg10[%run_scoped3A, %dma_start3A_268] : memref<128x128xf32, #tpu.memory_space<vmem>> -> memref<1x128xf32, #tpu.memory_space<vmem>>
      %dma_start3A_270 = tpu.memref_squeeze %dma_start3A_269 : memref<1x128xf32, #tpu.memory_space<vmem>> -> memref<128xf32, #tpu.memory_space<vmem>>
      tpu.enqueue_dma source(%dma_start3A_270 : memref<128xf32, #tpu.memory_space<vmem>>) target(%dma_start3A_267 : memref<128xf32, #tpu.memory_space<vmem_shared>>) target_semaphore(%run_scoped3A_262 : memref<!tpu.dma_semaphore, #tpu.memory_space<semaphore_mem>>)
      %dma_wait3A_271 = arith.constant 0 : i32
      %dma_wait3A_272 = tpu.memref_slice %arg10[%run_scoped3A, %dma_wait3A_271] : memref<128x128xf32, #tpu.memory_space<vmem>> -> memref<1x128xf32, #tpu.memory_space<vmem>>
      %dma_wait3A_273 = tpu.memref_squeeze %dma_wait3A_272 : memref<1x128xf32, #tpu.memory_space<vmem>> -> memref<128xf32, #tpu.memory_space<vmem>>
      %dma_wait3A_274 = tpu.memref_slice %arg15[%add3A_28] : memref<10240xf32, #tpu.memory_space<vmem_shared>> -> memref<128xf32, #tpu.memory_space<vmem_shared>>
      %dma_wait3A_275 = tpu.memref_slice %arg15[%add3A_28] : memref<10240xf32, #tpu.memory_space<vmem_shared>> -> memref<128xf32, #tpu.memory_space<vmem_shared>>
      %dma_wait3A_276 = arith.constant 0 : i32
      %dma_wait3A_277 = tpu.memref_slice %arg10[%run_scoped3A, %dma_wait3A_276] : memref<128x128xf32, #tpu.memory_space<vmem>> -> memref<1x128xf32, #tpu.memory_space<vmem>>
      %dma_wait3A_278 = tpu.memref_squeeze %dma_wait3A_277 : memref<1x128xf32, #tpu.memory_space<vmem>> -> memref<128xf32, #tpu.memory_space<vmem>>
      tpu.wait_dma2 semaphore(%run_scoped3A_262 : memref<!tpu.dma_semaphore, #tpu.memory_space<semaphore_mem>>) src(%dma_wait3A_278 : memref<128xf32, #tpu.memory_space<vmem>>) dst(%dma_wait3A_275 : memref<128xf32, #tpu.memory_space<vmem_shared>>)
      tpu.yield
    }) : () -> ()
    %mul3A_29 = arith.constant 640 : i32
    %mul3A_30 = arith.muli %arg1, %mul3A_29 : i32
    %add3A_31 = arith.constant 128 : i32
    %add3A_32 = arith.addi %mul3A_30, %add3A_31 : i32
    %run_scoped3A_33 = arith.constant 0 : i32
    "tpu.region"() ({
      %run_scoped3A_262 = tpu.sem_alloc : memref<!tpu.dma_semaphore, #tpu.memory_space<semaphore_mem>>
      %dma_start3A_263 = arith.constant 0 : i32
      %dma_start3A_264 = tpu.memref_slice %arg10[%run_scoped3A_33, %dma_start3A_263] : memref<128x128xf32, #tpu.memory_space<vmem>> -> memref<1x128xf32, #tpu.memory_space<vmem>>
      %dma_start3A_265 = tpu.memref_squeeze %dma_start3A_264 : memref<1x128xf32, #tpu.memory_space<vmem>> -> memref<128xf32, #tpu.memory_space<vmem>>
      %dma_start3A_266 = tpu.memref_slice %arg15[%add3A_32] : memref<10240xf32, #tpu.memory_space<vmem_shared>> -> memref<128xf32, #tpu.memory_space<vmem_shared>>
      %dma_start3A_267 = tpu.memref_slice %arg15[%add3A_32] : memref<10240xf32, #tpu.memory_space<vmem_shared>> -> memref<128xf32, #tpu.memory_space<vmem_shared>>
      %dma_start3A_268 = arith.constant 0 : i32
      %dma_start3A_269 = tpu.memref_slice %arg10[%run_scoped3A_33, %dma_start3A_268] : memref<128x128xf32, #tpu.memory_space<vmem>> -> memref<1x128xf32, #tpu.memory_space<vmem>>
      %dma_start3A_270 = tpu.memref_squeeze %dma_start3A_269 : memref<1x128xf32, #tpu.memory_space<vmem>> -> memref<128xf32, #tpu.memory_space<vmem>>
      tpu.enqueue_dma source(%dma_start3A_270 : memref<128xf32, #tpu.memory_space<vmem>>) target(%dma_start3A_267 : memref<128xf32, #tpu.memory_space<vmem_shared>>) target_semaphore(%run_scoped3A_262 : memref<!tpu.dma_semaphore, #tpu.memory_space<semaphore_mem>>)
      %dma_wait3A_271 = arith.constant 0 : i32
      %dma_wait3A_272 = tpu.memref_slice %arg10[%run_scoped3A_33, %dma_wait3A_271] : memref<128x128xf32, #tpu.memory_space<vmem>> -> memref<1x128xf32, #tpu.memory_space<vmem>>
      %dma_wait3A_273 = tpu.memref_squeeze %dma_wait3A_272 : memref<1x128xf32, #tpu.memory_space<vmem>> -> memref<128xf32, #tpu.memory_space<vmem>>
      %dma_wait3A_274 = tpu.memref_slice %arg15[%add3A_32] : memref<10240xf32, #tpu.memory_space<vmem_shared>> -> memref<128xf32, #tpu.memory_space<vmem_shared>>
      %dma_wait3A_275 = tpu.memref_slice %arg15[%add3A_32] : memref<10240xf32, #tpu.memory_space<vmem_shared>> -> memref<128xf32, #tpu.memory_space<vmem_shared>>
      %dma_wait3A_276 = arith.constant 0 : i32
      %dma_wait3A_277 = tpu.memref_slice %arg10[%run_scoped3A_33, %dma_wait3A_276] : memref<128x128xf32, #tpu.memory_space<vmem>> -> memref<1x128xf32, #tpu.memory_space<vmem>>
      %dma_wait3A_278 = tpu.memref_squeeze %dma_wait3A_277 : memref<1x128xf32, #tpu.memory_space<vmem>> -> memref<128xf32, #tpu.memory_space<vmem>>
      tpu.wait_dma2 semaphore(%run_scoped3A_262 : memref<!tpu.dma_semaphore, #tpu.memory_space<semaphore_mem>>) src(%dma_wait3A_278 : memref<128xf32, #tpu.memory_space<vmem>>) dst(%dma_wait3A_275 : memref<128xf32, #tpu.memory_space<vmem_shared>>)
      tpu.yield
    }) : () -> ()
    %mul3A_34 = arith.constant 640 : i32
    %mul3A_35 = arith.muli %arg1, %mul3A_34 : i32
    %add3A_36 = arith.constant 256 : i32
    %add3A_37 = arith.addi %mul3A_35, %add3A_36 : i32
    %run_scoped3A_38 = arith.constant 0 : i32
    "tpu.region"() ({
      %run_scoped3A_262 = tpu.sem_alloc : memref<!tpu.dma_semaphore, #tpu.memory_space<semaphore_mem>>
      %dma_start3A_263 = arith.constant 0 : i32
      %dma_start3A_264 = tpu.memref_slice %arg10[%run_scoped3A_38, %dma_start3A_263] : memref<128x128xf32, #tpu.memory_space<vmem>> -> memref<1x128xf32, #tpu.memory_space<vmem>>
      %dma_start3A_265 = tpu.memref_squeeze %dma_start3A_264 : memref<1x128xf32, #tpu.memory_space<vmem>> -> memref<128xf32, #tpu.memory_space<vmem>>
      %dma_start3A_266 = tpu.memref_slice %arg15[%add3A_37] : memref<10240xf32, #tpu.memory_space<vmem_shared>> -> memref<128xf32, #tpu.memory_space<vmem_shared>>
      %dma_start3A_267 = tpu.memref_slice %arg15[%add3A_37] : memref<10240xf32, #tpu.memory_space<vmem_shared>> -> memref<128xf32, #tpu.memory_space<vmem_shared>>
      %dma_start3A_268 = arith.constant 0 : i32
      %dma_start3A_269 = tpu.memref_slice %arg10[%run_scoped3A_38, %dma_start3A_268] : memref<128x128xf32, #tpu.memory_space<vmem>> -> memref<1x128xf32, #tpu.memory_space<vmem>>
      %dma_start3A_270 = tpu.memref_squeeze %dma_start3A_269 : memref<1x128xf32, #tpu.memory_space<vmem>> -> memref<128xf32, #tpu.memory_space<vmem>>
      tpu.enqueue_dma source(%dma_start3A_270 : memref<128xf32, #tpu.memory_space<vmem>>) target(%dma_start3A_267 : memref<128xf32, #tpu.memory_space<vmem_shared>>) target_semaphore(%run_scoped3A_262 : memref<!tpu.dma_semaphore, #tpu.memory_space<semaphore_mem>>)
      %dma_wait3A_271 = arith.constant 0 : i32
      %dma_wait3A_272 = tpu.memref_slice %arg10[%run_scoped3A_38, %dma_wait3A_271] : memref<128x128xf32, #tpu.memory_space<vmem>> -> memref<1x128xf32, #tpu.memory_space<vmem>>
      %dma_wait3A_273 = tpu.memref_squeeze %dma_wait3A_272 : memref<1x128xf32, #tpu.memory_space<vmem>> -> memref<128xf32, #tpu.memory_space<vmem>>
      %dma_wait3A_274 = tpu.memref_slice %arg15[%add3A_37] : memref<10240xf32, #tpu.memory_space<vmem_shared>> -> memref<128xf32, #tpu.memory_space<vmem_shared>>
      %dma_wait3A_275 = tpu.memref_slice %arg15[%add3A_37] : memref<10240xf32, #tpu.memory_space<vmem_shared>> -> memref<128xf32, #tpu.memory_space<vmem_shared>>
      %dma_wait3A_276 = arith.constant 0 : i32
      %dma_wait3A_277 = tpu.memref_slice %arg10[%run_scoped3A_38, %dma_wait3A_276] : memref<128x128xf32, #tpu.memory_space<vmem>> -> memref<1x128xf32, #tpu.memory_space<vmem>>
      %dma_wait3A_278 = tpu.memref_squeeze %dma_wait3A_277 : memref<1x128xf32, #tpu.memory_space<vmem>> -> memref<128xf32, #tpu.memory_space<vmem>>
      tpu.wait_dma2 semaphore(%run_scoped3A_262 : memref<!tpu.dma_semaphore, #tpu.memory_space<semaphore_mem>>) src(%dma_wait3A_278 : memref<128xf32, #tpu.memory_space<vmem>>) dst(%dma_wait3A_275 : memref<128xf32, #tpu.memory_space<vmem_shared>>)
      tpu.yield
    }) : () -> ()
    %mul3A_39 = arith.constant 640 : i32
    %mul3A_40 = arith.muli %arg1, %mul3A_39 : i32
    %add3A_41 = arith.constant 384 : i32
    %add3A_42 = arith.addi %mul3A_40, %add3A_41 : i32
    %run_scoped3A_43 = arith.constant 0 : i32
    "tpu.region"() ({
      %run_scoped3A_262 = tpu.sem_alloc : memref<!tpu.dma_semaphore, #tpu.memory_space<semaphore_mem>>
      %dma_start3A_263 = arith.constant 0 : i32
      %dma_start3A_264 = tpu.memref_slice %arg10[%run_scoped3A_43, %dma_start3A_263] : memref<128x128xf32, #tpu.memory_space<vmem>> -> memref<1x128xf32, #tpu.memory_space<vmem>>
      %dma_start3A_265 = tpu.memref_squeeze %dma_start3A_264 : memref<1x128xf32, #tpu.memory_space<vmem>> -> memref<128xf32, #tpu.memory_space<vmem>>
      %dma_start3A_266 = tpu.memref_slice %arg15[%add3A_42] : memref<10240xf32, #tpu.memory_space<vmem_shared>> -> memref<128xf32, #tpu.memory_space<vmem_shared>>
      %dma_start3A_267 = tpu.memref_slice %arg15[%add3A_42] : memref<10240xf32, #tpu.memory_space<vmem_shared>> -> memref<128xf32, #tpu.memory_space<vmem_shared>>
      %dma_start3A_268 = arith.constant 0 : i32
      %dma_start3A_269 = tpu.memref_slice %arg10[%run_scoped3A_43, %dma_start3A_268] : memref<128x128xf32, #tpu.memory_space<vmem>> -> memref<1x128xf32, #tpu.memory_space<vmem>>
      %dma_start3A_270 = tpu.memref_squeeze %dma_start3A_269 : memref<1x128xf32, #tpu.memory_space<vmem>> -> memref<128xf32, #tpu.memory_space<vmem>>
      tpu.enqueue_dma source(%dma_start3A_270 : memref<128xf32, #tpu.memory_space<vmem>>) target(%dma_start3A_267 : memref<128xf32, #tpu.memory_space<vmem_shared>>) target_semaphore(%run_scoped3A_262 : memref<!tpu.dma_semaphore, #tpu.memory_space<semaphore_mem>>)
      %dma_wait3A_271 = arith.constant 0 : i32
      %dma_wait3A_272 = tpu.memref_slice %arg10[%run_scoped3A_43, %dma_wait3A_271] : memref<128x128xf32, #tpu.memory_space<vmem>> -> memref<1x128xf32, #tpu.memory_space<vmem>>
      %dma_wait3A_273 = tpu.memref_squeeze %dma_wait3A_272 : memref<1x128xf32, #tpu.memory_space<vmem>> -> memref<128xf32, #tpu.memory_space<vmem>>
      %dma_wait3A_274 = tpu.memref_slice %arg15[%add3A_42] : memref<10240xf32, #tpu.memory_space<vmem_shared>> -> memref<128xf32, #tpu.memory_space<vmem_shared>>
      %dma_wait3A_275 = tpu.memref_slice %arg15[%add3A_42] : memref<10240xf32, #tpu.memory_space<vmem_shared>> -> memref<128xf32, #tpu.memory_space<vmem_shared>>
      %dma_wait3A_276 = arith.constant 0 : i32
      %dma_wait3A_277 = tpu.memref_slice %arg10[%run_scoped3A_43, %dma_wait3A_276] : memref<128x128xf32, #tpu.memory_space<vmem>> -> memref<1x128xf32, #tpu.memory_space<vmem>>
      %dma_wait3A_278 = tpu.memref_squeeze %dma_wait3A_277 : memref<1x128xf32, #tpu.memory_space<vmem>> -> memref<128xf32, #tpu.memory_space<vmem>>
      tpu.wait_dma2 semaphore(%run_scoped3A_262 : memref<!tpu.dma_semaphore, #tpu.memory_space<semaphore_mem>>) src(%dma_wait3A_278 : memref<128xf32, #tpu.memory_space<vmem>>) dst(%dma_wait3A_275 : memref<128xf32, #tpu.memory_space<vmem_shared>>)
      tpu.yield
    }) : () -> ()
    %mul3A_44 = arith.constant 640 : i32
    %mul3A_45 = arith.muli %arg1, %mul3A_44 : i32
    %add3A_46 = arith.constant 512 : i32
    %add3A_47 = arith.addi %mul3A_45, %add3A_46 : i32
    %run_scoped3A_48 = arith.constant 0 : i32
    "tpu.region"() ({
      %run_scoped3A_262 = tpu.sem_alloc : memref<!tpu.dma_semaphore, #tpu.memory_space<semaphore_mem>>
      %dma_start3A_263 = arith.constant 0 : i32
      %dma_start3A_264 = tpu.memref_slice %arg10[%run_scoped3A_48, %dma_start3A_263] : memref<128x128xf32, #tpu.memory_space<vmem>> -> memref<1x128xf32, #tpu.memory_space<vmem>>
      %dma_start3A_265 = tpu.memref_squeeze %dma_start3A_264 : memref<1x128xf32, #tpu.memory_space<vmem>> -> memref<128xf32, #tpu.memory_space<vmem>>
      %dma_start3A_266 = tpu.memref_slice %arg15[%add3A_47] : memref<10240xf32, #tpu.memory_space<vmem_shared>> -> memref<128xf32, #tpu.memory_space<vmem_shared>>
      %dma_start3A_267 = tpu.memref_slice %arg15[%add3A_47] : memref<10240xf32, #tpu.memory_space<vmem_shared>> -> memref<128xf32, #tpu.memory_space<vmem_shared>>
      %dma_start3A_268 = arith.constant 0 : i32
      %dma_start3A_269 = tpu.memref_slice %arg10[%run_scoped3A_48, %dma_start3A_268] : memref<128x128xf32, #tpu.memory_space<vmem>> -> memref<1x128xf32, #tpu.memory_space<vmem>>
      %dma_start3A_270 = tpu.memref_squeeze %dma_start3A_269 : memref<1x128xf32, #tpu.memory_space<vmem>> -> memref<128xf32, #tpu.memory_space<vmem>>
      tpu.enqueue_dma source(%dma_start3A_270 : memref<128xf32, #tpu.memory_space<vmem>>) target(%dma_start3A_267 : memref<128xf32, #tpu.memory_space<vmem_shared>>) target_semaphore(%run_scoped3A_262 : memref<!tpu.dma_semaphore, #tpu.memory_space<semaphore_mem>>)
      %dma_wait3A_271 = arith.constant 0 : i32
      %dma_wait3A_272 = tpu.memref_slice %arg10[%run_scoped3A_48, %dma_wait3A_271] : memref<128x128xf32, #tpu.memory_space<vmem>> -> memref<1x128xf32, #tpu.memory_space<vmem>>
      %dma_wait3A_273 = tpu.memref_squeeze %dma_wait3A_272 : memref<1x128xf32, #tpu.memory_space<vmem>> -> memref<128xf32, #tpu.memory_space<vmem>>
      %dma_wait3A_274 = tpu.memref_slice %arg15[%add3A_47] : memref<10240xf32, #tpu.memory_space<vmem_shared>> -> memref<128xf32, #tpu.memory_space<vmem_shared>>
      %dma_wait3A_275 = tpu.memref_slice %arg15[%add3A_47] : memref<10240xf32, #tpu.memory_space<vmem_shared>> -> memref<128xf32, #tpu.memory_space<vmem_shared>>
      %dma_wait3A_276 = arith.constant 0 : i32
      %dma_wait3A_277 = tpu.memref_slice %arg10[%run_scoped3A_48, %dma_wait3A_276] : memref<128x128xf32, #tpu.memory_space<vmem>> -> memref<1x128xf32, #tpu.memory_space<vmem>>
      %dma_wait3A_278 = tpu.memref_squeeze %dma_wait3A_277 : memref<1x128xf32, #tpu.memory_space<vmem>> -> memref<128xf32, #tpu.memory_space<vmem>>
      tpu.wait_dma2 semaphore(%run_scoped3A_262 : memref<!tpu.dma_semaphore, #tpu.memory_space<semaphore_mem>>) src(%dma_wait3A_278 : memref<128xf32, #tpu.memory_space<vmem>>) dst(%dma_wait3A_275 : memref<128xf32, #tpu.memory_space<vmem_shared>>)
      tpu.yield
    }) : () -> ()
    %eq3A = arith.constant 0 : i32
    %eq3A_49 = arith.cmpi eq, %arg1, %eq3A : i32
    %convert_element_type3A = arith.extui %eq3A_49 : i1 to i32
    %cond3A = arith.constant 0 : i32
    %cond3A_50 = arith.cmpi ne, %convert_element_type3A, %cond3A : i32
    scf.if %cond3A_50 {
      "tpu.region"() ({
        %run_scoped3A_262 = tpu.sem_alloc : memref<!tpu.dma_semaphore, #tpu.memory_space<semaphore_mem>>
        tpu.enqueue_dma source(%arg5 : memref<10240xf32, #tpu.memory_space<hbm>>) target(%arg16 : memref<10240xf32, #tpu.memory_space<vmem_shared>>) target_semaphore(%run_scoped3A_262 : memref<!tpu.dma_semaphore, #tpu.memory_space<semaphore_mem>>)
        tpu.wait_dma2 semaphore(%run_scoped3A_262 : memref<!tpu.dma_semaphore, #tpu.memory_space<semaphore_mem>>) src(%arg5 : memref<10240xf32, #tpu.memory_space<hbm>>) dst(%arg16 : memref<10240xf32, #tpu.memory_space<vmem_shared>>)
        tpu.yield
      }) : () -> ()
    } else {
    }
    %barrier3A = arith.constant 0 : index
    tpu.barrier barrier_id(%barrier3A)
    "tpu.region"() ({
      %run_scoped3A_262 = tpu.sem_alloc : memref<!tpu.dma_semaphore, #tpu.memory_space<semaphore_mem>>
      %dma_start3A_263 = arith.constant 0 : i32
      %dma_start3A_264 = arith.constant 0 : i32
      %dma_start3A_265 = tpu.memref_slice %arg8[%dma_start3A_263, %dma_start3A_264] : memref<40x128xi32, #tpu.memory_space<vmem>> -> memref<40x128xi32, #tpu.memory_space<vmem>>
      %dma_start3A_266 = arith.constant 0 : i32
      %dma_start3A_267 = arith.constant 0 : i32
      %dma_start3A_268 = tpu.memref_slice %arg3[%add3A, %dma_start3A_266, %dma_start3A_267] : memref<32x79x128xi32, #tpu.memory_space<hbm>> -> memref<1x79x128xi32, #tpu.memory_space<hbm>>
      %dma_start3A_269 = tpu.memref_squeeze %dma_start3A_268 : memref<1x79x128xi32, #tpu.memory_space<hbm>> -> memref<79x128xi32, #tpu.memory_space<hbm>>
      %dma_start3A_270 = arith.constant 0 : i32
      %dma_start3A_271 = arith.constant 0 : i32
      %dma_start3A_272 = tpu.memref_slice %dma_start3A_269[%dma_start3A_270, %dma_start3A_271] : memref<79x128xi32, #tpu.memory_space<hbm>> -> memref<40x128xi32, #tpu.memory_space<hbm>>
      %dma_start3A_273 = arith.constant 0 : i32
      %dma_start3A_274 = arith.constant 0 : i32
      %dma_start3A_275 = tpu.memref_slice %arg8[%dma_start3A_273, %dma_start3A_274] : memref<40x128xi32, #tpu.memory_space<vmem>> -> memref<40x128xi32, #tpu.memory_space<vmem>>
      %dma_start3A_276 = arith.constant 0 : i32
      %dma_start3A_277 = arith.constant 0 : i32
      %dma_start3A_278 = tpu.memref_slice %arg3[%add3A, %dma_start3A_276, %dma_start3A_277] : memref<32x79x128xi32, #tpu.memory_space<hbm>> -> memref<1x79x128xi32, #tpu.memory_space<hbm>>
      %dma_start3A_279 = tpu.memref_squeeze %dma_start3A_278 : memref<1x79x128xi32, #tpu.memory_space<hbm>> -> memref<79x128xi32, #tpu.memory_space<hbm>>
      %dma_start3A_280 = arith.constant 0 : i32
      %dma_start3A_281 = arith.constant 0 : i32
      %dma_start3A_282 = tpu.memref_slice %dma_start3A_279[%dma_start3A_280, %dma_start3A_281] : memref<79x128xi32, #tpu.memory_space<hbm>> -> memref<40x128xi32, #tpu.memory_space<hbm>>
      tpu.enqueue_dma source(%dma_start3A_282 : memref<40x128xi32, #tpu.memory_space<hbm>>) target(%dma_start3A_275 : memref<40x128xi32, #tpu.memory_space<vmem>>) target_semaphore(%run_scoped3A_262 : memref<!tpu.dma_semaphore, #tpu.memory_space<semaphore_mem>>)
      %dma_wait3A_283 = arith.constant 0 : i32
      %dma_wait3A_284 = arith.constant 0 : i32
      %dma_wait3A_285 = tpu.memref_slice %arg8[%dma_wait3A_283, %dma_wait3A_284] : memref<40x128xi32, #tpu.memory_space<vmem>> -> memref<40x128xi32, #tpu.memory_space<vmem>>
      %dma_wait3A_286 = arith.constant 0 : i32
      %dma_wait3A_287 = arith.constant 0 : i32
      %dma_wait3A_288 = tpu.memref_slice %arg3[%add3A, %dma_wait3A_286, %dma_wait3A_287] : memref<32x79x128xi32, #tpu.memory_space<hbm>> -> memref<1x79x128xi32, #tpu.memory_space<hbm>>
      %dma_wait3A_289 = tpu.memref_squeeze %dma_wait3A_288 : memref<1x79x128xi32, #tpu.memory_space<hbm>> -> memref<79x128xi32, #tpu.memory_space<hbm>>
      %dma_wait3A_290 = arith.constant 0 : i32
      %dma_wait3A_291 = arith.constant 0 : i32
      %dma_wait3A_292 = tpu.memref_slice %dma_wait3A_289[%dma_wait3A_290, %dma_wait3A_291] : memref<79x128xi32, #tpu.memory_space<hbm>> -> memref<40x128xi32, #tpu.memory_space<hbm>>
      %dma_wait3A_293 = arith.constant 0 : i32
      %dma_wait3A_294 = arith.constant 0 : i32
      %dma_wait3A_295 = tpu.memref_slice %arg8[%dma_wait3A_293, %dma_wait3A_294] : memref<40x128xi32, #tpu.memory_space<vmem>> -> memref<40x128xi32, #tpu.memory_space<vmem>>
      %dma_wait3A_296 = arith.constant 0 : i32
      %dma_wait3A_297 = arith.constant 0 : i32
      %dma_wait3A_298 = tpu.memref_slice %arg3[%add3A, %dma_wait3A_296, %dma_wait3A_297] : memref<32x79x128xi32, #tpu.memory_space<hbm>> -> memref<1x79x128xi32, #tpu.memory_space<hbm>>
      %dma_wait3A_299 = tpu.memref_squeeze %dma_wait3A_298 : memref<1x79x128xi32, #tpu.memory_space<hbm>> -> memref<79x128xi32, #tpu.memory_space<hbm>>
      %dma_wait3A_300 = arith.constant 0 : i32
      %dma_wait3A_301 = arith.constant 0 : i32
      %dma_wait3A_302 = tpu.memref_slice %dma_wait3A_299[%dma_wait3A_300, %dma_wait3A_301] : memref<79x128xi32, #tpu.memory_space<hbm>> -> memref<40x128xi32, #tpu.memory_space<hbm>>
      tpu.wait_dma2 semaphore(%run_scoped3A_262 : memref<!tpu.dma_semaphore, #tpu.memory_space<semaphore_mem>>) src(%dma_wait3A_302 : memref<40x128xi32, #tpu.memory_space<hbm>>) dst(%dma_wait3A_295 : memref<40x128xi32, #tpu.memory_space<vmem>>)
      tpu.yield
    }) : () -> ()
    "tpu.region"() ({
      %run_scoped3A_262 = tpu.sem_alloc : memref<!tpu.dma_semaphore, #tpu.memory_space<semaphore_mem>>
      %dma_start3A_263 = arith.constant 0 : i32
      %dma_start3A_264 = arith.constant 0 : i32
      %dma_start3A_265 = tpu.memref_slice %arg9[%dma_start3A_263, %dma_start3A_264] : memref<40x128xi32, #tpu.memory_space<vmem>> -> memref<40x128xi32, #tpu.memory_space<vmem>>
      %dma_start3A_266 = arith.constant 0 : i32
      %dma_start3A_267 = arith.constant 0 : i32
      %dma_start3A_268 = tpu.memref_slice %arg4[%add3A, %dma_start3A_266, %dma_start3A_267] : memref<32x79x128xi32, #tpu.memory_space<hbm>> -> memref<1x79x128xi32, #tpu.memory_space<hbm>>
      %dma_start3A_269 = tpu.memref_squeeze %dma_start3A_268 : memref<1x79x128xi32, #tpu.memory_space<hbm>> -> memref<79x128xi32, #tpu.memory_space<hbm>>
      %dma_start3A_270 = arith.constant 0 : i32
      %dma_start3A_271 = arith.constant 0 : i32
      %dma_start3A_272 = tpu.memref_slice %dma_start3A_269[%dma_start3A_270, %dma_start3A_271] : memref<79x128xi32, #tpu.memory_space<hbm>> -> memref<40x128xi32, #tpu.memory_space<hbm>>
      %dma_start3A_273 = arith.constant 0 : i32
      %dma_start3A_274 = arith.constant 0 : i32
      %dma_start3A_275 = tpu.memref_slice %arg9[%dma_start3A_273, %dma_start3A_274] : memref<40x128xi32, #tpu.memory_space<vmem>> -> memref<40x128xi32, #tpu.memory_space<vmem>>
      %dma_start3A_276 = arith.constant 0 : i32
      %dma_start3A_277 = arith.constant 0 : i32
      %dma_start3A_278 = tpu.memref_slice %arg4[%add3A, %dma_start3A_276, %dma_start3A_277] : memref<32x79x128xi32, #tpu.memory_space<hbm>> -> memref<1x79x128xi32, #tpu.memory_space<hbm>>
      %dma_start3A_279 = tpu.memref_squeeze %dma_start3A_278 : memref<1x79x128xi32, #tpu.memory_space<hbm>> -> memref<79x128xi32, #tpu.memory_space<hbm>>
      %dma_start3A_280 = arith.constant 0 : i32
      %dma_start3A_281 = arith.constant 0 : i32
      %dma_start3A_282 = tpu.memref_slice %dma_start3A_279[%dma_start3A_280, %dma_start3A_281] : memref<79x128xi32, #tpu.memory_space<hbm>> -> memref<40x128xi32, #tpu.memory_space<hbm>>
      tpu.enqueue_dma source(%dma_start3A_282 : memref<40x128xi32, #tpu.memory_space<hbm>>) target(%dma_start3A_275 : memref<40x128xi32, #tpu.memory_space<vmem>>) target_semaphore(%run_scoped3A_262 : memref<!tpu.dma_semaphore, #tpu.memory_space<semaphore_mem>>)
      %dma_wait3A_283 = arith.constant 0 : i32
      %dma_wait3A_284 = arith.constant 0 : i32
      %dma_wait3A_285 = tpu.memref_slice %arg9[%dma_wait3A_283, %dma_wait3A_284] : memref<40x128xi32, #tpu.memory_space<vmem>> -> memref<40x128xi32, #tpu.memory_space<vmem>>
      %dma_wait3A_286 = arith.constant 0 : i32
      %dma_wait3A_287 = arith.constant 0 : i32
      %dma_wait3A_288 = tpu.memref_slice %arg4[%add3A, %dma_wait3A_286, %dma_wait3A_287] : memref<32x79x128xi32, #tpu.memory_space<hbm>> -> memref<1x79x128xi32, #tpu.memory_space<hbm>>
      %dma_wait3A_289 = tpu.memref_squeeze %dma_wait3A_288 : memref<1x79x128xi32, #tpu.memory_space<hbm>> -> memref<79x128xi32, #tpu.memory_space<hbm>>
      %dma_wait3A_290 = arith.constant 0 : i32
      %dma_wait3A_291 = arith.constant 0 : i32
      %dma_wait3A_292 = tpu.memref_slice %dma_wait3A_289[%dma_wait3A_290, %dma_wait3A_291] : memref<79x128xi32, #tpu.memory_space<hbm>> -> memref<40x128xi32, #tpu.memory_space<hbm>>
      %dma_wait3A_293 = arith.constant 0 : i32
      %dma_wait3A_294 = arith.constant 0 : i32
      %dma_wait3A_295 = tpu.memref_slice %arg9[%dma_wait3A_293, %dma_wait3A_294] : memref<40x128xi32, #tpu.memory_space<vmem>> -> memref<40x128xi32, #tpu.memory_space<vmem>>
      %dma_wait3A_296 = arith.constant 0 : i32
      %dma_wait3A_297 = arith.constant 0 : i32
      %dma_wait3A_298 = tpu.memref_slice %arg4[%add3A, %dma_wait3A_296, %dma_wait3A_297] : memref<32x79x128xi32, #tpu.memory_space<hbm>> -> memref<1x79x128xi32, #tpu.memory_space<hbm>>
      %dma_wait3A_299 = tpu.memref_squeeze %dma_wait3A_298 : memref<1x79x128xi32, #tpu.memory_space<hbm>> -> memref<79x128xi32, #tpu.memory_space<hbm>>
      %dma_wait3A_300 = arith.constant 0 : i32
      %dma_wait3A_301 = arith.constant 0 : i32
      %dma_wait3A_302 = tpu.memref_slice %dma_wait3A_299[%dma_wait3A_300, %dma_wait3A_301] : memref<79x128xi32, #tpu.memory_space<hbm>> -> memref<40x128xi32, #tpu.memory_space<hbm>>
      tpu.wait_dma2 semaphore(%run_scoped3A_262 : memref<!tpu.dma_semaphore, #tpu.memory_space<semaphore_mem>>) src(%dma_wait3A_302 : memref<40x128xi32, #tpu.memory_space<hbm>>) dst(%dma_wait3A_295 : memref<40x128xi32, #tpu.memory_space<vmem>>)
      tpu.yield
    }) : () -> ()
    %dma_start3A = arith.constant 0 : i32
    %dma_start3A_51 = arith.constant 0 : i32
    %dma_start3A_52 = tpu.memref_slice %arg8[%dma_start3A, %dma_start3A_51] : memref<40x128xi32, #tpu.memory_space<vmem>> -> memref<1x128xi32, #tpu.memory_space<vmem>>
    %dma_start3A_53 = tpu.memref_squeeze %dma_start3A_52 : memref<1x128xi32, #tpu.memory_space<vmem>> -> memref<128xi32, #tpu.memory_space<vmem>>
    %dma_start3A_54 = arith.constant 0 : i32
    %dma_start3A_55 = arith.constant 0 : i32
    %dma_start3A_56 = tpu.memref_slice %arg2[%dma_start3A_54, %dma_start3A_55] : memref<10240x128xf32, #tpu.memory_space<hbm>> -> memref<10240x128xf32, #tpu.memory_space<hbm>>
    tpu.enqueue_indirect_dma source(%dma_start3A_56 : memref<10240x128xf32, #tpu.memory_space<hbm>>) target(%arg10 : memref<128x128xf32, #tpu.memory_space<vmem>>) offsets(%dma_start3A_53 : memref<128xi32, #tpu.memory_space<vmem>>) semaphore(%arg17 : memref<!tpu.dma_semaphore, #tpu.memory_space<semaphore_mem>>)
    %scan3A_57 = arith.constant 0 : i32
    %scan3A_58 = arith.constant 19 : i32
    %scan3A_59 = arith.addi %scan3A_57, %scan3A_58 : i32
    %scan3A_60 = arith.constant 1 : i32
    scf.for %scan3A_262 = %scan3A_57 to %scan3A_59 step %scan3A_60  : i32 {
      %mul3A_263 = arith.constant 2 : i32
      %mul3A_264 = arith.muli %scan3A_262, %mul3A_263 : i32
      %dma_wait3A_265 = arith.constant 0 : i32
      %dma_wait3A_266 = tpu.memref_slice %arg8[%mul3A_264, %dma_wait3A_265] : memref<40x128xi32, #tpu.memory_space<vmem>> -> memref<1x128xi32, #tpu.memory_space<vmem>>
      %dma_wait3A_267 = tpu.memref_squeeze %dma_wait3A_266 : memref<1x128xi32, #tpu.memory_space<vmem>> -> memref<128xi32, #tpu.memory_space<vmem>>
      %dma_wait3A_268 = arith.constant 0 : i32
      %dma_wait3A_269 = arith.constant 0 : i32
      %dma_wait3A_270 = tpu.memref_slice %arg2[%dma_wait3A_268, %dma_wait3A_269] : memref<10240x128xf32, #tpu.memory_space<hbm>> -> memref<10240x128xf32, #tpu.memory_space<hbm>>
      tpu.wait_indirect_dma semaphore(%arg17 : memref<!tpu.dma_semaphore, #tpu.memory_space<semaphore_mem>>) src(%dma_wait3A_270 : memref<10240x128xf32, #tpu.memory_space<hbm>>) dst(%arg10 : memref<128x128xf32, #tpu.memory_space<vmem>>)
      %gt3A = arith.constant 0 : i32
      %gt3A_271 = arith.cmpi sgt, %scan3A_262, %gt3A : i32
      %convert_element_type3A_272 = arith.extui %gt3A_271 : i1 to i32
      %cond3A_273 = arith.constant 0 : i32
      %cond3A_274 = arith.cmpi ne, %convert_element_type3A_272, %cond3A_273 : i32
      scf.if %cond3A_274 {
        %sub3A = arith.constant 1 : i32
        %sub3A_360 = arith.subi %mul3A_264, %sub3A : i32
        %dma_wait3A_361 = arith.constant 0 : i32
        %dma_wait3A_362 = tpu.memref_slice %arg9[%sub3A_360, %dma_wait3A_361] : memref<40x128xi32, #tpu.memory_space<vmem>> -> memref<1x128xi32, #tpu.memory_space<vmem>>
        %dma_wait3A_363 = tpu.memref_squeeze %dma_wait3A_362 : memref<1x128xi32, #tpu.memory_space<vmem>> -> memref<128xi32, #tpu.memory_space<vmem>>
        %dma_wait3A_364 = arith.constant 0 : i32
        %dma_wait3A_365 = arith.constant 0 : i32
        %dma_wait3A_366 = tpu.memref_slice %arg14[%dma_wait3A_364, %dma_wait3A_365] : memref<10240x128xf32, #tpu.memory_space<vmem_shared>> -> memref<10240x128xf32, #tpu.memory_space<vmem_shared>>
        tpu.wait_indirect_dma semaphore(%arg20 : memref<!tpu.dma_semaphore, #tpu.memory_space<semaphore_mem>>) src(%arg11 : memref<128x128xf32, #tpu.memory_space<vmem>>) dst(%dma_wait3A_366 : memref<10240x128xf32, #tpu.memory_space<vmem_shared>>)
      } else {
      }
      %add3A_275 = arith.constant 1 : i32
      %add3A_276 = arith.addi %mul3A_264, %add3A_275 : i32
      %dma_start3A_277 = arith.constant 0 : i32
      %dma_start3A_278 = tpu.memref_slice %arg8[%add3A_276, %dma_start3A_277] : memref<40x128xi32, #tpu.memory_space<vmem>> -> memref<1x128xi32, #tpu.memory_space<vmem>>
      %dma_start3A_279 = tpu.memref_squeeze %dma_start3A_278 : memref<1x128xi32, #tpu.memory_space<vmem>> -> memref<128xi32, #tpu.memory_space<vmem>>
      %dma_start3A_280 = arith.constant 0 : i32
      %dma_start3A_281 = arith.constant 0 : i32
      %dma_start3A_282 = tpu.memref_slice %arg2[%dma_start3A_280, %dma_start3A_281] : memref<10240x128xf32, #tpu.memory_space<hbm>> -> memref<10240x128xf32, #tpu.memory_space<hbm>>
      tpu.enqueue_indirect_dma source(%dma_start3A_282 : memref<10240x128xf32, #tpu.memory_space<hbm>>) target(%arg11 : memref<128x128xf32, #tpu.memory_space<vmem>>) offsets(%dma_start3A_279 : memref<128xi32, #tpu.memory_space<vmem>>) semaphore(%arg18 : memref<!tpu.dma_semaphore, #tpu.memory_space<semaphore_mem>>)
      %dma_start3A_283 = arith.constant 0 : i32
      %dma_start3A_284 = tpu.memref_slice %arg9[%mul3A_264, %dma_start3A_283] : memref<40x128xi32, #tpu.memory_space<vmem>> -> memref<1x128xi32, #tpu.memory_space<vmem>>
      %dma_start3A_285 = tpu.memref_squeeze %dma_start3A_284 : memref<1x128xi32, #tpu.memory_space<vmem>> -> memref<128xi32, #tpu.memory_space<vmem>>
      %dma_start3A_286 = arith.constant 0 : i32
      %dma_start3A_287 = arith.constant 0 : i32
      %dma_start3A_288 = tpu.memref_slice %arg14[%dma_start3A_286, %dma_start3A_287] : memref<10240x128xf32, #tpu.memory_space<vmem_shared>> -> memref<10240x128xf32, #tpu.memory_space<vmem_shared>>
      tpu.enqueue_indirect_dma source(%arg10 : memref<128x128xf32, #tpu.memory_space<vmem>>) target(%dma_start3A_288 : memref<10240x128xf32, #tpu.memory_space<vmem_shared>>) offsets(%dma_start3A_285 : memref<128xi32, #tpu.memory_space<vmem>>) semaphore(%arg19 : memref<!tpu.dma_semaphore, #tpu.memory_space<semaphore_mem>>) {add = true}
      %gt3A_289 = arith.constant 0 : i32
      %gt3A_290 = arith.cmpi sgt, %scan3A_262, %gt3A_289 : i32
      %convert_element_type3A_291 = arith.extui %gt3A_290 : i1 to i32
      %cond3A_292 = arith.constant 0 : i32
      %cond3A_293 = arith.cmpi ne, %convert_element_type3A_291, %cond3A_292 : i32
      scf.if %cond3A_293 {
        %sub3A = arith.constant 2 : i32
        %sub3A_360 = arith.subi %mul3A_264, %sub3A : i32
        %dma_wait3A_361 = arith.constant 0 : i32
        %dma_wait3A_362 = tpu.memref_slice %arg8[%sub3A_360, %dma_wait3A_361] : memref<40x128xi32, #tpu.memory_space<vmem>> -> memref<1x128xi32, #tpu.memory_space<vmem>>
        %dma_wait3A_363 = tpu.memref_squeeze %dma_wait3A_362 : memref<1x128xi32, #tpu.memory_space<vmem>> -> memref<128xi32, #tpu.memory_space<vmem>>
        %dma_wait3A_364 = arith.constant 0 : i32
        %dma_wait3A_365 = tpu.memref_slice %arg15[%dma_wait3A_364] : memref<10240xf32, #tpu.memory_space<vmem_shared>> -> memref<10240xf32, #tpu.memory_space<vmem_shared>>
        tpu.wait_indirect_dma semaphore(%arg23 : memref<!tpu.dma_semaphore, #tpu.memory_space<semaphore_mem>>) src(%arg12 : memref<128xf32, #tpu.memory_space<vmem>>) dst(%dma_wait3A_365 : memref<10240xf32, #tpu.memory_space<vmem_shared>>)
        %sub3A_366 = arith.constant 1 : i32
        %sub3A_367 = arith.subi %mul3A_264, %sub3A_366 : i32
        %dma_wait3A_368 = arith.constant 0 : i32
        %dma_wait3A_369 = tpu.memref_slice %arg8[%sub3A_367, %dma_wait3A_368] : memref<40x128xi32, #tpu.memory_space<vmem>> -> memref<1x128xi32, #tpu.memory_space<vmem>>
        %dma_wait3A_370 = tpu.memref_squeeze %dma_wait3A_369 : memref<1x128xi32, #tpu.memory_space<vmem>> -> memref<128xi32, #tpu.memory_space<vmem>>
        %dma_wait3A_371 = arith.constant 0 : i32
        %dma_wait3A_372 = tpu.memref_slice %arg15[%dma_wait3A_371] : memref<10240xf32, #tpu.memory_space<vmem_shared>> -> memref<10240xf32, #tpu.memory_space<vmem_shared>>
        tpu.wait_indirect_dma semaphore(%arg24 : memref<!tpu.dma_semaphore, #tpu.memory_space<semaphore_mem>>) src(%arg13 : memref<128xf32, #tpu.memory_space<vmem>>) dst(%dma_wait3A_372 : memref<10240xf32, #tpu.memory_space<vmem_shared>>)
      } else {
      }
      %dma_start3A_294 = arith.constant 0 : i32
      %dma_start3A_295 = tpu.memref_slice %arg9[%mul3A_264, %dma_start3A_294] : memref<40x128xi32, #tpu.memory_space<vmem>> -> memref<1x128xi32, #tpu.memory_space<vmem>>
      %dma_start3A_296 = tpu.memref_squeeze %dma_start3A_295 : memref<1x128xi32, #tpu.memory_space<vmem>> -> memref<128xi32, #tpu.memory_space<vmem>>
      %dma_start3A_297 = arith.constant 0 : i32
      %dma_start3A_298 = tpu.memref_slice %arg16[%dma_start3A_297] : memref<10240xf32, #tpu.memory_space<vmem_shared>> -> memref<10240xf32, #tpu.memory_space<vmem_shared>>
      tpu.enqueue_indirect_dma source(%dma_start3A_298 : memref<10240xf32, #tpu.memory_space<vmem_shared>>) target(%arg12 : memref<128xf32, #tpu.memory_space<vmem>>) offsets(%dma_start3A_296 : memref<128xi32, #tpu.memory_space<vmem>>) semaphore(%arg21 : memref<!tpu.dma_semaphore, #tpu.memory_space<semaphore_mem>>)
      %add3A_299 = arith.constant 1 : i32
      %add3A_300 = arith.addi %mul3A_264, %add3A_299 : i32
      %dma_start3A_301 = arith.constant 0 : i32
      %dma_start3A_302 = tpu.memref_slice %arg9[%add3A_300, %dma_start3A_301] : memref<40x128xi32, #tpu.memory_space<vmem>> -> memref<1x128xi32, #tpu.memory_space<vmem>>
      %dma_start3A_303 = tpu.memref_squeeze %dma_start3A_302 : memref<1x128xi32, #tpu.memory_space<vmem>> -> memref<128xi32, #tpu.memory_space<vmem>>
      %dma_start3A_304 = arith.constant 0 : i32
      %dma_start3A_305 = tpu.memref_slice %arg16[%dma_start3A_304] : memref<10240xf32, #tpu.memory_space<vmem_shared>> -> memref<10240xf32, #tpu.memory_space<vmem_shared>>
      tpu.enqueue_indirect_dma source(%dma_start3A_305 : memref<10240xf32, #tpu.memory_space<vmem_shared>>) target(%arg13 : memref<128xf32, #tpu.memory_space<vmem>>) offsets(%dma_start3A_303 : memref<128xi32, #tpu.memory_space<vmem>>) semaphore(%arg22 : memref<!tpu.dma_semaphore, #tpu.memory_space<semaphore_mem>>)
      %add3A_306 = arith.constant 1 : i32
      %add3A_307 = arith.addi %mul3A_264, %add3A_306 : i32
      %dma_wait3A_308 = arith.constant 0 : i32
      %dma_wait3A_309 = tpu.memref_slice %arg8[%add3A_307, %dma_wait3A_308] : memref<40x128xi32, #tpu.memory_space<vmem>> -> memref<1x128xi32, #tpu.memory_space<vmem>>
      %dma_wait3A_310 = tpu.memref_squeeze %dma_wait3A_309 : memref<1x128xi32, #tpu.memory_space<vmem>> -> memref<128xi32, #tpu.memory_space<vmem>>
      %dma_wait3A_311 = arith.constant 0 : i32
      %dma_wait3A_312 = arith.constant 0 : i32
      %dma_wait3A_313 = tpu.memref_slice %arg2[%dma_wait3A_311, %dma_wait3A_312] : memref<10240x128xf32, #tpu.memory_space<hbm>> -> memref<10240x128xf32, #tpu.memory_space<hbm>>
      tpu.wait_indirect_dma semaphore(%arg18 : memref<!tpu.dma_semaphore, #tpu.memory_space<semaphore_mem>>) src(%dma_wait3A_313 : memref<10240x128xf32, #tpu.memory_space<hbm>>) dst(%arg11 : memref<128x128xf32, #tpu.memory_space<vmem>>)
      %dma_wait3A_314 = arith.constant 0 : i32
      %dma_wait3A_315 = tpu.memref_slice %arg9[%mul3A_264, %dma_wait3A_314] : memref<40x128xi32, #tpu.memory_space<vmem>> -> memref<1x128xi32, #tpu.memory_space<vmem>>
      %dma_wait3A_316 = tpu.memref_squeeze %dma_wait3A_315 : memref<1x128xi32, #tpu.memory_space<vmem>> -> memref<128xi32, #tpu.memory_space<vmem>>
      %dma_wait3A_317 = arith.constant 0 : i32
      %dma_wait3A_318 = arith.constant 0 : i32
      %dma_wait3A_319 = tpu.memref_slice %arg14[%dma_wait3A_317, %dma_wait3A_318] : memref<10240x128xf32, #tpu.memory_space<vmem_shared>> -> memref<10240x128xf32, #tpu.memory_space<vmem_shared>>
      tpu.wait_indirect_dma semaphore(%arg19 : memref<!tpu.dma_semaphore, #tpu.memory_space<semaphore_mem>>) src(%arg10 : memref<128x128xf32, #tpu.memory_space<vmem>>) dst(%dma_wait3A_319 : memref<10240x128xf32, #tpu.memory_space<vmem_shared>>)
      %add3A_320 = arith.constant 2 : i32
      %add3A_321 = arith.addi %mul3A_264, %add3A_320 : i32
      %dma_start3A_322 = arith.constant 0 : i32
      %dma_start3A_323 = tpu.memref_slice %arg8[%add3A_321, %dma_start3A_322] : memref<40x128xi32, #tpu.memory_space<vmem>> -> memref<1x128xi32, #tpu.memory_space<vmem>>
      %dma_start3A_324 = tpu.memref_squeeze %dma_start3A_323 : memref<1x128xi32, #tpu.memory_space<vmem>> -> memref<128xi32, #tpu.memory_space<vmem>>
      %dma_start3A_325 = arith.constant 0 : i32
      %dma_start3A_326 = arith.constant 0 : i32
      %dma_start3A_327 = tpu.memref_slice %arg2[%dma_start3A_325, %dma_start3A_326] : memref<10240x128xf32, #tpu.memory_space<hbm>> -> memref<10240x128xf32, #tpu.memory_space<hbm>>
      tpu.enqueue_indirect_dma source(%dma_start3A_327 : memref<10240x128xf32, #tpu.memory_space<hbm>>) target(%arg10 : memref<128x128xf32, #tpu.memory_space<vmem>>) offsets(%dma_start3A_324 : memref<128xi32, #tpu.memory_space<vmem>>) semaphore(%arg17 : memref<!tpu.dma_semaphore, #tpu.memory_space<semaphore_mem>>)
      %add3A_328 = arith.constant 1 : i32
      %add3A_329 = arith.addi %mul3A_264, %add3A_328 : i32
      %dma_start3A_330 = arith.constant 0 : i32
      %dma_start3A_331 = tpu.memref_slice %arg9[%add3A_329, %dma_start3A_330] : memref<40x128xi32, #tpu.memory_space<vmem>> -> memref<1x128xi32, #tpu.memory_space<vmem>>
      %dma_start3A_332 = tpu.memref_squeeze %dma_start3A_331 : memref<1x128xi32, #tpu.memory_space<vmem>> -> memref<128xi32, #tpu.memory_space<vmem>>
      %dma_start3A_333 = arith.constant 0 : i32
      %dma_start3A_334 = arith.constant 0 : i32
      %dma_start3A_335 = tpu.memref_slice %arg14[%dma_start3A_333, %dma_start3A_334] : memref<10240x128xf32, #tpu.memory_space<vmem_shared>> -> memref<10240x128xf32, #tpu.memory_space<vmem_shared>>
      tpu.enqueue_indirect_dma source(%arg11 : memref<128x128xf32, #tpu.memory_space<vmem>>) target(%dma_start3A_335 : memref<10240x128xf32, #tpu.memory_space<vmem_shared>>) offsets(%dma_start3A_332 : memref<128xi32, #tpu.memory_space<vmem>>) semaphore(%arg20 : memref<!tpu.dma_semaphore, #tpu.memory_space<semaphore_mem>>) {add = true}
      %dma_wait3A_336 = arith.constant 0 : i32
      %dma_wait3A_337 = tpu.memref_slice %arg9[%mul3A_264, %dma_wait3A_336] : memref<40x128xi32, #tpu.memory_space<vmem>> -> memref<1x128xi32, #tpu.memory_space<vmem>>
      %dma_wait3A_338 = tpu.memref_squeeze %dma_wait3A_337 : memref<1x128xi32, #tpu.memory_space<vmem>> -> memref<128xi32, #tpu.memory_space<vmem>>
      %dma_wait3A_339 = arith.constant 0 : i32
      %dma_wait3A_340 = tpu.memref_slice %arg16[%dma_wait3A_339] : memref<10240xf32, #tpu.memory_space<vmem_shared>> -> memref<10240xf32, #tpu.memory_space<vmem_shared>>
      tpu.wait_indirect_dma semaphore(%arg21 : memref<!tpu.dma_semaphore, #tpu.memory_space<semaphore_mem>>) src(%dma_wait3A_340 : memref<10240xf32, #tpu.memory_space<vmem_shared>>) dst(%arg12 : memref<128xf32, #tpu.memory_space<vmem>>)
      %dma_start3A_341 = arith.constant 0 : i32
      %dma_start3A_342 = tpu.memref_slice %arg8[%mul3A_264, %dma_start3A_341] : memref<40x128xi32, #tpu.memory_space<vmem>> -> memref<1x128xi32, #tpu.memory_space<vmem>>
      %dma_start3A_343 = tpu.memref_squeeze %dma_start3A_342 : memref<1x128xi32, #tpu.memory_space<vmem>> -> memref<128xi32, #tpu.memory_space<vmem>>
      %dma_start3A_344 = arith.constant 0 : i32
      %dma_start3A_345 = tpu.memref_slice %arg15[%dma_start3A_344] : memref<10240xf32, #tpu.memory_space<vmem_shared>> -> memref<10240xf32, #tpu.memory_space<vmem_shared>>
      tpu.enqueue_indirect_dma source(%arg12 : memref<128xf32, #tpu.memory_space<vmem>>) target(%dma_start3A_345 : memref<10240xf32, #tpu.memory_space<vmem_shared>>) offsets(%dma_start3A_343 : memref<128xi32, #tpu.memory_space<vmem>>) semaphore(%arg23 : memref<!tpu.dma_semaphore, #tpu.memory_space<semaphore_mem>>) {add = true}
      %add3A_346 = arith.constant 1 : i32
      %add3A_347 = arith.addi %mul3A_264, %add3A_346 : i32
      %dma_wait3A_348 = arith.constant 0 : i32
      %dma_wait3A_349 = tpu.memref_slice %arg9[%add3A_347, %dma_wait3A_348] : memref<40x128xi32, #tpu.memory_space<vmem>> -> memref<1x128xi32, #tpu.memory_space<vmem>>
      %dma_wait3A_350 = tpu.memref_squeeze %dma_wait3A_349 : memref<1x128xi32, #tpu.memory_space<vmem>> -> memref<128xi32, #tpu.memory_space<vmem>>
      %dma_wait3A_351 = arith.constant 0 : i32
      %dma_wait3A_352 = tpu.memref_slice %arg16[%dma_wait3A_351] : memref<10240xf32, #tpu.memory_space<vmem_shared>> -> memref<10240xf32, #tpu.memory_space<vmem_shared>>
      tpu.wait_indirect_dma semaphore(%arg22 : memref<!tpu.dma_semaphore, #tpu.memory_space<semaphore_mem>>) src(%dma_wait3A_352 : memref<10240xf32, #tpu.memory_space<vmem_shared>>) dst(%arg13 : memref<128xf32, #tpu.memory_space<vmem>>)
      %add3A_353 = arith.constant 1 : i32
      %add3A_354 = arith.addi %mul3A_264, %add3A_353 : i32
      %dma_start3A_355 = arith.constant 0 : i32
      %dma_start3A_356 = tpu.memref_slice %arg8[%add3A_354, %dma_start3A_355] : memref<40x128xi32, #tpu.memory_space<vmem>> -> memref<1x128xi32, #tpu.memory_space<vmem>>
      %dma_start3A_357 = tpu.memref_squeeze %dma_start3A_356 : memref<1x128xi32, #tpu.memory_space<vmem>> -> memref<128xi32, #tpu.memory_space<vmem>>
      %dma_start3A_358 = arith.constant 0 : i32
      %dma_start3A_359 = tpu.memref_slice %arg15[%dma_start3A_358] : memref<10240xf32, #tpu.memory_space<vmem_shared>> -> memref<10240xf32, #tpu.memory_space<vmem_shared>>
      tpu.enqueue_indirect_dma source(%arg13 : memref<128xf32, #tpu.memory_space<vmem>>) target(%dma_start3A_359 : memref<10240xf32, #tpu.memory_space<vmem_shared>>) offsets(%dma_start3A_357 : memref<128xi32, #tpu.memory_space<vmem>>) semaphore(%arg24 : memref<!tpu.dma_semaphore, #tpu.memory_space<semaphore_mem>>) {add = true}
    }
    %scan3A_61 = arith.constant 19 : i32
    %dma_wait3A = arith.constant 38 : i32
    %dma_wait3A_62 = arith.constant 0 : i32
    %dma_wait3A_63 = tpu.memref_slice %arg8[%dma_wait3A, %dma_wait3A_62] : memref<40x128xi32, #tpu.memory_space<vmem>> -> memref<1x128xi32, #tpu.memory_space<vmem>>
    %dma_wait3A_64 = tpu.memref_squeeze %dma_wait3A_63 : memref<1x128xi32, #tpu.memory_space<vmem>> -> memref<128xi32, #tpu.memory_space<vmem>>
    %dma_wait3A_65 = arith.constant 0 : i32
    %dma_wait3A_66 = arith.constant 0 : i32
    %dma_wait3A_67 = tpu.memref_slice %arg2[%dma_wait3A_65, %dma_wait3A_66] : memref<10240x128xf32, #tpu.memory_space<hbm>> -> memref<10240x128xf32, #tpu.memory_space<hbm>>
    tpu.wait_indirect_dma semaphore(%arg17 : memref<!tpu.dma_semaphore, #tpu.memory_space<semaphore_mem>>) src(%dma_wait3A_67 : memref<10240x128xf32, #tpu.memory_space<hbm>>) dst(%arg10 : memref<128x128xf32, #tpu.memory_space<vmem>>)
    %dma_wait3A_68 = arith.constant 37 : i32
    %dma_wait3A_69 = arith.constant 0 : i32
    %dma_wait3A_70 = tpu.memref_slice %arg9[%dma_wait3A_68, %dma_wait3A_69] : memref<40x128xi32, #tpu.memory_space<vmem>> -> memref<1x128xi32, #tpu.memory_space<vmem>>
    %dma_wait3A_71 = tpu.memref_squeeze %dma_wait3A_70 : memref<1x128xi32, #tpu.memory_space<vmem>> -> memref<128xi32, #tpu.memory_space<vmem>>
    %dma_wait3A_72 = arith.constant 0 : i32
    %dma_wait3A_73 = arith.constant 0 : i32
    %dma_wait3A_74 = tpu.memref_slice %arg14[%dma_wait3A_72, %dma_wait3A_73] : memref<10240x128xf32, #tpu.memory_space<vmem_shared>> -> memref<10240x128xf32, #tpu.memory_space<vmem_shared>>
    tpu.wait_indirect_dma semaphore(%arg20 : memref<!tpu.dma_semaphore, #tpu.memory_space<semaphore_mem>>) src(%arg11 : memref<128x128xf32, #tpu.memory_space<vmem>>) dst(%dma_wait3A_74 : memref<10240x128xf32, #tpu.memory_space<vmem_shared>>)
    %dma_start3A_75 = arith.constant 39 : i32
    %dma_start3A_76 = arith.constant 0 : i32
    %dma_start3A_77 = tpu.memref_slice %arg8[%dma_start3A_75, %dma_start3A_76] : memref<40x128xi32, #tpu.memory_space<vmem>> -> memref<1x128xi32, #tpu.memory_space<vmem>>
    %dma_start3A_78 = tpu.memref_squeeze %dma_start3A_77 : memref<1x128xi32, #tpu.memory_space<vmem>> -> memref<128xi32, #tpu.memory_space<vmem>>
    %dma_start3A_79 = arith.constant 0 : i32
    %dma_start3A_80 = arith.constant 0 : i32
    %dma_start3A_81 = tpu.memref_slice %arg2[%dma_start3A_79, %dma_start3A_80] : memref<10240x128xf32, #tpu.memory_space<hbm>> -> memref<10240x128xf32, #tpu.memory_space<hbm>>
    tpu.enqueue_indirect_dma source(%dma_start3A_81 : memref<10240x128xf32, #tpu.memory_space<hbm>>) target(%arg11 : memref<128x128xf32, #tpu.memory_space<vmem>>) offsets(%dma_start3A_78 : memref<128xi32, #tpu.memory_space<vmem>>) semaphore(%arg18 : memref<!tpu.dma_semaphore, #tpu.memory_space<semaphore_mem>>)
    %dma_start3A_82 = arith.constant 38 : i32
    %dma_start3A_83 = arith.constant 0 : i32
    %dma_start3A_84 = tpu.memref_slice %arg9[%dma_start3A_82, %dma_start3A_83] : memref<40x128xi32, #tpu.memory_space<vmem>> -> memref<1x128xi32, #tpu.memory_space<vmem>>
    %dma_start3A_85 = tpu.memref_squeeze %dma_start3A_84 : memref<1x128xi32, #tpu.memory_space<vmem>> -> memref<128xi32, #tpu.memory_space<vmem>>
    %dma_start3A_86 = arith.constant 0 : i32
    %dma_start3A_87 = arith.constant 0 : i32
    %dma_start3A_88 = tpu.memref_slice %arg14[%dma_start3A_86, %dma_start3A_87] : memref<10240x128xf32, #tpu.memory_space<vmem_shared>> -> memref<10240x128xf32, #tpu.memory_space<vmem_shared>>
    tpu.enqueue_indirect_dma source(%arg10 : memref<128x128xf32, #tpu.memory_space<vmem>>) target(%dma_start3A_88 : memref<10240x128xf32, #tpu.memory_space<vmem_shared>>) offsets(%dma_start3A_85 : memref<128xi32, #tpu.memory_space<vmem>>) semaphore(%arg19 : memref<!tpu.dma_semaphore, #tpu.memory_space<semaphore_mem>>) {add = true}
    %dma_wait3A_89 = arith.constant 39 : i32
    %dma_wait3A_90 = arith.constant 0 : i32
    %dma_wait3A_91 = tpu.memref_slice %arg8[%dma_wait3A_89, %dma_wait3A_90] : memref<40x128xi32, #tpu.memory_space<vmem>> -> memref<1x128xi32, #tpu.memory_space<vmem>>
    %dma_wait3A_92 = tpu.memref_squeeze %dma_wait3A_91 : memref<1x128xi32, #tpu.memory_space<vmem>> -> memref<128xi32, #tpu.memory_space<vmem>>
    %dma_wait3A_93 = arith.constant 0 : i32
    %dma_wait3A_94 = arith.constant 0 : i32
    %dma_wait3A_95 = tpu.memref_slice %arg2[%dma_wait3A_93, %dma_wait3A_94] : memref<10240x128xf32, #tpu.memory_space<hbm>> -> memref<10240x128xf32, #tpu.memory_space<hbm>>
    tpu.wait_indirect_dma semaphore(%arg18 : memref<!tpu.dma_semaphore, #tpu.memory_space<semaphore_mem>>) src(%dma_wait3A_95 : memref<10240x128xf32, #tpu.memory_space<hbm>>) dst(%arg11 : memref<128x128xf32, #tpu.memory_space<vmem>>)
    %dma_wait3A_96 = arith.constant 38 : i32
    %dma_wait3A_97 = arith.constant 0 : i32
    %dma_wait3A_98 = tpu.memref_slice %arg9[%dma_wait3A_96, %dma_wait3A_97] : memref<40x128xi32, #tpu.memory_space<vmem>> -> memref<1x128xi32, #tpu.memory_space<vmem>>
    %dma_wait3A_99 = tpu.memref_squeeze %dma_wait3A_98 : memref<1x128xi32, #tpu.memory_space<vmem>> -> memref<128xi32, #tpu.memory_space<vmem>>
    %dma_wait3A_100 = arith.constant 0 : i32
    %dma_wait3A_101 = arith.constant 0 : i32
    %dma_wait3A_102 = tpu.memref_slice %arg14[%dma_wait3A_100, %dma_wait3A_101] : memref<10240x128xf32, #tpu.memory_space<vmem_shared>> -> memref<10240x128xf32, #tpu.memory_space<vmem_shared>>
    tpu.wait_indirect_dma semaphore(%arg19 : memref<!tpu.dma_semaphore, #tpu.memory_space<semaphore_mem>>) src(%arg10 : memref<128x128xf32, #tpu.memory_space<vmem>>) dst(%dma_wait3A_102 : memref<10240x128xf32, #tpu.memory_space<vmem_shared>>)
    %dma_start3A_103 = arith.constant 39 : i32
    %dma_start3A_104 = arith.constant 0 : i32
    %dma_start3A_105 = tpu.memref_slice %arg9[%dma_start3A_103, %dma_start3A_104] : memref<40x128xi32, #tpu.memory_space<vmem>> -> memref<1x128xi32, #tpu.memory_space<vmem>>
    %dma_start3A_106 = tpu.memref_squeeze %dma_start3A_105 : memref<1x128xi32, #tpu.memory_space<vmem>> -> memref<128xi32, #tpu.memory_space<vmem>>
    %dma_start3A_107 = arith.constant 0 : i32
    %dma_start3A_108 = arith.constant 0 : i32
    %dma_start3A_109 = tpu.memref_slice %arg14[%dma_start3A_107, %dma_start3A_108] : memref<10240x128xf32, #tpu.memory_space<vmem_shared>> -> memref<10240x128xf32, #tpu.memory_space<vmem_shared>>
    tpu.enqueue_indirect_dma source(%arg11 : memref<128x128xf32, #tpu.memory_space<vmem>>) target(%dma_start3A_109 : memref<10240x128xf32, #tpu.memory_space<vmem_shared>>) offsets(%dma_start3A_106 : memref<128xi32, #tpu.memory_space<vmem>>) semaphore(%arg20 : memref<!tpu.dma_semaphore, #tpu.memory_space<semaphore_mem>>) {add = true}
    %dma_wait3A_110 = arith.constant 39 : i32
    %dma_wait3A_111 = arith.constant 0 : i32
    %dma_wait3A_112 = tpu.memref_slice %arg9[%dma_wait3A_110, %dma_wait3A_111] : memref<40x128xi32, #tpu.memory_space<vmem>> -> memref<1x128xi32, #tpu.memory_space<vmem>>
    %dma_wait3A_113 = tpu.memref_squeeze %dma_wait3A_112 : memref<1x128xi32, #tpu.memory_space<vmem>> -> memref<128xi32, #tpu.memory_space<vmem>>
    %dma_wait3A_114 = arith.constant 0 : i32
    %dma_wait3A_115 = arith.constant 0 : i32
    %dma_wait3A_116 = tpu.memref_slice %arg14[%dma_wait3A_114, %dma_wait3A_115] : memref<10240x128xf32, #tpu.memory_space<vmem_shared>> -> memref<10240x128xf32, #tpu.memory_space<vmem_shared>>
    tpu.wait_indirect_dma semaphore(%arg20 : memref<!tpu.dma_semaphore, #tpu.memory_space<semaphore_mem>>) src(%arg11 : memref<128x128xf32, #tpu.memory_space<vmem>>) dst(%dma_wait3A_116 : memref<10240x128xf32, #tpu.memory_space<vmem_shared>>)
    %dma_wait3A_117 = arith.constant 36 : i32
    %dma_wait3A_118 = arith.constant 0 : i32
    %dma_wait3A_119 = tpu.memref_slice %arg8[%dma_wait3A_117, %dma_wait3A_118] : memref<40x128xi32, #tpu.memory_space<vmem>> -> memref<1x128xi32, #tpu.memory_space<vmem>>
    %dma_wait3A_120 = tpu.memref_squeeze %dma_wait3A_119 : memref<1x128xi32, #tpu.memory_space<vmem>> -> memref<128xi32, #tpu.memory_space<vmem>>
    %dma_wait3A_121 = arith.constant 0 : i32
    %dma_wait3A_122 = tpu.memref_slice %arg15[%dma_wait3A_121] : memref<10240xf32, #tpu.memory_space<vmem_shared>> -> memref<10240xf32, #tpu.memory_space<vmem_shared>>
    tpu.wait_indirect_dma semaphore(%arg23 : memref<!tpu.dma_semaphore, #tpu.memory_space<semaphore_mem>>) src(%arg12 : memref<128xf32, #tpu.memory_space<vmem>>) dst(%dma_wait3A_122 : memref<10240xf32, #tpu.memory_space<vmem_shared>>)
    %dma_wait3A_123 = arith.constant 37 : i32
    %dma_wait3A_124 = arith.constant 0 : i32
    %dma_wait3A_125 = tpu.memref_slice %arg8[%dma_wait3A_123, %dma_wait3A_124] : memref<40x128xi32, #tpu.memory_space<vmem>> -> memref<1x128xi32, #tpu.memory_space<vmem>>
    %dma_wait3A_126 = tpu.memref_squeeze %dma_wait3A_125 : memref<1x128xi32, #tpu.memory_space<vmem>> -> memref<128xi32, #tpu.memory_space<vmem>>
    %dma_wait3A_127 = arith.constant 0 : i32
    %dma_wait3A_128 = tpu.memref_slice %arg15[%dma_wait3A_127] : memref<10240xf32, #tpu.memory_space<vmem_shared>> -> memref<10240xf32, #tpu.memory_space<vmem_shared>>
    tpu.wait_indirect_dma semaphore(%arg24 : memref<!tpu.dma_semaphore, #tpu.memory_space<semaphore_mem>>) src(%arg13 : memref<128xf32, #tpu.memory_space<vmem>>) dst(%dma_wait3A_128 : memref<10240xf32, #tpu.memory_space<vmem_shared>>)
    %dma_start3A_129 = arith.constant 38 : i32
    %dma_start3A_130 = arith.constant 0 : i32
    %dma_start3A_131 = tpu.memref_slice %arg9[%dma_start3A_129, %dma_start3A_130] : memref<40x128xi32, #tpu.memory_space<vmem>> -> memref<1x128xi32, #tpu.memory_space<vmem>>
    %dma_start3A_132 = tpu.memref_squeeze %dma_start3A_131 : memref<1x128xi32, #tpu.memory_space<vmem>> -> memref<128xi32, #tpu.memory_space<vmem>>
    %dma_start3A_133 = arith.constant 0 : i32
    %dma_start3A_134 = tpu.memref_slice %arg16[%dma_start3A_133] : memref<10240xf32, #tpu.memory_space<vmem_shared>> -> memref<10240xf32, #tpu.memory_space<vmem_shared>>
    tpu.enqueue_indirect_dma source(%dma_start3A_134 : memref<10240xf32, #tpu.memory_space<vmem_shared>>) target(%arg12 : memref<128xf32, #tpu.memory_space<vmem>>) offsets(%dma_start3A_132 : memref<128xi32, #tpu.memory_space<vmem>>) semaphore(%arg21 : memref<!tpu.dma_semaphore, #tpu.memory_space<semaphore_mem>>)
    %dma_start3A_135 = arith.constant 39 : i32
    %dma_start3A_136 = arith.constant 0 : i32
    %dma_start3A_137 = tpu.memref_slice %arg9[%dma_start3A_135, %dma_start3A_136] : memref<40x128xi32, #tpu.memory_space<vmem>> -> memref<1x128xi32, #tpu.memory_space<vmem>>
    %dma_start3A_138 = tpu.memref_squeeze %dma_start3A_137 : memref<1x128xi32, #tpu.memory_space<vmem>> -> memref<128xi32, #tpu.memory_space<vmem>>
    %dma_start3A_139 = arith.constant 0 : i32
    %dma_start3A_140 = tpu.memref_slice %arg16[%dma_start3A_139] : memref<10240xf32, #tpu.memory_space<vmem_shared>> -> memref<10240xf32, #tpu.memory_space<vmem_shared>>
    tpu.enqueue_indirect_dma source(%dma_start3A_140 : memref<10240xf32, #tpu.memory_space<vmem_shared>>) target(%arg13 : memref<128xf32, #tpu.memory_space<vmem>>) offsets(%dma_start3A_138 : memref<128xi32, #tpu.memory_space<vmem>>) semaphore(%arg22 : memref<!tpu.dma_semaphore, #tpu.memory_space<semaphore_mem>>)
    %dma_wait3A_141 = arith.constant 38 : i32
    %dma_wait3A_142 = arith.constant 0 : i32
    %dma_wait3A_143 = tpu.memref_slice %arg9[%dma_wait3A_141, %dma_wait3A_142] : memref<40x128xi32, #tpu.memory_space<vmem>> -> memref<1x128xi32, #tpu.memory_space<vmem>>
    %dma_wait3A_144 = tpu.memref_squeeze %dma_wait3A_143 : memref<1x128xi32, #tpu.memory_space<vmem>> -> memref<128xi32, #tpu.memory_space<vmem>>
    %dma_wait3A_145 = arith.constant 0 : i32
    %dma_wait3A_146 = tpu.memref_slice %arg16[%dma_wait3A_145] : memref<10240xf32, #tpu.memory_space<vmem_shared>> -> memref<10240xf32, #tpu.memory_space<vmem_shared>>
    tpu.wait_indirect_dma semaphore(%arg21 : memref<!tpu.dma_semaphore, #tpu.memory_space<semaphore_mem>>) src(%dma_wait3A_146 : memref<10240xf32, #tpu.memory_space<vmem_shared>>) dst(%arg12 : memref<128xf32, #tpu.memory_space<vmem>>)
    %dma_start3A_147 = arith.constant 38 : i32
    %dma_start3A_148 = arith.constant 0 : i32
    %dma_start3A_149 = tpu.memref_slice %arg8[%dma_start3A_147, %dma_start3A_148] : memref<40x128xi32, #tpu.memory_space<vmem>> -> memref<1x128xi32, #tpu.memory_space<vmem>>
    %dma_start3A_150 = tpu.memref_squeeze %dma_start3A_149 : memref<1x128xi32, #tpu.memory_space<vmem>> -> memref<128xi32, #tpu.memory_space<vmem>>
    %dma_start3A_151 = arith.constant 0 : i32
    %dma_start3A_152 = tpu.memref_slice %arg15[%dma_start3A_151] : memref<10240xf32, #tpu.memory_space<vmem_shared>> -> memref<10240xf32, #tpu.memory_space<vmem_shared>>
    tpu.enqueue_indirect_dma source(%arg12 : memref<128xf32, #tpu.memory_space<vmem>>) target(%dma_start3A_152 : memref<10240xf32, #tpu.memory_space<vmem_shared>>) offsets(%dma_start3A_150 : memref<128xi32, #tpu.memory_space<vmem>>) semaphore(%arg23 : memref<!tpu.dma_semaphore, #tpu.memory_space<semaphore_mem>>) {add = true}
    %dma_wait3A_153 = arith.constant 39 : i32
    %dma_wait3A_154 = arith.constant 0 : i32
    %dma_wait3A_155 = tpu.memref_slice %arg9[%dma_wait3A_153, %dma_wait3A_154] : memref<40x128xi32, #tpu.memory_space<vmem>> -> memref<1x128xi32, #tpu.memory_space<vmem>>
    %dma_wait3A_156 = tpu.memref_squeeze %dma_wait3A_155 : memref<1x128xi32, #tpu.memory_space<vmem>> -> memref<128xi32, #tpu.memory_space<vmem>>
    %dma_wait3A_157 = arith.constant 0 : i32
    %dma_wait3A_158 = tpu.memref_slice %arg16[%dma_wait3A_157] : memref<10240xf32, #tpu.memory_space<vmem_shared>> -> memref<10240xf32, #tpu.memory_space<vmem_shared>>
    tpu.wait_indirect_dma semaphore(%arg22 : memref<!tpu.dma_semaphore, #tpu.memory_space<semaphore_mem>>) src(%dma_wait3A_158 : memref<10240xf32, #tpu.memory_space<vmem_shared>>) dst(%arg13 : memref<128xf32, #tpu.memory_space<vmem>>)
    %dma_start3A_159 = arith.constant 39 : i32
    %dma_start3A_160 = arith.constant 0 : i32
    %dma_start3A_161 = tpu.memref_slice %arg8[%dma_start3A_159, %dma_start3A_160] : memref<40x128xi32, #tpu.memory_space<vmem>> -> memref<1x128xi32, #tpu.memory_space<vmem>>
    %dma_start3A_162 = tpu.memref_squeeze %dma_start3A_161 : memref<1x128xi32, #tpu.memory_space<vmem>> -> memref<128xi32, #tpu.memory_space<vmem>>
    %dma_start3A_163 = arith.constant 0 : i32
    %dma_start3A_164 = tpu.memref_slice %arg15[%dma_start3A_163] : memref<10240xf32, #tpu.memory_space<vmem_shared>> -> memref<10240xf32, #tpu.memory_space<vmem_shared>>
    tpu.enqueue_indirect_dma source(%arg13 : memref<128xf32, #tpu.memory_space<vmem>>) target(%dma_start3A_164 : memref<10240xf32, #tpu.memory_space<vmem_shared>>) offsets(%dma_start3A_162 : memref<128xi32, #tpu.memory_space<vmem>>) semaphore(%arg24 : memref<!tpu.dma_semaphore, #tpu.memory_space<semaphore_mem>>) {add = true}
    %dma_wait3A_165 = arith.constant 38 : i32
    %dma_wait3A_166 = arith.constant 0 : i32
    %dma_wait3A_167 = tpu.memref_slice %arg8[%dma_wait3A_165, %dma_wait3A_166] : memref<40x128xi32, #tpu.memory_space<vmem>> -> memref<1x128xi32, #tpu.memory_space<vmem>>
    %dma_wait3A_168 = tpu.memref_squeeze %dma_wait3A_167 : memref<1x128xi32, #tpu.memory_space<vmem>> -> memref<128xi32, #tpu.memory_space<vmem>>
    %dma_wait3A_169 = arith.constant 0 : i32
    %dma_wait3A_170 = tpu.memref_slice %arg15[%dma_wait3A_169] : memref<10240xf32, #tpu.memory_space<vmem_shared>> -> memref<10240xf32, #tpu.memory_space<vmem_shared>>
    tpu.wait_indirect_dma semaphore(%arg23 : memref<!tpu.dma_semaphore, #tpu.memory_space<semaphore_mem>>) src(%arg12 : memref<128xf32, #tpu.memory_space<vmem>>) dst(%dma_wait3A_170 : memref<10240xf32, #tpu.memory_space<vmem_shared>>)
    %dma_wait3A_171 = arith.constant 39 : i32
    %dma_wait3A_172 = arith.constant 0 : i32
    %dma_wait3A_173 = tpu.memref_slice %arg8[%dma_wait3A_171, %dma_wait3A_172] : memref<40x128xi32, #tpu.memory_space<vmem>> -> memref<1x128xi32, #tpu.memory_space<vmem>>
    %dma_wait3A_174 = tpu.memref_squeeze %dma_wait3A_173 : memref<1x128xi32, #tpu.memory_space<vmem>> -> memref<128xi32, #tpu.memory_space<vmem>>
    %dma_wait3A_175 = arith.constant 0 : i32
    %dma_wait3A_176 = tpu.memref_slice %arg15[%dma_wait3A_175] : memref<10240xf32, #tpu.memory_space<vmem_shared>> -> memref<10240xf32, #tpu.memory_space<vmem_shared>>
    tpu.wait_indirect_dma semaphore(%arg24 : memref<!tpu.dma_semaphore, #tpu.memory_space<semaphore_mem>>) src(%arg13 : memref<128xf32, #tpu.memory_space<vmem>>) dst(%dma_wait3A_176 : memref<10240xf32, #tpu.memory_space<vmem_shared>>)
    "tpu.region"() ({
      %run_scoped3A_262 = tpu.sem_alloc : memref<!tpu.dma_semaphore, #tpu.memory_space<semaphore_mem>>
      %dma_start3A_263 = arith.constant 0 : i32
      %dma_start3A_264 = arith.constant 0 : i32
      %dma_start3A_265 = tpu.memref_slice %arg8[%dma_start3A_263, %dma_start3A_264] : memref<40x128xi32, #tpu.memory_space<vmem>> -> memref<39x128xi32, #tpu.memory_space<vmem>>
      %dma_start3A_266 = arith.constant 0 : i32
      %dma_start3A_267 = arith.constant 0 : i32
      %dma_start3A_268 = tpu.memref_slice %arg3[%add3A, %dma_start3A_266, %dma_start3A_267] : memref<32x79x128xi32, #tpu.memory_space<hbm>> -> memref<1x79x128xi32, #tpu.memory_space<hbm>>
      %dma_start3A_269 = tpu.memref_squeeze %dma_start3A_268 : memref<1x79x128xi32, #tpu.memory_space<hbm>> -> memref<79x128xi32, #tpu.memory_space<hbm>>
      %dma_start3A_270 = arith.constant 40 : i32
      %dma_start3A_271 = arith.constant 0 : i32
      %dma_start3A_272 = tpu.memref_slice %dma_start3A_269[%dma_start3A_270, %dma_start3A_271] : memref<79x128xi32, #tpu.memory_space<hbm>> -> memref<39x128xi32, #tpu.memory_space<hbm>>
      %dma_start3A_273 = arith.constant 0 : i32
      %dma_start3A_274 = arith.constant 0 : i32
      %dma_start3A_275 = tpu.memref_slice %arg8[%dma_start3A_273, %dma_start3A_274] : memref<40x128xi32, #tpu.memory_space<vmem>> -> memref<39x128xi32, #tpu.memory_space<vmem>>
      %dma_start3A_276 = arith.constant 0 : i32
      %dma_start3A_277 = arith.constant 0 : i32
      %dma_start3A_278 = tpu.memref_slice %arg3[%add3A, %dma_start3A_276, %dma_start3A_277] : memref<32x79x128xi32, #tpu.memory_space<hbm>> -> memref<1x79x128xi32, #tpu.memory_space<hbm>>
      %dma_start3A_279 = tpu.memref_squeeze %dma_start3A_278 : memref<1x79x128xi32, #tpu.memory_space<hbm>> -> memref<79x128xi32, #tpu.memory_space<hbm>>
      %dma_start3A_280 = arith.constant 40 : i32
      %dma_start3A_281 = arith.constant 0 : i32
      %dma_start3A_282 = tpu.memref_slice %dma_start3A_279[%dma_start3A_280, %dma_start3A_281] : memref<79x128xi32, #tpu.memory_space<hbm>> -> memref<39x128xi32, #tpu.memory_space<hbm>>
      tpu.enqueue_dma source(%dma_start3A_282 : memref<39x128xi32, #tpu.memory_space<hbm>>) target(%dma_start3A_275 : memref<39x128xi32, #tpu.memory_space<vmem>>) target_semaphore(%run_scoped3A_262 : memref<!tpu.dma_semaphore, #tpu.memory_space<semaphore_mem>>)
      %dma_wait3A_283 = arith.constant 0 : i32
      %dma_wait3A_284 = arith.constant 0 : i32
      %dma_wait3A_285 = tpu.memref_slice %arg8[%dma_wait3A_283, %dma_wait3A_284] : memref<40x128xi32, #tpu.memory_space<vmem>> -> memref<39x128xi32, #tpu.memory_space<vmem>>
      %dma_wait3A_286 = arith.constant 0 : i32
      %dma_wait3A_287 = arith.constant 0 : i32
      %dma_wait3A_288 = tpu.memref_slice %arg3[%add3A, %dma_wait3A_286, %dma_wait3A_287] : memref<32x79x128xi32, #tpu.memory_space<hbm>> -> memref<1x79x128xi32, #tpu.memory_space<hbm>>
      %dma_wait3A_289 = tpu.memref_squeeze %dma_wait3A_288 : memref<1x79x128xi32, #tpu.memory_space<hbm>> -> memref<79x128xi32, #tpu.memory_space<hbm>>
      %dma_wait3A_290 = arith.constant 40 : i32
      %dma_wait3A_291 = arith.constant 0 : i32
      %dma_wait3A_292 = tpu.memref_slice %dma_wait3A_289[%dma_wait3A_290, %dma_wait3A_291] : memref<79x128xi32, #tpu.memory_space<hbm>> -> memref<39x128xi32, #tpu.memory_space<hbm>>
      %dma_wait3A_293 = arith.constant 0 : i32
      %dma_wait3A_294 = arith.constant 0 : i32
      %dma_wait3A_295 = tpu.memref_slice %arg8[%dma_wait3A_293, %dma_wait3A_294] : memref<40x128xi32, #tpu.memory_space<vmem>> -> memref<39x128xi32, #tpu.memory_space<vmem>>
      %dma_wait3A_296 = arith.constant 0 : i32
      %dma_wait3A_297 = arith.constant 0 : i32
      %dma_wait3A_298 = tpu.memref_slice %arg3[%add3A, %dma_wait3A_296, %dma_wait3A_297] : memref<32x79x128xi32, #tpu.memory_space<hbm>> -> memref<1x79x128xi32, #tpu.memory_space<hbm>>
      %dma_wait3A_299 = tpu.memref_squeeze %dma_wait3A_298 : memref<1x79x128xi32, #tpu.memory_space<hbm>> -> memref<79x128xi32, #tpu.memory_space<hbm>>
      %dma_wait3A_300 = arith.constant 40 : i32
      %dma_wait3A_301 = arith.constant 0 : i32
      %dma_wait3A_302 = tpu.memref_slice %dma_wait3A_299[%dma_wait3A_300, %dma_wait3A_301] : memref<79x128xi32, #tpu.memory_space<hbm>> -> memref<39x128xi32, #tpu.memory_space<hbm>>
      tpu.wait_dma2 semaphore(%run_scoped3A_262 : memref<!tpu.dma_semaphore, #tpu.memory_space<semaphore_mem>>) src(%dma_wait3A_302 : memref<39x128xi32, #tpu.memory_space<hbm>>) dst(%dma_wait3A_295 : memref<39x128xi32, #tpu.memory_space<vmem>>)
      tpu.yield
    }) : () -> ()
    "tpu.region"() ({
      %run_scoped3A_262 = tpu.sem_alloc : memref<!tpu.dma_semaphore, #tpu.memory_space<semaphore_mem>>
      %dma_start3A_263 = arith.constant 0 : i32
      %dma_start3A_264 = arith.constant 0 : i32
      %dma_start3A_265 = tpu.memref_slice %arg9[%dma_start3A_263, %dma_start3A_264] : memref<40x128xi32, #tpu.memory_space<vmem>> -> memref<39x128xi32, #tpu.memory_space<vmem>>
      %dma_start3A_266 = arith.constant 0 : i32
      %dma_start3A_267 = arith.constant 0 : i32
      %dma_start3A_268 = tpu.memref_slice %arg4[%add3A, %dma_start3A_266, %dma_start3A_267] : memref<32x79x128xi32, #tpu.memory_space<hbm>> -> memref<1x79x128xi32, #tpu.memory_space<hbm>>
      %dma_start3A_269 = tpu.memref_squeeze %dma_start3A_268 : memref<1x79x128xi32, #tpu.memory_space<hbm>> -> memref<79x128xi32, #tpu.memory_space<hbm>>
      %dma_start3A_270 = arith.constant 40 : i32
      %dma_start3A_271 = arith.constant 0 : i32
      %dma_start3A_272 = tpu.memref_slice %dma_start3A_269[%dma_start3A_270, %dma_start3A_271] : memref<79x128xi32, #tpu.memory_space<hbm>> -> memref<39x128xi32, #tpu.memory_space<hbm>>
      %dma_start3A_273 = arith.constant 0 : i32
      %dma_start3A_274 = arith.constant 0 : i32
      %dma_start3A_275 = tpu.memref_slice %arg9[%dma_start3A_273, %dma_start3A_274] : memref<40x128xi32, #tpu.memory_space<vmem>> -> memref<39x128xi32, #tpu.memory_space<vmem>>
      %dma_start3A_276 = arith.constant 0 : i32
      %dma_start3A_277 = arith.constant 0 : i32
      %dma_start3A_278 = tpu.memref_slice %arg4[%add3A, %dma_start3A_276, %dma_start3A_277] : memref<32x79x128xi32, #tpu.memory_space<hbm>> -> memref<1x79x128xi32, #tpu.memory_space<hbm>>
      %dma_start3A_279 = tpu.memref_squeeze %dma_start3A_278 : memref<1x79x128xi32, #tpu.memory_space<hbm>> -> memref<79x128xi32, #tpu.memory_space<hbm>>
      %dma_start3A_280 = arith.constant 40 : i32
      %dma_start3A_281 = arith.constant 0 : i32
      %dma_start3A_282 = tpu.memref_slice %dma_start3A_279[%dma_start3A_280, %dma_start3A_281] : memref<79x128xi32, #tpu.memory_space<hbm>> -> memref<39x128xi32, #tpu.memory_space<hbm>>
      tpu.enqueue_dma source(%dma_start3A_282 : memref<39x128xi32, #tpu.memory_space<hbm>>) target(%dma_start3A_275 : memref<39x128xi32, #tpu.memory_space<vmem>>) target_semaphore(%run_scoped3A_262 : memref<!tpu.dma_semaphore, #tpu.memory_space<semaphore_mem>>)
      %dma_wait3A_283 = arith.constant 0 : i32
      %dma_wait3A_284 = arith.constant 0 : i32
      %dma_wait3A_285 = tpu.memref_slice %arg9[%dma_wait3A_283, %dma_wait3A_284] : memref<40x128xi32, #tpu.memory_space<vmem>> -> memref<39x128xi32, #tpu.memory_space<vmem>>
      %dma_wait3A_286 = arith.constant 0 : i32
      %dma_wait3A_287 = arith.constant 0 : i32
      %dma_wait3A_288 = tpu.memref_slice %arg4[%add3A, %dma_wait3A_286, %dma_wait3A_287] : memref<32x79x128xi32, #tpu.memory_space<hbm>> -> memref<1x79x128xi32, #tpu.memory_space<hbm>>
      %dma_wait3A_289 = tpu.memref_squeeze %dma_wait3A_288 : memref<1x79x128xi32, #tpu.memory_space<hbm>> -> memref<79x128xi32, #tpu.memory_space<hbm>>
      %dma_wait3A_290 = arith.constant 40 : i32
      %dma_wait3A_291 = arith.constant 0 : i32
      %dma_wait3A_292 = tpu.memref_slice %dma_wait3A_289[%dma_wait3A_290, %dma_wait3A_291] : memref<79x128xi32, #tpu.memory_space<hbm>> -> memref<39x128xi32, #tpu.memory_space<hbm>>
      %dma_wait3A_293 = arith.constant 0 : i32
      %dma_wait3A_294 = arith.constant 0 : i32
      %dma_wait3A_295 = tpu.memref_slice %arg9[%dma_wait3A_293, %dma_wait3A_294] : memref<40x128xi32, #tpu.memory_space<vmem>> -> memref<39x128xi32, #tpu.memory_space<vmem>>
      %dma_wait3A_296 = arith.constant 0 : i32
      %dma_wait3A_297 = arith.constant 0 : i32
      %dma_wait3A_298 = tpu.memref_slice %arg4[%add3A, %dma_wait3A_296, %dma_wait3A_297] : memref<32x79x128xi32, #tpu.memory_space<hbm>> -> memref<1x79x128xi32, #tpu.memory_space<hbm>>
      %dma_wait3A_299 = tpu.memref_squeeze %dma_wait3A_298 : memref<1x79x128xi32, #tpu.memory_space<hbm>> -> memref<79x128xi32, #tpu.memory_space<hbm>>
      %dma_wait3A_300 = arith.constant 40 : i32
      %dma_wait3A_301 = arith.constant 0 : i32
      %dma_wait3A_302 = tpu.memref_slice %dma_wait3A_299[%dma_wait3A_300, %dma_wait3A_301] : memref<79x128xi32, #tpu.memory_space<hbm>> -> memref<39x128xi32, #tpu.memory_space<hbm>>
      tpu.wait_dma2 semaphore(%run_scoped3A_262 : memref<!tpu.dma_semaphore, #tpu.memory_space<semaphore_mem>>) src(%dma_wait3A_302 : memref<39x128xi32, #tpu.memory_space<hbm>>) dst(%dma_wait3A_295 : memref<39x128xi32, #tpu.memory_space<vmem>>)
      tpu.yield
    }) : () -> ()
    %dma_start3A_177 = arith.constant 0 : i32
    %dma_start3A_178 = arith.constant 0 : i32
    %dma_start3A_179 = tpu.memref_slice %arg8[%dma_start3A_177, %dma_start3A_178] : memref<40x128xi32, #tpu.memory_space<vmem>> -> memref<1x128xi32, #tpu.memory_space<vmem>>
    %dma_start3A_180 = tpu.memref_squeeze %dma_start3A_179 : memref<1x128xi32, #tpu.memory_space<vmem>> -> memref<128xi32, #tpu.memory_space<vmem>>
    %dma_start3A_181 = arith.constant 0 : i32
    %dma_start3A_182 = arith.constant 0 : i32
    %dma_start3A_183 = tpu.memref_slice %arg2[%dma_start3A_181, %dma_start3A_182] : memref<10240x128xf32, #tpu.memory_space<hbm>> -> memref<10240x128xf32, #tpu.memory_space<hbm>>
    tpu.enqueue_indirect_dma source(%dma_start3A_183 : memref<10240x128xf32, #tpu.memory_space<hbm>>) target(%arg10 : memref<128x128xf32, #tpu.memory_space<vmem>>) offsets(%dma_start3A_180 : memref<128xi32, #tpu.memory_space<vmem>>) semaphore(%arg17 : memref<!tpu.dma_semaphore, #tpu.memory_space<semaphore_mem>>)
    %scan3A_184 = arith.constant 0 : i32
    %scan3A_185 = arith.constant 19 : i32
    %scan3A_186 = arith.addi %scan3A_184, %scan3A_185 : i32
    %scan3A_187 = arith.constant 1 : i32
    scf.for %scan3A_262 = %scan3A_184 to %scan3A_186 step %scan3A_187  : i32 {
      %mul3A_263 = arith.constant 2 : i32
      %mul3A_264 = arith.muli %scan3A_262, %mul3A_263 : i32
      %dma_wait3A_265 = arith.constant 0 : i32
      %dma_wait3A_266 = tpu.memref_slice %arg8[%mul3A_264, %dma_wait3A_265] : memref<40x128xi32, #tpu.memory_space<vmem>> -> memref<1x128xi32, #tpu.memory_space<vmem>>
      %dma_wait3A_267 = tpu.memref_squeeze %dma_wait3A_266 : memref<1x128xi32, #tpu.memory_space<vmem>> -> memref<128xi32, #tpu.memory_space<vmem>>
      %dma_wait3A_268 = arith.constant 0 : i32
      %dma_wait3A_269 = arith.constant 0 : i32
      %dma_wait3A_270 = tpu.memref_slice %arg2[%dma_wait3A_268, %dma_wait3A_269] : memref<10240x128xf32, #tpu.memory_space<hbm>> -> memref<10240x128xf32, #tpu.memory_space<hbm>>
      tpu.wait_indirect_dma semaphore(%arg17 : memref<!tpu.dma_semaphore, #tpu.memory_space<semaphore_mem>>) src(%dma_wait3A_270 : memref<10240x128xf32, #tpu.memory_space<hbm>>) dst(%arg10 : memref<128x128xf32, #tpu.memory_space<vmem>>)
      %gt3A = arith.constant 0 : i32
      %gt3A_271 = arith.cmpi sgt, %scan3A_262, %gt3A : i32
      %convert_element_type3A_272 = arith.extui %gt3A_271 : i1 to i32
      %cond3A_273 = arith.constant 0 : i32
      %cond3A_274 = arith.cmpi ne, %convert_element_type3A_272, %cond3A_273 : i32
      scf.if %cond3A_274 {
        %sub3A = arith.constant 1 : i32
        %sub3A_360 = arith.subi %mul3A_264, %sub3A : i32
        %dma_wait3A_361 = arith.constant 0 : i32
        %dma_wait3A_362 = tpu.memref_slice %arg9[%sub3A_360, %dma_wait3A_361] : memref<40x128xi32, #tpu.memory_space<vmem>> -> memref<1x128xi32, #tpu.memory_space<vmem>>
        %dma_wait3A_363 = tpu.memref_squeeze %dma_wait3A_362 : memref<1x128xi32, #tpu.memory_space<vmem>> -> memref<128xi32, #tpu.memory_space<vmem>>
        %dma_wait3A_364 = arith.constant 0 : i32
        %dma_wait3A_365 = arith.constant 0 : i32
        %dma_wait3A_366 = tpu.memref_slice %arg14[%dma_wait3A_364, %dma_wait3A_365] : memref<10240x128xf32, #tpu.memory_space<vmem_shared>> -> memref<10240x128xf32, #tpu.memory_space<vmem_shared>>
        tpu.wait_indirect_dma semaphore(%arg20 : memref<!tpu.dma_semaphore, #tpu.memory_space<semaphore_mem>>) src(%arg11 : memref<128x128xf32, #tpu.memory_space<vmem>>) dst(%dma_wait3A_366 : memref<10240x128xf32, #tpu.memory_space<vmem_shared>>)
      } else {
      }
      %add3A_275 = arith.constant 1 : i32
      %add3A_276 = arith.addi %mul3A_264, %add3A_275 : i32
      %dma_start3A_277 = arith.constant 0 : i32
      %dma_start3A_278 = tpu.memref_slice %arg8[%add3A_276, %dma_start3A_277] : memref<40x128xi32, #tpu.memory_space<vmem>> -> memref<1x128xi32, #tpu.memory_space<vmem>>
      %dma_start3A_279 = tpu.memref_squeeze %dma_start3A_278 : memref<1x128xi32, #tpu.memory_space<vmem>> -> memref<128xi32, #tpu.memory_space<vmem>>
      %dma_start3A_280 = arith.constant 0 : i32
      %dma_start3A_281 = arith.constant 0 : i32
      %dma_start3A_282 = tpu.memref_slice %arg2[%dma_start3A_280, %dma_start3A_281] : memref<10240x128xf32, #tpu.memory_space<hbm>> -> memref<10240x128xf32, #tpu.memory_space<hbm>>
      tpu.enqueue_indirect_dma source(%dma_start3A_282 : memref<10240x128xf32, #tpu.memory_space<hbm>>) target(%arg11 : memref<128x128xf32, #tpu.memory_space<vmem>>) offsets(%dma_start3A_279 : memref<128xi32, #tpu.memory_space<vmem>>) semaphore(%arg18 : memref<!tpu.dma_semaphore, #tpu.memory_space<semaphore_mem>>)
      %dma_start3A_283 = arith.constant 0 : i32
      %dma_start3A_284 = tpu.memref_slice %arg9[%mul3A_264, %dma_start3A_283] : memref<40x128xi32, #tpu.memory_space<vmem>> -> memref<1x128xi32, #tpu.memory_space<vmem>>
      %dma_start3A_285 = tpu.memref_squeeze %dma_start3A_284 : memref<1x128xi32, #tpu.memory_space<vmem>> -> memref<128xi32, #tpu.memory_space<vmem>>
      %dma_start3A_286 = arith.constant 0 : i32
      %dma_start3A_287 = arith.constant 0 : i32
      %dma_start3A_288 = tpu.memref_slice %arg14[%dma_start3A_286, %dma_start3A_287] : memref<10240x128xf32, #tpu.memory_space<vmem_shared>> -> memref<10240x128xf32, #tpu.memory_space<vmem_shared>>
      tpu.enqueue_indirect_dma source(%arg10 : memref<128x128xf32, #tpu.memory_space<vmem>>) target(%dma_start3A_288 : memref<10240x128xf32, #tpu.memory_space<vmem_shared>>) offsets(%dma_start3A_285 : memref<128xi32, #tpu.memory_space<vmem>>) semaphore(%arg19 : memref<!tpu.dma_semaphore, #tpu.memory_space<semaphore_mem>>) {add = true}
      %gt3A_289 = arith.constant 0 : i32
      %gt3A_290 = arith.cmpi sgt, %scan3A_262, %gt3A_289 : i32
      %convert_element_type3A_291 = arith.extui %gt3A_290 : i1 to i32
      %cond3A_292 = arith.constant 0 : i32
      %cond3A_293 = arith.cmpi ne, %convert_element_type3A_291, %cond3A_292 : i32
      scf.if %cond3A_293 {
        %sub3A = arith.constant 2 : i32
        %sub3A_360 = arith.subi %mul3A_264, %sub3A : i32
        %dma_wait3A_361 = arith.constant 0 : i32
        %dma_wait3A_362 = tpu.memref_slice %arg8[%sub3A_360, %dma_wait3A_361] : memref<40x128xi32, #tpu.memory_space<vmem>> -> memref<1x128xi32, #tpu.memory_space<vmem>>
        %dma_wait3A_363 = tpu.memref_squeeze %dma_wait3A_362 : memref<1x128xi32, #tpu.memory_space<vmem>> -> memref<128xi32, #tpu.memory_space<vmem>>
        %dma_wait3A_364 = arith.constant 0 : i32
        %dma_wait3A_365 = tpu.memref_slice %arg15[%dma_wait3A_364] : memref<10240xf32, #tpu.memory_space<vmem_shared>> -> memref<10240xf32, #tpu.memory_space<vmem_shared>>
        tpu.wait_indirect_dma semaphore(%arg23 : memref<!tpu.dma_semaphore, #tpu.memory_space<semaphore_mem>>) src(%arg12 : memref<128xf32, #tpu.memory_space<vmem>>) dst(%dma_wait3A_365 : memref<10240xf32, #tpu.memory_space<vmem_shared>>)
        %sub3A_366 = arith.constant 1 : i32
        %sub3A_367 = arith.subi %mul3A_264, %sub3A_366 : i32
        %dma_wait3A_368 = arith.constant 0 : i32
        %dma_wait3A_369 = tpu.memref_slice %arg8[%sub3A_367, %dma_wait3A_368] : memref<40x128xi32, #tpu.memory_space<vmem>> -> memref<1x128xi32, #tpu.memory_space<vmem>>
        %dma_wait3A_370 = tpu.memref_squeeze %dma_wait3A_369 : memref<1x128xi32, #tpu.memory_space<vmem>> -> memref<128xi32, #tpu.memory_space<vmem>>
        %dma_wait3A_371 = arith.constant 0 : i32
        %dma_wait3A_372 = tpu.memref_slice %arg15[%dma_wait3A_371] : memref<10240xf32, #tpu.memory_space<vmem_shared>> -> memref<10240xf32, #tpu.memory_space<vmem_shared>>
        tpu.wait_indirect_dma semaphore(%arg24 : memref<!tpu.dma_semaphore, #tpu.memory_space<semaphore_mem>>) src(%arg13 : memref<128xf32, #tpu.memory_space<vmem>>) dst(%dma_wait3A_372 : memref<10240xf32, #tpu.memory_space<vmem_shared>>)
      } else {
      }
      %dma_start3A_294 = arith.constant 0 : i32
      %dma_start3A_295 = tpu.memref_slice %arg9[%mul3A_264, %dma_start3A_294] : memref<40x128xi32, #tpu.memory_space<vmem>> -> memref<1x128xi32, #tpu.memory_space<vmem>>
      %dma_start3A_296 = tpu.memref_squeeze %dma_start3A_295 : memref<1x128xi32, #tpu.memory_space<vmem>> -> memref<128xi32, #tpu.memory_space<vmem>>
      %dma_start3A_297 = arith.constant 0 : i32
      %dma_start3A_298 = tpu.memref_slice %arg16[%dma_start3A_297] : memref<10240xf32, #tpu.memory_space<vmem_shared>> -> memref<10240xf32, #tpu.memory_space<vmem_shared>>
      tpu.enqueue_indirect_dma source(%dma_start3A_298 : memref<10240xf32, #tpu.memory_space<vmem_shared>>) target(%arg12 : memref<128xf32, #tpu.memory_space<vmem>>) offsets(%dma_start3A_296 : memref<128xi32, #tpu.memory_space<vmem>>) semaphore(%arg21 : memref<!tpu.dma_semaphore, #tpu.memory_space<semaphore_mem>>)
      %add3A_299 = arith.constant 1 : i32
      %add3A_300 = arith.addi %mul3A_264, %add3A_299 : i32
      %dma_start3A_301 = arith.constant 0 : i32
      %dma_start3A_302 = tpu.memref_slice %arg9[%add3A_300, %dma_start3A_301] : memref<40x128xi32, #tpu.memory_space<vmem>> -> memref<1x128xi32, #tpu.memory_space<vmem>>
      %dma_start3A_303 = tpu.memref_squeeze %dma_start3A_302 : memref<1x128xi32, #tpu.memory_space<vmem>> -> memref<128xi32, #tpu.memory_space<vmem>>
      %dma_start3A_304 = arith.constant 0 : i32
      %dma_start3A_305 = tpu.memref_slice %arg16[%dma_start3A_304] : memref<10240xf32, #tpu.memory_space<vmem_shared>> -> memref<10240xf32, #tpu.memory_space<vmem_shared>>
      tpu.enqueue_indirect_dma source(%dma_start3A_305 : memref<10240xf32, #tpu.memory_space<vmem_shared>>) target(%arg13 : memref<128xf32, #tpu.memory_space<vmem>>) offsets(%dma_start3A_303 : memref<128xi32, #tpu.memory_space<vmem>>) semaphore(%arg22 : memref<!tpu.dma_semaphore, #tpu.memory_space<semaphore_mem>>)
      %add3A_306 = arith.constant 1 : i32
      %add3A_307 = arith.addi %mul3A_264, %add3A_306 : i32
      %dma_wait3A_308 = arith.constant 0 : i32
      %dma_wait3A_309 = tpu.memref_slice %arg8[%add3A_307, %dma_wait3A_308] : memref<40x128xi32, #tpu.memory_space<vmem>> -> memref<1x128xi32, #tpu.memory_space<vmem>>
      %dma_wait3A_310 = tpu.memref_squeeze %dma_wait3A_309 : memref<1x128xi32, #tpu.memory_space<vmem>> -> memref<128xi32, #tpu.memory_space<vmem>>
      %dma_wait3A_311 = arith.constant 0 : i32
      %dma_wait3A_312 = arith.constant 0 : i32
      %dma_wait3A_313 = tpu.memref_slice %arg2[%dma_wait3A_311, %dma_wait3A_312] : memref<10240x128xf32, #tpu.memory_space<hbm>> -> memref<10240x128xf32, #tpu.memory_space<hbm>>
      tpu.wait_indirect_dma semaphore(%arg18 : memref<!tpu.dma_semaphore, #tpu.memory_space<semaphore_mem>>) src(%dma_wait3A_313 : memref<10240x128xf32, #tpu.memory_space<hbm>>) dst(%arg11 : memref<128x128xf32, #tpu.memory_space<vmem>>)
      %dma_wait3A_314 = arith.constant 0 : i32
      %dma_wait3A_315 = tpu.memref_slice %arg9[%mul3A_264, %dma_wait3A_314] : memref<40x128xi32, #tpu.memory_space<vmem>> -> memref<1x128xi32, #tpu.memory_space<vmem>>
      %dma_wait3A_316 = tpu.memref_squeeze %dma_wait3A_315 : memref<1x128xi32, #tpu.memory_space<vmem>> -> memref<128xi32, #tpu.memory_space<vmem>>
      %dma_wait3A_317 = arith.constant 0 : i32
      %dma_wait3A_318 = arith.constant 0 : i32
      %dma_wait3A_319 = tpu.memref_slice %arg14[%dma_wait3A_317, %dma_wait3A_318] : memref<10240x128xf32, #tpu.memory_space<vmem_shared>> -> memref<10240x128xf32, #tpu.memory_space<vmem_shared>>
      tpu.wait_indirect_dma semaphore(%arg19 : memref<!tpu.dma_semaphore, #tpu.memory_space<semaphore_mem>>) src(%arg10 : memref<128x128xf32, #tpu.memory_space<vmem>>) dst(%dma_wait3A_319 : memref<10240x128xf32, #tpu.memory_space<vmem_shared>>)
      %add3A_320 = arith.constant 2 : i32
      %add3A_321 = arith.addi %mul3A_264, %add3A_320 : i32
      %dma_start3A_322 = arith.constant 0 : i32
      %dma_start3A_323 = tpu.memref_slice %arg8[%add3A_321, %dma_start3A_322] : memref<40x128xi32, #tpu.memory_space<vmem>> -> memref<1x128xi32, #tpu.memory_space<vmem>>
      %dma_start3A_324 = tpu.memref_squeeze %dma_start3A_323 : memref<1x128xi32, #tpu.memory_space<vmem>> -> memref<128xi32, #tpu.memory_space<vmem>>
      %dma_start3A_325 = arith.constant 0 : i32
      %dma_start3A_326 = arith.constant 0 : i32
      %dma_start3A_327 = tpu.memref_slice %arg2[%dma_start3A_325, %dma_start3A_326] : memref<10240x128xf32, #tpu.memory_space<hbm>> -> memref<10240x128xf32, #tpu.memory_space<hbm>>
      tpu.enqueue_indirect_dma source(%dma_start3A_327 : memref<10240x128xf32, #tpu.memory_space<hbm>>) target(%arg10 : memref<128x128xf32, #tpu.memory_space<vmem>>) offsets(%dma_start3A_324 : memref<128xi32, #tpu.memory_space<vmem>>) semaphore(%arg17 : memref<!tpu.dma_semaphore, #tpu.memory_space<semaphore_mem>>)
      %add3A_328 = arith.constant 1 : i32
      %add3A_329 = arith.addi %mul3A_264, %add3A_328 : i32
      %dma_start3A_330 = arith.constant 0 : i32
      %dma_start3A_331 = tpu.memref_slice %arg9[%add3A_329, %dma_start3A_330] : memref<40x128xi32, #tpu.memory_space<vmem>> -> memref<1x128xi32, #tpu.memory_space<vmem>>
      %dma_start3A_332 = tpu.memref_squeeze %dma_start3A_331 : memref<1x128xi32, #tpu.memory_space<vmem>> -> memref<128xi32, #tpu.memory_space<vmem>>
      %dma_start3A_333 = arith.constant 0 : i32
      %dma_start3A_334 = arith.constant 0 : i32
      %dma_start3A_335 = tpu.memref_slice %arg14[%dma_start3A_333, %dma_start3A_334] : memref<10240x128xf32, #tpu.memory_space<vmem_shared>> -> memref<10240x128xf32, #tpu.memory_space<vmem_shared>>
      tpu.enqueue_indirect_dma source(%arg11 : memref<128x128xf32, #tpu.memory_space<vmem>>) target(%dma_start3A_335 : memref<10240x128xf32, #tpu.memory_space<vmem_shared>>) offsets(%dma_start3A_332 : memref<128xi32, #tpu.memory_space<vmem>>) semaphore(%arg20 : memref<!tpu.dma_semaphore, #tpu.memory_space<semaphore_mem>>) {add = true}
      %dma_wait3A_336 = arith.constant 0 : i32
      %dma_wait3A_337 = tpu.memref_slice %arg9[%mul3A_264, %dma_wait3A_336] : memref<40x128xi32, #tpu.memory_space<vmem>> -> memref<1x128xi32, #tpu.memory_space<vmem>>
      %dma_wait3A_338 = tpu.memref_squeeze %dma_wait3A_337 : memref<1x128xi32, #tpu.memory_space<vmem>> -> memref<128xi32, #tpu.memory_space<vmem>>
      %dma_wait3A_339 = arith.constant 0 : i32
      %dma_wait3A_340 = tpu.memref_slice %arg16[%dma_wait3A_339] : memref<10240xf32, #tpu.memory_space<vmem_shared>> -> memref<10240xf32, #tpu.memory_space<vmem_shared>>
      tpu.wait_indirect_dma semaphore(%arg21 : memref<!tpu.dma_semaphore, #tpu.memory_space<semaphore_mem>>) src(%dma_wait3A_340 : memref<10240xf32, #tpu.memory_space<vmem_shared>>) dst(%arg12 : memref<128xf32, #tpu.memory_space<vmem>>)
      %dma_start3A_341 = arith.constant 0 : i32
      %dma_start3A_342 = tpu.memref_slice %arg8[%mul3A_264, %dma_start3A_341] : memref<40x128xi32, #tpu.memory_space<vmem>> -> memref<1x128xi32, #tpu.memory_space<vmem>>
      %dma_start3A_343 = tpu.memref_squeeze %dma_start3A_342 : memref<1x128xi32, #tpu.memory_space<vmem>> -> memref<128xi32, #tpu.memory_space<vmem>>
      %dma_start3A_344 = arith.constant 0 : i32
      %dma_start3A_345 = tpu.memref_slice %arg15[%dma_start3A_344] : memref<10240xf32, #tpu.memory_space<vmem_shared>> -> memref<10240xf32, #tpu.memory_space<vmem_shared>>
      tpu.enqueue_indirect_dma source(%arg12 : memref<128xf32, #tpu.memory_space<vmem>>) target(%dma_start3A_345 : memref<10240xf32, #tpu.memory_space<vmem_shared>>) offsets(%dma_start3A_343 : memref<128xi32, #tpu.memory_space<vmem>>) semaphore(%arg23 : memref<!tpu.dma_semaphore, #tpu.memory_space<semaphore_mem>>) {add = true}
      %add3A_346 = arith.constant 1 : i32
      %add3A_347 = arith.addi %mul3A_264, %add3A_346 : i32
      %dma_wait3A_348 = arith.constant 0 : i32
      %dma_wait3A_349 = tpu.memref_slice %arg9[%add3A_347, %dma_wait3A_348] : memref<40x128xi32, #tpu.memory_space<vmem>> -> memref<1x128xi32, #tpu.memory_space<vmem>>
      %dma_wait3A_350 = tpu.memref_squeeze %dma_wait3A_349 : memref<1x128xi32, #tpu.memory_space<vmem>> -> memref<128xi32, #tpu.memory_space<vmem>>
      %dma_wait3A_351 = arith.constant 0 : i32
      %dma_wait3A_352 = tpu.memref_slice %arg16[%dma_wait3A_351] : memref<10240xf32, #tpu.memory_space<vmem_shared>> -> memref<10240xf32, #tpu.memory_space<vmem_shared>>
      tpu.wait_indirect_dma semaphore(%arg22 : memref<!tpu.dma_semaphore, #tpu.memory_space<semaphore_mem>>) src(%dma_wait3A_352 : memref<10240xf32, #tpu.memory_space<vmem_shared>>) dst(%arg13 : memref<128xf32, #tpu.memory_space<vmem>>)
      %add3A_353 = arith.constant 1 : i32
      %add3A_354 = arith.addi %mul3A_264, %add3A_353 : i32
      %dma_start3A_355 = arith.constant 0 : i32
      %dma_start3A_356 = tpu.memref_slice %arg8[%add3A_354, %dma_start3A_355] : memref<40x128xi32, #tpu.memory_space<vmem>> -> memref<1x128xi32, #tpu.memory_space<vmem>>
      %dma_start3A_357 = tpu.memref_squeeze %dma_start3A_356 : memref<1x128xi32, #tpu.memory_space<vmem>> -> memref<128xi32, #tpu.memory_space<vmem>>
      %dma_start3A_358 = arith.constant 0 : i32
      %dma_start3A_359 = tpu.memref_slice %arg15[%dma_start3A_358] : memref<10240xf32, #tpu.memory_space<vmem_shared>> -> memref<10240xf32, #tpu.memory_space<vmem_shared>>
      tpu.enqueue_indirect_dma source(%arg13 : memref<128xf32, #tpu.memory_space<vmem>>) target(%dma_start3A_359 : memref<10240xf32, #tpu.memory_space<vmem_shared>>) offsets(%dma_start3A_357 : memref<128xi32, #tpu.memory_space<vmem>>) semaphore(%arg24 : memref<!tpu.dma_semaphore, #tpu.memory_space<semaphore_mem>>) {add = true}
    }
    %scan3A_188 = arith.constant 19 : i32
    %dma_wait3A_189 = arith.constant 38 : i32
    %dma_wait3A_190 = arith.constant 0 : i32
    %dma_wait3A_191 = tpu.memref_slice %arg8[%dma_wait3A_189, %dma_wait3A_190] : memref<40x128xi32, #tpu.memory_space<vmem>> -> memref<1x128xi32, #tpu.memory_space<vmem>>
    %dma_wait3A_192 = tpu.memref_squeeze %dma_wait3A_191 : memref<1x128xi32, #tpu.memory_space<vmem>> -> memref<128xi32, #tpu.memory_space<vmem>>
    %dma_wait3A_193 = arith.constant 0 : i32
    %dma_wait3A_194 = arith.constant 0 : i32
    %dma_wait3A_195 = tpu.memref_slice %arg2[%dma_wait3A_193, %dma_wait3A_194] : memref<10240x128xf32, #tpu.memory_space<hbm>> -> memref<10240x128xf32, #tpu.memory_space<hbm>>
    tpu.wait_indirect_dma semaphore(%arg17 : memref<!tpu.dma_semaphore, #tpu.memory_space<semaphore_mem>>) src(%dma_wait3A_195 : memref<10240x128xf32, #tpu.memory_space<hbm>>) dst(%arg10 : memref<128x128xf32, #tpu.memory_space<vmem>>)
    %dma_wait3A_196 = arith.constant 37 : i32
    %dma_wait3A_197 = arith.constant 0 : i32
    %dma_wait3A_198 = tpu.memref_slice %arg9[%dma_wait3A_196, %dma_wait3A_197] : memref<40x128xi32, #tpu.memory_space<vmem>> -> memref<1x128xi32, #tpu.memory_space<vmem>>
    %dma_wait3A_199 = tpu.memref_squeeze %dma_wait3A_198 : memref<1x128xi32, #tpu.memory_space<vmem>> -> memref<128xi32, #tpu.memory_space<vmem>>
    %dma_wait3A_200 = arith.constant 0 : i32
    %dma_wait3A_201 = arith.constant 0 : i32
    %dma_wait3A_202 = tpu.memref_slice %arg14[%dma_wait3A_200, %dma_wait3A_201] : memref<10240x128xf32, #tpu.memory_space<vmem_shared>> -> memref<10240x128xf32, #tpu.memory_space<vmem_shared>>
    tpu.wait_indirect_dma semaphore(%arg20 : memref<!tpu.dma_semaphore, #tpu.memory_space<semaphore_mem>>) src(%arg11 : memref<128x128xf32, #tpu.memory_space<vmem>>) dst(%dma_wait3A_202 : memref<10240x128xf32, #tpu.memory_space<vmem_shared>>)
    %dma_start3A_203 = arith.constant 38 : i32
    %dma_start3A_204 = arith.constant 0 : i32
    %dma_start3A_205 = tpu.memref_slice %arg9[%dma_start3A_203, %dma_start3A_204] : memref<40x128xi32, #tpu.memory_space<vmem>> -> memref<1x128xi32, #tpu.memory_space<vmem>>
    %dma_start3A_206 = tpu.memref_squeeze %dma_start3A_205 : memref<1x128xi32, #tpu.memory_space<vmem>> -> memref<128xi32, #tpu.memory_space<vmem>>
    %dma_start3A_207 = arith.constant 0 : i32
    %dma_start3A_208 = arith.constant 0 : i32
    %dma_start3A_209 = tpu.memref_slice %arg14[%dma_start3A_207, %dma_start3A_208] : memref<10240x128xf32, #tpu.memory_space<vmem_shared>> -> memref<10240x128xf32, #tpu.memory_space<vmem_shared>>
    tpu.enqueue_indirect_dma source(%arg10 : memref<128x128xf32, #tpu.memory_space<vmem>>) target(%dma_start3A_209 : memref<10240x128xf32, #tpu.memory_space<vmem_shared>>) offsets(%dma_start3A_206 : memref<128xi32, #tpu.memory_space<vmem>>) semaphore(%arg19 : memref<!tpu.dma_semaphore, #tpu.memory_space<semaphore_mem>>) {add = true}
    %dma_wait3A_210 = arith.constant 38 : i32
    %dma_wait3A_211 = arith.constant 0 : i32
    %dma_wait3A_212 = tpu.memref_slice %arg9[%dma_wait3A_210, %dma_wait3A_211] : memref<40x128xi32, #tpu.memory_space<vmem>> -> memref<1x128xi32, #tpu.memory_space<vmem>>
    %dma_wait3A_213 = tpu.memref_squeeze %dma_wait3A_212 : memref<1x128xi32, #tpu.memory_space<vmem>> -> memref<128xi32, #tpu.memory_space<vmem>>
    %dma_wait3A_214 = arith.constant 0 : i32
    %dma_wait3A_215 = arith.constant 0 : i32
    %dma_wait3A_216 = tpu.memref_slice %arg14[%dma_wait3A_214, %dma_wait3A_215] : memref<10240x128xf32, #tpu.memory_space<vmem_shared>> -> memref<10240x128xf32, #tpu.memory_space<vmem_shared>>
    tpu.wait_indirect_dma semaphore(%arg19 : memref<!tpu.dma_semaphore, #tpu.memory_space<semaphore_mem>>) src(%arg10 : memref<128x128xf32, #tpu.memory_space<vmem>>) dst(%dma_wait3A_216 : memref<10240x128xf32, #tpu.memory_space<vmem_shared>>)
    %dma_wait3A_217 = arith.constant 36 : i32
    %dma_wait3A_218 = arith.constant 0 : i32
    %dma_wait3A_219 = tpu.memref_slice %arg8[%dma_wait3A_217, %dma_wait3A_218] : memref<40x128xi32, #tpu.memory_space<vmem>> -> memref<1x128xi32, #tpu.memory_space<vmem>>
    %dma_wait3A_220 = tpu.memref_squeeze %dma_wait3A_219 : memref<1x128xi32, #tpu.memory_space<vmem>> -> memref<128xi32, #tpu.memory_space<vmem>>
    %dma_wait3A_221 = arith.constant 0 : i32
    %dma_wait3A_222 = tpu.memref_slice %arg15[%dma_wait3A_221] : memref<10240xf32, #tpu.memory_space<vmem_shared>> -> memref<10240xf32, #tpu.memory_space<vmem_shared>>
    tpu.wait_indirect_dma semaphore(%arg23 : memref<!tpu.dma_semaphore, #tpu.memory_space<semaphore_mem>>) src(%arg12 : memref<128xf32, #tpu.memory_space<vmem>>) dst(%dma_wait3A_222 : memref<10240xf32, #tpu.memory_space<vmem_shared>>)
    %dma_wait3A_223 = arith.constant 37 : i32
    %dma_wait3A_224 = arith.constant 0 : i32
    %dma_wait3A_225 = tpu.memref_slice %arg8[%dma_wait3A_223, %dma_wait3A_224] : memref<40x128xi32, #tpu.memory_space<vmem>> -> memref<1x128xi32, #tpu.memory_space<vmem>>
    %dma_wait3A_226 = tpu.memref_squeeze %dma_wait3A_225 : memref<1x128xi32, #tpu.memory_space<vmem>> -> memref<128xi32, #tpu.memory_space<vmem>>
    %dma_wait3A_227 = arith.constant 0 : i32
    %dma_wait3A_228 = tpu.memref_slice %arg15[%dma_wait3A_227] : memref<10240xf32, #tpu.memory_space<vmem_shared>> -> memref<10240xf32, #tpu.memory_space<vmem_shared>>
    tpu.wait_indirect_dma semaphore(%arg24 : memref<!tpu.dma_semaphore, #tpu.memory_space<semaphore_mem>>) src(%arg13 : memref<128xf32, #tpu.memory_space<vmem>>) dst(%dma_wait3A_228 : memref<10240xf32, #tpu.memory_space<vmem_shared>>)
    %dma_start3A_229 = arith.constant 38 : i32
    %dma_start3A_230 = arith.constant 0 : i32
    %dma_start3A_231 = tpu.memref_slice %arg9[%dma_start3A_229, %dma_start3A_230] : memref<40x128xi32, #tpu.memory_space<vmem>> -> memref<1x128xi32, #tpu.memory_space<vmem>>
    %dma_start3A_232 = tpu.memref_squeeze %dma_start3A_231 : memref<1x128xi32, #tpu.memory_space<vmem>> -> memref<128xi32, #tpu.memory_space<vmem>>
    %dma_start3A_233 = arith.constant 0 : i32
    %dma_start3A_234 = tpu.memref_slice %arg16[%dma_start3A_233] : memref<10240xf32, #tpu.memory_space<vmem_shared>> -> memref<10240xf32, #tpu.memory_space<vmem_shared>>
    tpu.enqueue_indirect_dma source(%dma_start3A_234 : memref<10240xf32, #tpu.memory_space<vmem_shared>>) target(%arg12 : memref<128xf32, #tpu.memory_space<vmem>>) offsets(%dma_start3A_232 : memref<128xi32, #tpu.memory_space<vmem>>) semaphore(%arg21 : memref<!tpu.dma_semaphore, #tpu.memory_space<semaphore_mem>>)
    %dma_wait3A_235 = arith.constant 38 : i32
    %dma_wait3A_236 = arith.constant 0 : i32
    %dma_wait3A_237 = tpu.memref_slice %arg9[%dma_wait3A_235, %dma_wait3A_236] : memref<40x128xi32, #tpu.memory_space<vmem>> -> memref<1x128xi32, #tpu.memory_space<vmem>>
    %dma_wait3A_238 = tpu.memref_squeeze %dma_wait3A_237 : memref<1x128xi32, #tpu.memory_space<vmem>> -> memref<128xi32, #tpu.memory_space<vmem>>
    %dma_wait3A_239 = arith.constant 0 : i32
    %dma_wait3A_240 = tpu.memref_slice %arg16[%dma_wait3A_239] : memref<10240xf32, #tpu.memory_space<vmem_shared>> -> memref<10240xf32, #tpu.memory_space<vmem_shared>>
    tpu.wait_indirect_dma semaphore(%arg21 : memref<!tpu.dma_semaphore, #tpu.memory_space<semaphore_mem>>) src(%dma_wait3A_240 : memref<10240xf32, #tpu.memory_space<vmem_shared>>) dst(%arg12 : memref<128xf32, #tpu.memory_space<vmem>>)
    %dma_start3A_241 = arith.constant 38 : i32
    %dma_start3A_242 = arith.constant 0 : i32
    %dma_start3A_243 = tpu.memref_slice %arg8[%dma_start3A_241, %dma_start3A_242] : memref<40x128xi32, #tpu.memory_space<vmem>> -> memref<1x128xi32, #tpu.memory_space<vmem>>
    %dma_start3A_244 = tpu.memref_squeeze %dma_start3A_243 : memref<1x128xi32, #tpu.memory_space<vmem>> -> memref<128xi32, #tpu.memory_space<vmem>>
    %dma_start3A_245 = arith.constant 0 : i32
    %dma_start3A_246 = tpu.memref_slice %arg15[%dma_start3A_245] : memref<10240xf32, #tpu.memory_space<vmem_shared>> -> memref<10240xf32, #tpu.memory_space<vmem_shared>>
    tpu.enqueue_indirect_dma source(%arg12 : memref<128xf32, #tpu.memory_space<vmem>>) target(%dma_start3A_246 : memref<10240xf32, #tpu.memory_space<vmem_shared>>) offsets(%dma_start3A_244 : memref<128xi32, #tpu.memory_space<vmem>>) semaphore(%arg23 : memref<!tpu.dma_semaphore, #tpu.memory_space<semaphore_mem>>) {add = true}
    %dma_wait3A_247 = arith.constant 38 : i32
    %dma_wait3A_248 = arith.constant 0 : i32
    %dma_wait3A_249 = tpu.memref_slice %arg8[%dma_wait3A_247, %dma_wait3A_248] : memref<40x128xi32, #tpu.memory_space<vmem>> -> memref<1x128xi32, #tpu.memory_space<vmem>>
    %dma_wait3A_250 = tpu.memref_squeeze %dma_wait3A_249 : memref<1x128xi32, #tpu.memory_space<vmem>> -> memref<128xi32, #tpu.memory_space<vmem>>
    %dma_wait3A_251 = arith.constant 0 : i32
    %dma_wait3A_252 = tpu.memref_slice %arg15[%dma_wait3A_251] : memref<10240xf32, #tpu.memory_space<vmem_shared>> -> memref<10240xf32, #tpu.memory_space<vmem_shared>>
    tpu.wait_indirect_dma semaphore(%arg23 : memref<!tpu.dma_semaphore, #tpu.memory_space<semaphore_mem>>) src(%arg12 : memref<128xf32, #tpu.memory_space<vmem>>) dst(%dma_wait3A_252 : memref<10240xf32, #tpu.memory_space<vmem_shared>>)
    %barrier3A_253 = arith.constant 0 : index
    tpu.barrier barrier_id(%barrier3A_253)
    %mul3A_254 = arith.constant 640 : i32
    %mul3A_255 = arith.muli %arg1, %mul3A_254 : i32
    %mul3A_256 = arith.constant 640 : i32
    %mul3A_257 = arith.muli %arg1, %mul3A_256 : i32
    "tpu.region"() ({
      %run_scoped3A_262 = tpu.sem_alloc : memref<!tpu.dma_semaphore, #tpu.memory_space<semaphore_mem>>
      %dma_start3A_263 = arith.constant 0 : i32
      %dma_start3A_264 = arith.constant 0 : i32
      %dma_start3A_265 = tpu.memref_slice %arg6[%arg0, %dma_start3A_263, %dma_start3A_264] : memref<2x10240x128xf32, #tpu.memory_space<hbm>> -> memref<1x10240x128xf32, #tpu.memory_space<hbm>>
      %dma_start3A_266 = tpu.memref_squeeze %dma_start3A_265 : memref<1x10240x128xf32, #tpu.memory_space<hbm>> -> memref<10240x128xf32, #tpu.memory_space<hbm>>
      %dma_start3A_267 = arith.constant 0 : i32
      %dma_start3A_268 = tpu.memref_slice %dma_start3A_266[%mul3A_257, %dma_start3A_267] : memref<10240x128xf32, #tpu.memory_space<hbm>> -> memref<640x128xf32, #tpu.memory_space<hbm>>
      %dma_start3A_269 = arith.constant 0 : i32
      %dma_start3A_270 = tpu.memref_slice %arg14[%mul3A_255, %dma_start3A_269] : memref<10240x128xf32, #tpu.memory_space<vmem_shared>> -> memref<640x128xf32, #tpu.memory_space<vmem_shared>>
      tpu.enqueue_dma source(%dma_start3A_270 : memref<640x128xf32, #tpu.memory_space<vmem_shared>>) target(%dma_start3A_268 : memref<640x128xf32, #tpu.memory_space<hbm>>) target_semaphore(%run_scoped3A_262 : memref<!tpu.dma_semaphore, #tpu.memory_space<semaphore_mem>>)
      %dma_wait3A_271 = arith.constant 0 : i32
      %dma_wait3A_272 = arith.constant 0 : i32
      %dma_wait3A_273 = tpu.memref_slice %arg6[%arg0, %dma_wait3A_271, %dma_wait3A_272] : memref<2x10240x128xf32, #tpu.memory_space<hbm>> -> memref<1x10240x128xf32, #tpu.memory_space<hbm>>
      %dma_wait3A_274 = tpu.memref_squeeze %dma_wait3A_273 : memref<1x10240x128xf32, #tpu.memory_space<hbm>> -> memref<10240x128xf32, #tpu.memory_space<hbm>>
      %dma_wait3A_275 = arith.constant 0 : i32
      %dma_wait3A_276 = tpu.memref_slice %dma_wait3A_274[%mul3A_257, %dma_wait3A_275] : memref<10240x128xf32, #tpu.memory_space<hbm>> -> memref<640x128xf32, #tpu.memory_space<hbm>>
      %dma_wait3A_277 = arith.constant 0 : i32
      %dma_wait3A_278 = tpu.memref_slice %arg14[%mul3A_255, %dma_wait3A_277] : memref<10240x128xf32, #tpu.memory_space<vmem_shared>> -> memref<640x128xf32, #tpu.memory_space<vmem_shared>>
      tpu.wait_dma2 semaphore(%run_scoped3A_262 : memref<!tpu.dma_semaphore, #tpu.memory_space<semaphore_mem>>) src(%dma_wait3A_278 : memref<640x128xf32, #tpu.memory_space<vmem_shared>>) dst(%dma_wait3A_276 : memref<640x128xf32, #tpu.memory_space<hbm>>)
      tpu.yield
    }) : () -> ()
    %mul3A_258 = arith.constant 640 : i32
    %mul3A_259 = arith.muli %arg1, %mul3A_258 : i32
    %mul3A_260 = arith.constant 640 : i32
    %mul3A_261 = arith.muli %arg1, %mul3A_260 : i32
    "tpu.region"() ({
      %run_scoped3A_262 = tpu.sem_alloc : memref<!tpu.dma_semaphore, #tpu.memory_space<semaphore_mem>>
      %dma_start3A_263 = arith.constant 0 : i32
      %dma_start3A_264 = tpu.memref_slice %arg7[%arg0, %dma_start3A_263] : memref<2x10240xf32, #tpu.memory_space<hbm>> -> memref<1x10240xf32, #tpu.memory_space<hbm>>
      %dma_start3A_265 = tpu.memref_squeeze %dma_start3A_264 : memref<1x10240xf32, #tpu.memory_space<hbm>> -> memref<10240xf32, #tpu.memory_space<hbm>>
      %dma_start3A_266 = tpu.memref_slice %dma_start3A_265[%mul3A_261] : memref<10240xf32, #tpu.memory_space<hbm>> -> memref<640xf32, #tpu.memory_space<hbm>>
      %dma_start3A_267 = tpu.memref_slice %arg15[%mul3A_259] : memref<10240xf32, #tpu.memory_space<vmem_shared>> -> memref<640xf32, #tpu.memory_space<vmem_shared>>
      tpu.enqueue_dma source(%dma_start3A_267 : memref<640xf32, #tpu.memory_space<vmem_shared>>) target(%dma_start3A_266 : memref<640xf32, #tpu.memory_space<hbm>>) target_semaphore(%run_scoped3A_262 : memref<!tpu.dma_semaphore, #tpu.memory_space<semaphore_mem>>)
      %dma_wait3A_268 = arith.constant 0 : i32
      %dma_wait3A_269 = tpu.memref_slice %arg7[%arg0, %dma_wait3A_268] : memref<2x10240xf32, #tpu.memory_space<hbm>> -> memref<1x10240xf32, #tpu.memory_space<hbm>>
      %dma_wait3A_270 = tpu.memref_squeeze %dma_wait3A_269 : memref<1x10240xf32, #tpu.memory_space<hbm>> -> memref<10240xf32, #tpu.memory_space<hbm>>
      %dma_wait3A_271 = tpu.memref_slice %dma_wait3A_270[%mul3A_261] : memref<10240xf32, #tpu.memory_space<hbm>> -> memref<640xf32, #tpu.memory_space<hbm>>
      %dma_wait3A_272 = tpu.memref_slice %arg15[%mul3A_259] : memref<10240xf32, #tpu.memory_space<vmem_shared>> -> memref<640xf32, #tpu.memory_space<vmem_shared>>
      tpu.wait_dma2 semaphore(%run_scoped3A_262 : memref<!tpu.dma_semaphore, #tpu.memory_space<semaphore_mem>>) src(%dma_wait3A_272 : memref<640xf32, #tpu.memory_space<vmem_shared>>) dst(%dma_wait3A_271 : memref<640xf32, #tpu.memory_space<hbm>>)
      tpu.yield
    }) : () -> ()
    return
  }
}

module attributes {stable_mosaic.version = 14 : i64} {
  func.func @_mm_body(%arg0: i32, %arg1: memref<1024x128xf32, #tpu.memory_space<vmem>>, %arg2: memref<128x128xf32, #tpu.memory_space<vmem>>, %arg3: memref<2x1024x1xf32, #tpu.memory_space<vmem>>, %arg4: memref<2x1024x1xf32, #tpu.memory_space<vmem>>, %arg5: memref<1024x128xf32, #tpu.memory_space<vmem>>, %arg6: memref<1024x1xf32, #tpu.memory_space<vmem>>, %arg7: memref<1024x1xf32, #tpu.memory_space<vmem>>) attributes {dimension_semantics = [#tpu.dimension_semantics<arbitrary>], iteration_bounds = array<i64: 10>, scalar_prefetch = 0 : i64, scratch_operands = 0 : i64, tpu.core_type = #tpu.core_type<tc>, window_params = [{transform_indices = @transform_0, window_bounds = array<i64: 1024, 128>}, {pipeline_mode = #tpu.pipeline_mode<synchronous>, transform_indices = @transform_1, window_bounds = array<i64: 128, 128>}, {transform_indices = @transform_2, window_bounds = array<i64: 2, 1024, 1>}, {transform_indices = @transform_3, window_bounds = array<i64: 2, 1024, 1>}, {transform_indices = @transform_4, window_bounds = array<i64: 1024, 128>}, {transform_indices = @transform_5, window_bounds = array<i64: 1024, 1>}, {transform_indices = @transform_6, window_bounds = array<i64: 1024, 1>}]} {
    %get3A = arith.constant 0 : index
    %get3A_0 = arith.constant 0 : index
    %get3A_1 = arith.constant 0 : index
    %get3A_2 = vector.load %arg3[%get3A, %get3A_0, %get3A_1] : memref<2x1024x1xf32, #tpu.memory_space<vmem>>, vector<1x1024x1xf32>
    %get3A_3 = vector.shape_cast %get3A_2 : vector<1x1024x1xf32> to vector<1024x1xf32>
    %get3A_4 = arith.constant 1 : index
    %get3A_5 = arith.constant 0 : index
    %get3A_6 = arith.constant 0 : index
    %get3A_7 = vector.load %arg3[%get3A_4, %get3A_5, %get3A_6] : memref<2x1024x1xf32, #tpu.memory_space<vmem>>, vector<1x1024x1xf32>
    %get3A_8 = vector.shape_cast %get3A_7 : vector<1x1024x1xf32> to vector<1024x1xf32>
    %add3A = arith.addf %get3A_3, %get3A_8 : vector<1024x1xf32>
    %get3A_9 = arith.constant 0 : index
    %get3A_10 = arith.constant 0 : index
    %get3A_11 = arith.constant 0 : index
    %get3A_12 = vector.load %arg4[%get3A_9, %get3A_10, %get3A_11] : memref<2x1024x1xf32, #tpu.memory_space<vmem>>, vector<1x1024x1xf32>
    %get3A_13 = vector.shape_cast %get3A_12 : vector<1x1024x1xf32> to vector<1024x1xf32>
    %get3A_14 = arith.constant 1 : index
    %get3A_15 = arith.constant 0 : index
    %get3A_16 = arith.constant 0 : index
    %get3A_17 = vector.load %arg4[%get3A_14, %get3A_15, %get3A_16] : memref<2x1024x1xf32, #tpu.memory_space<vmem>>, vector<1x1024x1xf32>
    %get3A_18 = vector.shape_cast %get3A_17 : vector<1x1024x1xf32> to vector<1024x1xf32>
    %add3A_19 = arith.addf %get3A_13, %get3A_18 : vector<1024x1xf32>
    %max3A = arith.constant 1.000000e+00 : f32
    %max3A_20 = vector.broadcast %max3A : f32 to vector<1024x1xf32>
    %max3A_21 = arith.maximumf %add3A, %max3A_20 : vector<1024x1xf32>
    %rsqrt3A = math.rsqrt %max3A_21 : vector<1024x1xf32>
    %max3A_22 = arith.constant 1.000000e+00 : f32
    %max3A_23 = vector.broadcast %max3A_22 : f32 to vector<1024x1xf32>
    %max3A_24 = arith.maximumf %add3A_19, %max3A_23 : vector<1024x1xf32>
    %rsqrt3A_25 = math.rsqrt %max3A_24 : vector<1024x1xf32>
    %swap3A = arith.constant 0 : index
    %swap3A_26 = arith.constant 0 : index
    %swap3A_27 = vector.load %arg6[%swap3A, %swap3A_26] : memref<1024x1xf32, #tpu.memory_space<vmem>>, vector<1024x1xf32>
    tpu.vector_store %arg6[%swap3A, %swap3A_26], %rsqrt3A {strides = array<i32>} : memref<1024x1xf32, #tpu.memory_space<vmem>>, vector<1024x1xf32>,
    %swap3A_28 = arith.constant 0 : index
    %swap3A_29 = arith.constant 0 : index
    %swap3A_30 = vector.load %arg7[%swap3A_28, %swap3A_29] : memref<1024x1xf32, #tpu.memory_space<vmem>>, vector<1024x1xf32>
    tpu.vector_store %arg7[%swap3A_28, %swap3A_29], %rsqrt3A_25 {strides = array<i32>} : memref<1024x1xf32, #tpu.memory_space<vmem>>, vector<1024x1xf32>,
    %get3A_31 = arith.constant 0 : index
    %get3A_32 = arith.constant 0 : index
    %get3A_33 = vector.load %arg1[%get3A_31, %get3A_32] : memref<1024x128xf32, #tpu.memory_space<vmem>>, vector<1024x128xf32>
    %mul3A = vector.broadcast %rsqrt3A : vector<1024x1xf32> to vector<1024x128xf32>
    %mul3A_34 = arith.mulf %get3A_33, %mul3A : vector<1024x128xf32>
    %get3A_35 = arith.constant 0 : index
    %get3A_36 = arith.constant 0 : index
    %get3A_37 = vector.load %arg2[%get3A_35, %get3A_36] : memref<128x128xf32, #tpu.memory_space<vmem>>, vector<128x128xf32>
    %dot_general3A = arith.constant dense<0.000000e+00> : vector<1024x128xf32>
    %dot_general3A_38 = tpu.matmul %mul3A_34, %get3A_37, %dot_general3A {dimension_numbers = #tpu.dot_dimension_numbers<[1], [0], [0], [1], [0, 0, 1, 1], [], []>, transpose_lhs_hint = false} : vector<1024x128xf32>, vector<128x128xf32>, vector<1024x128xf32> -> vector<1024x128xf32>
    %swap3A_39 = arith.constant 0 : index
    %swap3A_40 = arith.constant 0 : index
    %swap3A_41 = vector.load %arg5[%swap3A_39, %swap3A_40] : memref<1024x128xf32, #tpu.memory_space<vmem>>, vector<1024x128xf32>
    tpu.vector_store %arg5[%swap3A_39, %swap3A_40], %dot_general3A_38 {strides = array<i32>} : memref<1024x128xf32, #tpu.memory_space<vmem>>, vector<1024x128xf32>,
    return
  }
  func.func @transform_0(%arg0: i32) -> (i32, i32) {
    %c0_i32 = arith.constant 0 : i32
    %c0_i32_0 = arith.constant 0 : i32
    return %arg0, %c0_i32 : i32, i32
  }
  func.func @transform_1(%arg0: i32) -> (i32, i32) {
    %c0_i32 = arith.constant 0 : i32
    %c0_i32_0 = arith.constant 0 : i32
    %c0_i32_1 = arith.constant 0 : i32
    return %c0_i32, %c0_i32_0 : i32, i32
  }
  func.func @transform_2(%arg0: i32) -> (i32, i32, i32) {
    %c0_i32 = arith.constant 0 : i32
    %c0_i32_0 = arith.constant 0 : i32
    %c0_i32_1 = arith.constant 0 : i32
    return %c0_i32, %arg0, %c0_i32_0 : i32, i32, i32
  }
  func.func @transform_3(%arg0: i32) -> (i32, i32, i32) {
    %c0_i32 = arith.constant 0 : i32
    %c0_i32_0 = arith.constant 0 : i32
    %c0_i32_1 = arith.constant 0 : i32
    return %c0_i32, %arg0, %c0_i32_0 : i32, i32, i32
  }
  func.func @transform_4(%arg0: i32) -> (i32, i32) {
    %c0_i32 = arith.constant 0 : i32
    %c0_i32_0 = arith.constant 0 : i32
    return %arg0, %c0_i32 : i32, i32
  }
  func.func @transform_5(%arg0: i32) -> (i32, i32) {
    %c0_i32 = arith.constant 0 : i32
    %c0_i32_0 = arith.constant 0 : i32
    return %arg0, %c0_i32 : i32, i32
  }
  func.func @transform_6(%arg0: i32) -> (i32, i32) {
    %c0_i32 = arith.constant 0 : i32
    %c0_i32_0 = arith.constant 0 : i32
    return %arg0, %c0_i32 : i32, i32
  }
}

module attributes {stable_mosaic.version = 14 : i64} {
  func.func @_fin_body(%arg0: i32, %arg1: memref<2x1024x128xf32, #tpu.memory_space<vmem>>, %arg2: memref<2x1024x1xf32, #tpu.memory_space<vmem>>, %arg3: memref<1024x1xf32, #tpu.memory_space<vmem>>, %arg4: memref<1024x1xf32, #tpu.memory_space<vmem>>, %arg5: memref<1x128xf32, #tpu.memory_space<vmem>>, %arg6: memref<128x40xf32, #tpu.memory_space<vmem>>, %arg7: memref<1x40xf32, #tpu.memory_space<vmem>>, %arg8: memref<1x40xf32, #tpu.memory_space<vmem>>, %arg9: memref<8x128xf32, #tpu.memory_space<vmem>>) attributes {dimension_semantics = [#tpu.dimension_semantics<arbitrary>], iteration_bounds = array<i64: 10>, scalar_prefetch = 0 : i64, scratch_operands = 1 : i64, tpu.core_type = #tpu.core_type<tc>, window_params = [{transform_indices = @transform_0, window_bounds = array<i64: 2, 1024, 128>}, {transform_indices = @transform_1, window_bounds = array<i64: 2, 1024, 1>}, {transform_indices = @transform_2, window_bounds = array<i64: 1024, 1>}, {transform_indices = @transform_3, window_bounds = array<i64: 1024, 1>}, {pipeline_mode = #tpu.pipeline_mode<synchronous>, transform_indices = @transform_4, window_bounds = array<i64: 1, 128>}, {pipeline_mode = #tpu.pipeline_mode<synchronous>, transform_indices = @transform_5, window_bounds = array<i64: 128, 40>}, {pipeline_mode = #tpu.pipeline_mode<synchronous>, transform_indices = @transform_6, window_bounds = array<i64: 1, 40>}, {pipeline_mode = #tpu.pipeline_mode<synchronous>, transform_indices = @transform_7, window_bounds = array<i64: 1, 40>}]} {
    %get3A = arith.constant 0 : index
    %get3A_0 = arith.constant 0 : index
    %get3A_1 = arith.constant 0 : index
    %get3A_2 = vector.load %arg1[%get3A, %get3A_0, %get3A_1] : memref<2x1024x128xf32, #tpu.memory_space<vmem>>, vector<1x1024x128xf32>
    %get3A_3 = vector.shape_cast %get3A_2 : vector<1x1024x128xf32> to vector<1024x128xf32>
    %get3A_4 = arith.constant 1 : index
    %get3A_5 = arith.constant 0 : index
    %get3A_6 = arith.constant 0 : index
    %get3A_7 = vector.load %arg1[%get3A_4, %get3A_5, %get3A_6] : memref<2x1024x128xf32, #tpu.memory_space<vmem>>, vector<1x1024x128xf32>
    %get3A_8 = vector.shape_cast %get3A_7 : vector<1x1024x128xf32> to vector<1024x128xf32>
    %add3A = arith.addf %get3A_3, %get3A_8 : vector<1024x128xf32>
    %get3A_9 = arith.constant 0 : index
    %get3A_10 = arith.constant 0 : index
    %get3A_11 = vector.load %arg3[%get3A_9, %get3A_10] : memref<1024x1xf32, #tpu.memory_space<vmem>>, vector<1024x1xf32>
    %mul3A = vector.broadcast %get3A_11 : vector<1024x1xf32> to vector<1024x128xf32>
    %mul3A_12 = arith.mulf %add3A, %mul3A : vector<1024x128xf32>
    %get3A_13 = arith.constant 0 : index
    %get3A_14 = arith.constant 0 : index
    %get3A_15 = vector.load %arg5[%get3A_13, %get3A_14] : memref<1x128xf32, #tpu.memory_space<vmem>>, vector<1x128xf32>
    %add3A_16 = vector.broadcast %get3A_15 : vector<1x128xf32> to vector<1024x128xf32>
    %add3A_17 = arith.addf %mul3A_12, %add3A_16 : vector<1024x128xf32>
    %max3A = arith.constant 0.000000e+00 : f32
    %max3A_18 = vector.broadcast %max3A : f32 to vector<1024x128xf32>
    %max3A_19 = arith.maximumf %add3A_17, %max3A_18 : vector<1024x128xf32>
    %iota3A = tpu.iota {dimensions = array<i32: 0>} : vector<1024x1xi32>
    %mul3A_20 = arith.constant 1024 : i32
    %mul3A_21 = arith.muli %arg0, %mul3A_20 : i32
    %add3A_22 = vector.broadcast %mul3A_21 : i32 to vector<1024x1xi32>
    %add3A_23 = arith.addi %iota3A, %add3A_22 : vector<1024x1xi32>
    %lt3A = arith.constant 10000 : i32
    %lt3A_24 = vector.broadcast %lt3A : i32 to vector<1024x1xi32>
    %lt3A_25 = arith.cmpi slt, %add3A_23, %lt3A_24 : vector<1024x1xi32>
    %get3A_26 = arith.constant 0 : index
    %get3A_27 = arith.constant 0 : index
    %get3A_28 = arith.constant 0 : index
    %get3A_29 = vector.load %arg2[%get3A_26, %get3A_27, %get3A_28] : memref<2x1024x1xf32, #tpu.memory_space<vmem>>, vector<1x1024x1xf32>
    %get3A_30 = vector.shape_cast %get3A_29 : vector<1x1024x1xf32> to vector<1024x1xf32>
    %get3A_31 = arith.constant 1 : index
    %get3A_32 = arith.constant 0 : index
    %get3A_33 = arith.constant 0 : index
    %get3A_34 = vector.load %arg2[%get3A_31, %get3A_32, %get3A_33] : memref<2x1024x1xf32, #tpu.memory_space<vmem>>, vector<1x1024x1xf32>
    %get3A_35 = vector.shape_cast %get3A_34 : vector<1x1024x1xf32> to vector<1024x1xf32>
    %add3A_36 = arith.addf %get3A_30, %get3A_35 : vector<1024x1xf32>
    %get3A_37 = arith.constant 0 : index
    %get3A_38 = arith.constant 0 : index
    %get3A_39 = vector.load %arg4[%get3A_37, %get3A_38] : memref<1024x1xf32, #tpu.memory_space<vmem>>, vector<1024x1xf32>
    %mul3A_40 = arith.mulf %add3A_36, %get3A_39 : vector<1024x1xf32>
    %jit3A = arith.constant 0.000000e+00 : f32
    %broadcast_in_dim3A = vector.broadcast %jit3A : f32 to vector<1024x1xf32>
    %select_n3A = arith.select %lt3A_25, %mul3A_40, %broadcast_in_dim3A : vector<1024x1xi1>, vector<1024x1xf32>
    %mul3A_41 = vector.broadcast %select_n3A : vector<1024x1xf32> to vector<1024x128xf32>
    %mul3A_42 = arith.mulf %max3A_19, %mul3A_41 : vector<1024x128xf32>
    %reshape3A = vector.shape_cast %mul3A_42 : vector<1024x128xf32> to vector<128x8x128xf32>
    %reduce_sum3A = arith.constant dense<0.000000e+00> : vector<8x128xf32>
    %reduce_sum3A_43 = vector.multi_reduction <add>, %reshape3A, %reduce_sum3A [0] : vector<128x8x128xf32> to vector<8x128xf32>
    %eq3A = arith.constant 0 : i32
    %eq3A_44 = arith.cmpi eq, %arg0, %eq3A : i32
    %convert_element_type3A = arith.extui %eq3A_44 : i1 to i32
    %cond3A = arith.constant 0 : i32
    %cond3A_45 = arith.cmpi ne, %convert_element_type3A, %cond3A : i32
    scf.if %cond3A_45 {
      %swap3A = arith.constant 0 : index
      %swap3A_55 = arith.constant 0 : index
      %swap3A_56 = vector.load %arg9[%swap3A, %swap3A_55] : memref<8x128xf32, #tpu.memory_space<vmem>>, vector<8x128xf32>
      tpu.vector_store %arg9[%swap3A, %swap3A_55], %reduce_sum3A_43 {strides = array<i32>} : memref<8x128xf32, #tpu.memory_space<vmem>>, vector<8x128xf32>,
    } else {
    }
    %gt3A = arith.constant 0 : i32
    %gt3A_46 = arith.cmpi sgt, %arg0, %gt3A : i32
    %convert_element_type3A_47 = arith.extui %gt3A_46 : i1 to i32
    %cond3A_48 = arith.constant 0 : i32
    %cond3A_49 = arith.cmpi ne, %convert_element_type3A_47, %cond3A_48 : i32
    scf.if %cond3A_49 {
      %get3A_55 = arith.constant 0 : index
      %get3A_56 = arith.constant 0 : index
      %get3A_57 = vector.load %arg9[%get3A_55, %get3A_56] : memref<8x128xf32, #tpu.memory_space<vmem>>, vector<8x128xf32>
      %add3A_58 = arith.addf %get3A_57, %reduce_sum3A_43 : vector<8x128xf32>
      %swap3A = arith.constant 0 : index
      %swap3A_59 = arith.constant 0 : index
      %swap3A_60 = vector.load %arg9[%swap3A, %swap3A_59] : memref<8x128xf32, #tpu.memory_space<vmem>>, vector<8x128xf32>
      tpu.vector_store %arg9[%swap3A, %swap3A_59], %add3A_58 {strides = array<i32>} : memref<8x128xf32, #tpu.memory_space<vmem>>, vector<8x128xf32>,
    } else {
    }
    %eq3A_50 = arith.constant 9 : i32
    %eq3A_51 = arith.cmpi eq, %arg0, %eq3A_50 : i32
    %convert_element_type3A_52 = arith.extui %eq3A_51 : i1 to i32
    %cond3A_53 = arith.constant 0 : i32
    %cond3A_54 = arith.cmpi ne, %convert_element_type3A_52, %cond3A_53 : i32
    scf.if %cond3A_54 {
      %get3A_55 = arith.constant 0 : index
      %get3A_56 = arith.constant 0 : index
      %get3A_57 = vector.load %arg9[%get3A_55, %get3A_56] : memref<8x128xf32, #tpu.memory_space<vmem>>, vector<8x128xf32>
      %reduce_sum3A_58 = arith.constant dense<0.000000e+00> : vector<128xf32>
      %reduce_sum3A_59 = vector.multi_reduction <add>, %get3A_57, %reduce_sum3A_58 [0] : vector<8x128xf32> to vector<128xf32>
      %broadcast_in_dim3A_60 = vector.shape_cast %reduce_sum3A_59 : vector<128xf32> to vector<1x128xf32>
      %get3A_61 = arith.constant 0 : index
      %get3A_62 = arith.constant 0 : index
      %get3A_63 = vector.load %arg6[%get3A_61, %get3A_62] : memref<128x40xf32, #tpu.memory_space<vmem>>, vector<128x40xf32>
      %dot_general3A = arith.constant dense<0.000000e+00> : vector<1x40xf32>
      %dot_general3A_64 = tpu.matmul %broadcast_in_dim3A_60, %get3A_63, %dot_general3A {dimension_numbers = #tpu.dot_dimension_numbers<[1], [0], [0], [1], [0, 0, 1, 1], [], []>, transpose_lhs_hint = false} : vector<1x128xf32>, vector<128x40xf32>, vector<1x40xf32> -> vector<1x40xf32>
      %mul3A_65 = arith.constant 9.99999974E-5 : f32
      %mul3A_66 = vector.broadcast %mul3A_65 : f32 to vector<1x40xf32>
      %mul3A_67 = arith.mulf %dot_general3A_64, %mul3A_66 : vector<1x40xf32>
      %get3A_68 = arith.constant 0 : index
      %get3A_69 = arith.constant 0 : index
      %get3A_70 = vector.load %arg7[%get3A_68, %get3A_69] : memref<1x40xf32, #tpu.memory_space<vmem>>, vector<1x40xf32>
      %add3A_71 = arith.addf %mul3A_67, %get3A_70 : vector<1x40xf32>
      %swap3A = arith.constant 0 : index
      %swap3A_72 = arith.constant 0 : index
      %swap3A_73 = vector.load %arg8[%swap3A, %swap3A_72] : memref<1x40xf32, #tpu.memory_space<vmem>>, vector<1x40xf32>
      tpu.vector_store %arg8[%swap3A, %swap3A_72], %add3A_71 {strides = array<i32>} : memref<1x40xf32, #tpu.memory_space<vmem>>, vector<1x40xf32>,
    } else {
    }
    return
  }
  func.func @transform_0(%arg0: i32) -> (i32, i32, i32) {
    %c0_i32 = arith.constant 0 : i32
    %c0_i32_0 = arith.constant 0 : i32
    %c0_i32_1 = arith.constant 0 : i32
    return %c0_i32, %arg0, %c0_i32_0 : i32, i32, i32
  }
  func.func @transform_1(%arg0: i32) -> (i32, i32, i32) {
    %c0_i32 = arith.constant 0 : i32
    %c0_i32_0 = arith.constant 0 : i32
    %c0_i32_1 = arith.constant 0 : i32
    return %c0_i32, %arg0, %c0_i32_0 : i32, i32, i32
  }
  func.func @transform_2(%arg0: i32) -> (i32, i32) {
    %c0_i32 = arith.constant 0 : i32
    %c0_i32_0 = arith.constant 0 : i32
    return %arg0, %c0_i32 : i32, i32
  }
  func.func @transform_3(%arg0: i32) -> (i32, i32) {
    %c0_i32 = arith.constant 0 : i32
    %c0_i32_0 = arith.constant 0 : i32
    return %arg0, %c0_i32 : i32, i32
  }
  func.func @transform_4(%arg0: i32) -> (i32, i32) {
    %c0_i32 = arith.constant 0 : i32
    %c0_i32_0 = arith.constant 0 : i32
    %c0_i32_1 = arith.constant 0 : i32
    return %c0_i32, %c0_i32_0 : i32, i32
  }
  func.func @transform_5(%arg0: i32) -> (i32, i32) {
    %c0_i32 = arith.constant 0 : i32
    %c0_i32_0 = arith.constant 0 : i32
    %c0_i32_1 = arith.constant 0 : i32
    return %c0_i32, %c0_i32_0 : i32, i32
  }
  func.func @transform_6(%arg0: i32) -> (i32, i32) {
    %c0_i32 = arith.constant 0 : i32
    %c0_i32_0 = arith.constant 0 : i32
    %c0_i32_1 = arith.constant 0 : i32
    return %c0_i32, %c0_i32_0 : i32, i32
  }
  func.func @transform_7(%arg0: i32) -> (i32, i32) {
    %c0_i32 = arith.constant 0 : i32
    %c0_i32_0 = arith.constant 0 : i32
    %c0_i32_1 = arith.constant 0 : i32
    return %c0_i32, %c0_i32_0 : i32, i32
  }
}

</mosaic_0001>

<sc_bundles>
// kernel: kernel.6.cloned.1.call-start
scs
__scs_entry_jumppad:
0x0: {  	(pc) =	sbr.rel $0x88, $3  }
0x1: {  	(tag) =	ssettag $0x0;
	lr =	simm.s32 $0x1  }
0x2: {  	[smem:$0x3F9B] =	sst lr;
	_ =	strace $0xD0000000  }
0x3: {  	_ = 	snop  }
0x4: {  	_ = 	snop  }
0x5: {  	_ = 	snop  }
0x6: {  	_ = 	snop  }
0x7: {  	_ = 	snop  }
__scs_overlays_trampoline_lowered:
0x8: {  	[smem:$0x3FAA] =	sst s0  }
0x9: {  	[smem:$0x3FAB] =	sst s1  }
0xa: {  	[smem:$0x3FAC] =	sst s2  }
0xb: {  	[smem:$0x3FAD] =	sst s3  }
0xc: {  	[smem:$0x3FAE] =	sst s4  }
0xd: {  	[smem:$0x3FAF] =	sst s5  }
0xe: {  	[smem:$0x3FB0] =	sst s6  }
0xf: {  	[smem:$0x3FB1] =	sst s7  }
0x10: {  	[smem:$0x3FB2] =	sst s8  }
0x11: {  	[smem:$0x3FB3] =	sst s9;
	s0 =	simm.s32 @!p0 $0x0  }
0x12: {  	s1 =	sld [smem:$0x3F99];
	s0 =	simm.s32 @p0 $0x1  }
0x13: {  	[smem:$0x3FB4] =	sst s0;
	s0 =	simm.s32 @!p1 $0x0  }
0x14: {  	s2 =	sld [smem:$0x3F98];
	s0 =	simm.s32 @p1 $0x1  }
0x15: {  	[smem:$0x3FB5] =	sst s0;
	s0 =	simm.s32 @!p2 $0x0  }
0x16: {  	s3 =	sld [smem:$0x3FDB];
	s0 =	simm.s32 @p2 $0x1  }
0x17: {  	s4 =	simm.s32 $0x1BF5;
	[smem:$0x3FB7] =	sst s0  }
0x18: {  	s0 =	sld [smem:$0x3F9A];
	_ =	swait.ge [sflag:s4], $0x0  }
0x19: {  	s7 =	sld [smem:$0x3F9B]  }
0x1a: {  	s8 =	sadd.s32 $0xFFFFE003, lr  }
0x1b: {  	s9 =	sadd.s32 $0xFFFFFEF7, lr;
	s5 =	simm.s32 $0xFFFFFFFF;
	p2 =	slt.u32 s8, $0xFFFFF086  }
0x1c: {  	p1 =	slt.u32 s9, $0xF7A;
	s5 =	simm.s32 @!p2 $0x0  }
0x1d: {  	s5 =	simm.s32 @p1 $0x1;
	p0 =	seq.s32 s7, s2  }
0x1e: {  	s7 =	smul.u32 @!p0 $0xF7A, s2;
	p2 =	seq.s32 @!p0 s5, $0x0  }
0x1f: {  	s9 =	smul.u32 $0xF7A, s1;
	s8 =	simm.s32 @!p0 $0x1BF5;
	p2 =	por !p2, p0  }
0x20: {  	[sflag:s8] =	ssyncset.s32 @!p0 $0xFFFFF086;
	s6 =	sadd.s32 @!p0 s3, s7;
	s7 =	simm.s32 @!p0 $0x108  }
0x21: {  	s3 =	sadd.s32 s3, s9;
	s6 =	sadd.s32 @!p0 $0x88, s6;
	s7 =	simm.s32 @p2 $0x1082  }
0x22: {  	[simem:s7], [sflag:s8] =	dma.local @!p0 [hbm:s6], $0xF7A  }
0x23: {  	s9 =	sor.u32 $0xD0000000, s2;
	s6 =	simm.s32 $0x108;
	_ =	swait.ge @!p0 [sflag:s8], $0x0  }
0x24: {  	s3 =	sadd.s32 $0x88, s3;
	s6 =	simm.s32 @!p1 $0x1082;
	[sflag:s4] =	ssyncset.s32 $0xFFFFF086  }
0x25: {  	[simem:s6], [sflag:s4] =	dma.local [hbm:s3], $0xF7A  }
0x26: {  	[smem:$0x3F9B] =	sst s1;
	(tag) =	ssettag s2;
	_ =	strace s9  }
0x27: {  	s1 =	sld [smem:$0x3FAB]  }
0x28: {  	s2 =	sld [smem:$0x3FAC]  }
0x29: {  	s4 =	sld [smem:$0x3FAE]  }
0x2a: {  	p0 =	seq.s32 s5, $0x0;
	s5 =	sld [smem:$0x3FAF]  }
0x2b: {  	s6 =	sld [smem:$0x3FB0]  }
0x2c: {  	s7 =	sld [smem:$0x3FB1]  }
0x2d: {  	s3 =	simm.s32 $0x108;
	s8 =	sld [smem:$0x3FB2]  }
0x2e: {  	s3 =	simm.s32 @!p0 $0x1082;
	s9 =	sld [smem:$0x3FB3]  }
0x2f: {  	lr =	sadd.s32 s0, s3;
	s0 =	sld [smem:$0x3FAA]  }
0x30: {  	s3 =	sld [smem:$0x3FAD]  }
0x31: {  	[smem:$0x3FB6] =	sst s10  }
0x32: {  	s10 =	sld [smem:$0x3FB4];
	_ =	sdelay $0x3  }
0x33: {  	p0 =	seq.s32 s10, $0x1;
	s10 =	sld [smem:$0x3FB6];
	_ =	sdelay $0x3  }
0x34: {  	[smem:$0x3FB6] =	sst s10  }
0x35: {  	s10 =	sld [smem:$0x3FB5];
	_ =	sdelay $0x3  }
0x36: {  	p1 =	seq.s32 s10, $0x1;
	s10 =	sld [smem:$0x3FB6];
	_ =	sdelay $0x3  }
0x37: {  	[smem:$0x3FB6] =	sst s10  }
0x38: {  	s10 =	sld [smem:$0x3FB7]  }
0x39: {  	_ = 	snop;
	(pc) =	sbr.ind lr, $3  }
0x3a: {  	_ = 	snop  }
0x3b: {  	_ = 	snop  }
0x3c: {  	p2 =	seq.s32 s10, $0x1;
	s10 =	sld [smem:$0x3FB6]  }
0x3d: {  	_ =	shalt  }
0x3e: {  	_ =	shalt  }
0x3f: {  	_ =	shalt  }
0x40: {  	_ =	shalt  }
0x41: {  	_ =	shalt  }
0x42: {  	_ =	shalt  }
0x43: {  	_ =	shalt  }
0x44: {  	_ =	shalt  }
0x45: {  	_ =	shalt  }
0x46: {  	_ =	shalt  }
0x47: {  	_ =	shalt  }
0x48: {  	_ =	shalt  }
0x49: {  	_ =	shalt  }
0x4a: {  	_ =	shalt  }
0x4b: {  	_ =	shalt  }
0x4c: {  	_ =	shalt  }
0x4d: {  	_ =	shalt  }
0x4e: {  	_ =	shalt  }
0x4f: {  	_ =	shalt  }
0x50: {  	_ =	shalt  }
0x51: {  	_ =	shalt  }
0x52: {  	_ =	shalt  }
0x53: {  	_ =	shalt  }
0x54: {  	_ =	shalt  }
0x55: {  	_ =	shalt  }
0x56: {  	_ =	shalt  }
0x57: {  	_ =	shalt  }
0x58: {  	_ =	shalt  }
0x59: {  	_ =	shalt  }
0x5a: {  	_ =	shalt  }
0x5b: {  	_ =	shalt  }
0x5c: {  	_ =	shalt  }
0x5d: {  	_ =	shalt  }
0x5e: {  	_ =	shalt  }
0x5f: {  	_ =	shalt  }
0x60: {  	_ =	shalt  }
0x61: {  	_ =	shalt  }
0x62: {  	_ =	shalt  }
0x63: {  	_ =	shalt  }
0x64: {  	_ =	shalt  }
0x65: {  	_ =	shalt  }
0x66: {  	_ =	shalt  }
0x67: {  	_ =	shalt  }
0x68: {  	_ =	shalt  }
0x69: {  	_ =	shalt  }
0x6a: {  	_ =	shalt  }
0x6b: {  	_ =	shalt  }
0x6c: {  	_ =	shalt  }
0x6d: {  	_ =	shalt  }
0x6e: {  	_ =	shalt  }
0x6f: {  	_ =	shalt  }
0x70: {  	_ =	shalt  }
0x71: {  	_ =	shalt  }
0x72: {  	_ =	shalt  }
0x73: {  	_ =	shalt  }
0x74: {  	_ =	shalt  }
0x75: {  	_ =	shalt  }
0x76: {  	_ =	shalt  }
0x77: {  	_ =	shalt  }
0x78: {  	_ =	shalt  }
0x79: {  	_ =	shalt  }
0x7a: {  	_ =	shalt  }
0x7b: {  	_ =	shalt  }
0x7c: {  	_ =	shalt  }
0x7d: {  	_ =	shalt  }
0x7e: {  	_ =	shalt  }
0x7f: {  	_ =	shalt  }
0x80: {  	_ =	shalt  }
0x81: {  	_ =	shalt  }
0x82: {  	_ =	shalt  }
0x83: {  	_ =	shalt  }
0x84: {  	_ =	shalt  }
0x85: {  	_ =	shalt  }
0x86: {  	_ =	shalt  }
0x87: {  	_ =	shalt  }
.Lfunc_end0:
.L_simem_size_0:
called_computation_lowered:
.L_overlay_start_0:
0x88: {  	s2 =	sld [smem:$0x3FD9]  }
0x89: {  	s3 =	sld [smem:$0x3FFE];
	_ =	sdelay $0x1  }
0x8a: {  	s1 =	srdreg.scid  }
0x8b: {  	s0 =	sand.u32 $0x1, s1  }
0x8c: {  	s16 =	sshll.u32 s0, $0xA;
	s2 =	sadd.s32 s3, s2  }
0x8d: {  	s2 =	sadd.s32 s2, s16  }
0x8e: {  	[smem:$0x3FC2] =	sst s2  }
0x8f: {  	_ = 	snop  }
0x90: {  	(tm) =	ssettm $0x1  }
0x91: {  	s17 =	sld [smem:$0x3FFB];
	_ =	sdelay $0x3  }
0x92: {  	_ =	strace s17  }
0x93: {  	s2 =	sld [smem:$0x3FFC];
	_ =	sdelay $0x3  }
0x94: {  	_ =	strace s2  }
0x95: {  	s2 =	sld [smem:$0x3FFD];
	_ =	sdelay $0x3  }
0x96: {  	_ =	strace s2  }
0x97: {  	_ =	strace $0x8FFFFFFF  }
0x98: {  	s18 =	sld [smem:$0x3FDB];
	_ =	sdelay $0x1  }
0x99: {  	s19 =	simm.s32 $_scs_section_size  }
0x9a: {  	s4 =	simm.s32 $_size__tile_overlayer_lowered;
	s5 =	simm.s32 $_tile_overlayer_lowered  }
0x9b: {  	s22 =	simm.s32 $0x1BFF;
	s21 =	sshll.u32 s5, $0x1;
	s2 =	sadd.s32 s19, s18  }
0x9c: {  	s6 =	simm.s32 $0x0;
	s20 =	sshll.u32 s4, $0x1;
	s4 =	sadd.s32 s21, s2  }
0x9d: {  	[timem:s6], [sflag:s22] =	dma.local [hbm:s4], s20  }
0x9e: {  	_ =	swait.ge [sflag:s22], s20  }
0x9f: {  	s3 =	ssub.s32 $0x0, s20;
	[sflag:s22] =	ssyncset.done $0x0  }
0xa0: {  	[sflag:s22] =	ssyncadd.s32 s3;
	_ =	sdelay $0x1  }
0xa1: {  	s23 =	simm.s32 $0x1B8B  }
0xa2: {  	_ =	swait.ge [sflag:s23], $0x1  }
0xa3: {  	[sflag:s23] =	ssyncset.done $0x0  }
0xa4: {  	s25 =	simm.s32 $0x1B8E;
	s24 =	sld [smem:$0x3FFE];
	[sflag:s23] =	ssyncadd.s32 $0xFFFFFFFF  }
0xa5: {  	s26 =	simm.s32 $execute0_lowered;
	[smem:$0x3FD2] =	sst s25  }
0xa6: {  	s4 =	sshll.u32 s26, $0x1;
	_ =	strace $0x80000046;
	[dreg:$0x1] =	wrdreg $0xFFFFFFFF  }
0xa7: {  	s28 =	simm.s32 $_size_execute0_lowered;
	s2 =	sadd.s32 s2, s4;
	[dreg:$0x0] =	wrdreg $0x0  }
0xa8: {  	s4 =	sshll.u32 s28, $0x1;
	[dreg:$0x2] =	wrdreg s2  }
0xa9: {  	[dreg:$0x3] =	wrdreg s4  }
0xaa: {  	[dreg:$0x4] =	wrdreg $0xC0  }
0xab: {  	_ =	task [dreg:s6], $0x5FFFF  }
0xac: {  	[dreg:$0x1] =	wrdreg $0xFFFFFFFF  }
0xad: {  	[dreg:$0x0] =	wrdreg $0x60  }
0xae: {  	[dreg:$0x2] =	wrdreg s24  }
0xaf: {  	[dreg:$0x3] =	wrdreg $0x83000  }
0xb0: {  	[dreg:$0x4] =	wrdreg $0x85800  }
0xb1: {  	[dreg:$0x5] =	wrdreg $0x9  }
0xb2: {  	_ =	task.clear_ibuf [dreg:s6], $0x6FFFF;
	_ =	strace $0x90000046  }
0xb3: {  	s29 =	simm.s32 $0x9;
	_ =	strace $0x80000048  }
0xb4: {  	_ =	swait.ge [sflag:s29], $0x1  }
0xb5: {  	[sflag:s29] =	ssyncadd.s32 $0xFFFFFFFF  }
0xb6: {  	_ =	strace $0x90000048  }
0xb7: {  	_ =	sfence  }
0xb8: {  	s30 =	sld [smem:$0x0];
	_ =	sdelay $0x2  }
0xb9: {  	s31 =	sshll.u32 s1, $0xD;
	s1 =	sshrl.u32 s1, $0x2  }
0xba: {  	s3 =	sand.u32 $0x4000, s31;
	s1 =	sadd.s32 s1, s30  }
0xbb: {  	s0 =	sor.u32 s3, s0;
	s1 =	sshll.u32 s1, $0x11  }
0xbc: {  	s0 =	sor.u32 s1, s0  }
0xbd: {  	s0 =	sadd.s32 $0x8F2B, s0  }
0xbe: {  	[sflag:s0] =	ssyncadd.remote.s32 $0x1  }
0xbf: {  	_ =	sfence.sel $0xFFFF  }
0xc0: {  	[dreg:$0x0] =	wrdreg $0xFFFFFFFF;
	(pc) =	sbr.abs _section_cstart, $3  }
0xc1: {  	[dreg:$0x1] =	wrdreg $0xFFFFFFFF  }
0xc2: {  	_ =	task.clear_ibuf [dreg:s6], $0x2FFFF;
	_ =	strace $0x9FFFFFFF  }
0xc3: {  	(tm) =	ssettm $0x7FFFFFFF  }
tec
execute0_lowered:
.L_overlay_start_1:
0x0: {  	(tag) =	ssettag $0x1  }
0x1: {  	s5 =	rddreg [dreg:$0x0]  }
0x2: {  	s1 =	rddreg [dreg:$0x1]  }
0x3: {  	s3 =	rddreg [dreg:$0x2]  }
0x4: {  	s6 =	srdreg.scid;
	s4 =	simm.s32 $0x0;
	s2 =	stileid.u32  }
0x5: {  	s11 =	simm.s32 $0x4000;
	s12 =	simm.s32 $0x8080;
	s13 =	simm.s32 $0x50  }
0x6: {  	s14 =	simm.s32 $0x8000;
	s15 =	simm.s32 $0x80;
	s16 =	simm.s32 $0x4080  }
0x7: {  	s17 =	simm.s32 $0x100;
	s18 =	simm.s32 $0x4100;
	s19 =	simm.s32 $0x180  }
0x8: {  	s20 =	simm.s32 $0x4180;
	s21 =	simm.s32 $0x1;
	s22 =	simm.s32 $0x2  }
0x9: {  	s26 =	simm.s32 $0x10;
	s28 =	simm.s32 $0x0;
	s6 =	sand.u32 $0x1, s6  }
0xa: {  	[smem:$0x7FF] =	sst s4;
	s7 =	sshll.u32 s2, $0xC;
	s31 =	smul.u32 $0x280, s2  }
0xb: {  	s24 =	smul.u32 $0xA0, s2;
	s8 =	sshll.u32 s6, $0xB;
	_ =	strace $0x80000047  }
0xc: {  	s29 =	sshll.u32 s6, $0x4;
	s6 =	ssub.s32 $0x2, s6;
	s7 =	sor.u32 s8, s7  }
0xd: {  	s9 =	sadd.s32 s29, s5;
	s30 =	sshrl.u32 s6, $0x1;
	s8 =	sadd.s32 s31, s3  }
0xe: {  	s7 =	sadd.s32 s7, s5;
	s10 =	ssub.s32 s6, s30;
	s23 =	sadd.s32 $0x21C00, s9  }
0xf: {  	s25 =	sadd.s32 $0x22600, s9;
	s5 =	sadd.s32 $0x1C00, s7;
	s6 =	sadd.s32 $0x11C00, s7  }
0x10: {  	s7 =	sadd.s32 s31, s1;
	s9 =	smax.u32 s10, $0x1;
	s10 =	simm.s32 $0x3  }
0x11: {  	v0 =	vimm.f32 $0.0e+00;
	v1 =	vimm.f32 $1.000000000e+00;
	s23 =	sadd.s32 s24, s23;
	s24 =	sadd.s32 s24, s25;
	s25 =	simm.s32 $0x20  }
.LBB2_1:
0x12: {  	[tilespmem:$0x8080] =	vst v0  }
0x13: {  	[tilespmem:$0x8090] =	vst v0  }
0x14: {  	[tilespmem:$0x80A0] =	vst v0  }
0x15: {  	[tilespmem:$0x80B0] =	vst v0  }
0x16: {  	[tilespmem:$0x80C0] =	vst v0  }
0x17: {  	[tilespmem:$0x80D0] =	vst v0  }
0x18: {  	[tilespmem:$0x80E0] =	vst v0  }
0x19: {  	[tilespmem:$0x80F0] =	vst v0  }
0x1a: {  	[tilespmem:$0x8100] =	vst v0  }
0x1b: {  	[tilespmem:$0x8110] =	vst v0  }
0x1c: {  	[tilespmem:$0x8120] =	vst v0  }
0x1d: {  	[tilespmem:$0x8130] =	vst v0  }
0x1e: {  	[tilespmem:$0x8140] =	vst v0  }
0x1f: {  	[tilespmem:$0x8150] =	vst v0  }
0x20: {  	[tilespmem:$0x8160] =	vst v0  }
0x21: {  	[tilespmem:$0x8170] =	vst v0  }
0x22: {  	[tilespmem:$0x8180] =	vst v0  }
0x23: {  	[tilespmem:$0x8190] =	vst v0  }
0x24: {  	[tilespmem:$0x81A0] =	vst v0  }
0x25: {  	[tilespmem:$0x81B0] =	vst v0  }
0x26: {  	[tilespmem:$0x81C0] =	vst v0  }
0x27: {  	[tilespmem:$0x81D0] =	vst v0  }
0x28: {  	[tilespmem:$0x81E0] =	vst v0  }
0x29: {  	[tilespmem:$0x81F0] =	vst v0  }
0x2a: {  	[tilespmem:$0x8200] =	vst v0  }
0x2b: {  	[tilespmem:$0x8210] =	vst v0  }
0x2c: {  	[tilespmem:$0x8220] =	vst v0  }
0x2d: {  	[tilespmem:$0x8230] =	vst v0  }
0x2e: {  	[tilespmem:$0x8240] =	vst v0  }
0x2f: {  	[tilespmem:$0x8250] =	vst v0  }
0x30: {  	[tilespmem:$0x8260] =	vst v0  }
0x31: {  	[tilespmem:$0x8270] =	vst v0  }
0x32: {  	[tilespmem:$0x8280] =	vst v0  }
0x33: {  	[tilespmem:$0x8290] =	vst v0  }
0x34: {  	[tilespmem:$0x82A0] =	vst v0  }
0x35: {  	[tilespmem:$0x82B0] =	vst v0  }
0x36: {  	[tilespmem:$0x82C0] =	vst v0  }
0x37: {  	[tilespmem:$0x82D0] =	vst v0  }
0x38: {  	[tilespmem:$0x82E0] =	vst v0  }
0x39: {  	[tilespmem:$0x82F0] =	vst v0  }
0x3a: {  	[tilespmem:$0x8000] =	vst v1  }
0x3b: {  	[tilespmem:$0x8010] =	vst v1  }
0x3c: {  	[tilespmem:$0x8020] =	vst v1  }
0x3d: {  	[tilespmem:$0x8030] =	vst v1  }
0x3e: {  	[tilespmem:$0x8040] =	vst v1  }
0x3f: {  	[tilespmem:s4], [sflag:$0x3] =	stream.linear.gather [hbm4b:s5+s4], $0x3E80, $0x38;
	[tilespmem:$0x8800] =	vst v63  }
0x40: {  	_ =	swait.ge [sflag:s10], $0x3E80  }
0x41: {  	[sflag:s10] =	ssyncset.done $0x0  }
0x42: {  	[sflag:s10] =	ssyncadd.s32 $0xFFFFC180  }
0x43: {  	[tilespmem:s11], [sflag:$0x3] =	stream.linear.gather [hbm4b:s6+s4], $0x3E80, $0x38;
	[tilespmem:$0x8800] =	vst v63  }
0x44: {  	_ =	swait.ge [sflag:s10], $0x3E80  }
0x45: {  	[sflag:s10] =	ssyncset.done $0x0  }
0x46: {  	[sflag:s10] =	ssyncadd.s32 $0xFFFFC180  }
0x47: {  	[spmem:s7] =	stream.linear.scatter [tilespmem:s12], [sflag:$0x3], $0x280, $0x38;
	[tilespmem:$0x8800] =	vst v63  }
0x48: {  	_ =	swait.ge [sflag:s10], $0x280  }
0x49: {  	[sflag:s10] =	ssyncset.done $0x0  }
0x4a: {  	[sflag:s10] =	ssyncadd.s32 $0xFFFFFD80  }
0x4b: {  	[spmem:s8] =	stream.linear.scatter [tilespmem:s12], [sflag:$0x3], $0x280, $0x38;
	[tilespmem:$0x8800] =	vst v63  }
0x4c: {  	_ =	swait.ge [sflag:s10], $0x280  }
0x4d: {  	[sflag:s10] =	ssyncset.done $0x0  }
0x4e: {  	[sflag:s10] =	ssyncadd.s32 $0xFFFFFD80  }
0x4f: {  	[bflag:$0x0] =	sbarrier.arrive $0xFFFF  }
0x50: {  	[spmem:s1] =	stream.indirect.scatter.add.f32 [tilespmem:s14], [sflag:$0x1], $0x1, s4, s13, $0xb8;
	[tilespmem:$0x8800] =	vst v63  }
0x51: {  	_ = 	snop  }
0x52: {  	[spmem:s3] =	stream.indirect.scatter.add.f32 [tilespmem:s14], [sflag:$0x2], $0x1, s11, s13, $0xb8;
	[tilespmem:$0x8800] =	vst v63  }
0x53: {  	_ = 	snop  }
0x54: {  	[spmem:s1] =	stream.indirect.scatter.add.f32 [tilespmem:s14], [sflag:$0x1], $0x1, s15, s13, $0xb8;
	[tilespmem:$0x8800] =	vst v63  }
0x55: {  	_ = 	snop  }
0x56: {  	[spmem:s3] =	stream.indirect.scatter.add.f32 [tilespmem:s14], [sflag:$0x2], $0x1, s16, s13, $0xb8;
	[tilespmem:$0x8800] =	vst v63  }
0x57: {  	_ = 	snop  }
0x58: {  	[spmem:s1] =	stream.indirect.scatter.add.f32 [tilespmem:s14], [sflag:$0x1], $0x1, s17, s13, $0xb8;
	[tilespmem:$0x8800] =	vst v63  }
0x59: {  	_ = 	snop  }
0x5a: {  	[spmem:s3] =	stream.indirect.scatter.add.f32 [tilespmem:s14], [sflag:$0x2], $0x1, s18, s13, $0xb8;
	[tilespmem:$0x8800] =	vst v63  }
0x5b: {  	_ = 	snop  }
0x5c: {  	[spmem:s1] =	stream.indirect.scatter.add.f32 [tilespmem:s14], [sflag:$0x1], $0x1, s19, s13, $0xb8;
	[tilespmem:$0x8800] =	vst v63  }
0x5d: {  	_ = 	snop  }
0x5e: {  	[spmem:s3] =	stream.indirect.scatter.add.f32 [tilespmem:s14], [sflag:$0x2], $0x1, s20, s13, $0xb8;
	[tilespmem:$0x8800] =	vst v63  }
0x5f: {  	s29 =	simm.s32 $0x200  }
0x60: {  	[spmem:s1] =	stream.indirect.scatter.add.f32 [tilespmem:s14], [sflag:$0x1], $0x1, s29, s13, $0xb8;
	[tilespmem:$0x8800] =	vst v63  }
0x61: {  	s29 =	simm.s32 $0x4200  }
0x62: {  	[spmem:s3] =	stream.indirect.scatter.add.f32 [tilespmem:s14], [sflag:$0x2], $0x1, s29, s13, $0xb8;
	[tilespmem:$0x8800] =	vst v63  }
0x63: {  	_ =	swait.ge [sflag:s21], $0x50  }
0x64: {  	[sflag:s21] =	ssyncset.done $0x0  }
0x65: {  	[sflag:s21] =	ssyncadd.s32 $0xFFFFFFB0  }
0x66: {  	_ =	swait.ge [sflag:s22], $0x50  }
0x67: {  	s30 =	simm.s32 $0xC00;
	s29 =	simm.s32 $0xA00;
	[sflag:s22] =	ssyncset.done $0x0  }
.LBB2_2:
0x68: {  	s31 =	sshra.s32 s29, $0x2  }
0x69: {  	[sflag:s22] =	ssyncadd.s32 $0xFFFFFFB0;
	s29 =	smov.u32 s30;
	s0 =	sadd.s32 $0x200, s30  }
0x6a: {  	[spmem:s1] =	stream.indirect.scatter.add.f32 [tilespmem:s14], [sflag:$0x1], $0x1, s31, s13, $0xb8;
	[tilespmem:$0x8800] =	vst v63  }
0x6b: {  	p0 =	sne.s32 s30, $0xF800;
	s30 =	sadd.s32 $0x4000, s31  }
0x6c: {  	[spmem:s3] =	stream.indirect.scatter.add.f32 [tilespmem:s14], [sflag:$0x2], $0x1, s30, s13, $0xb8;
	[tilespmem:$0x8800] =	vst v63  }
.Ltmp0:
0x6d: {  	_ =	swait.ge [sflag:s21], $0x50;
	(pc) =	sbr.rel @p0 .LBB2_2-.Ltmp0, $4  }
0x6e: {  	[sflag:s21] =	ssyncset.done $0x0  }
0x6f: {  	[sflag:s21] =	ssyncadd.s32 $0xFFFFFFB0  }
0x70: {  	_ =	swait.ge [sflag:s22], $0x50  }
0x71: {  	s30 =	smov.u32 s0;
	[sflag:s22] =	ssyncset.done $0x0  }
0x72: {  	s0 =	sshra.s32 s29, $0x2;
	[sflag:s22] =	ssyncadd.s32 $0xFFFFFFB0  }
0x73: {  	[spmem:s1] =	stream.indirect.scatter.add.f32 [tilespmem:s14], [sflag:$0x1], $0x1, s0, s13, $0xb8;
	[tilespmem:$0x8800] =	vst v63  }
0x74: {  	s0 =	sadd.s32 $0x4000, s0  }
0x75: {  	[spmem:s3] =	stream.indirect.scatter.add.f32 [tilespmem:s14], [sflag:$0x2], $0x1, s0, s13, $0xb8;
	[tilespmem:$0x8800] =	vst v63  }
0x76: {  	_ =	swait.ge [sflag:s21], $0x50  }
0x77: {  	[sflag:s21] =	ssyncset.done $0x0  }
0x78: {  	[sflag:s21] =	ssyncadd.s32 $0xFFFFFFB0  }
0x79: {  	_ =	swait.ge [sflag:s22], $0x50  }
0x7a: {  	[sflag:s22] =	ssyncset.done $0x0  }
0x7b: {  	[sflag:s22] =	ssyncadd.s32 $0xFFFFFFB0  }
0x7c: {  	_ =	swait.ge [sflag:s21], $0x50  }
0x7d: {  	[sflag:s21] =	ssyncset.done $0x0  }
0x7e: {  	[sflag:s21] =	ssyncadd.s32 $0xFFFFFFB0  }
0x7f: {  	_ =	swait.ge [sflag:s22], $0x50  }
0x80: {  	[sflag:s22] =	ssyncset.done $0x0  }
0x81: {  	[sflag:s22] =	ssyncadd.s32 $0xFFFFFFB0  }
0x82: {  	_ =	swait.ge [sflag:s21], $0x50  }
0x83: {  	[sflag:s21] =	ssyncset.done $0x0  }
0x84: {  	[sflag:s21] =	ssyncadd.s32 $0xFFFFFFB0  }
0x85: {  	_ =	swait.ge [sflag:s22], $0x50  }
0x86: {  	[sflag:s22] =	ssyncset.done $0x0  }
0x87: {  	[sflag:s22] =	ssyncadd.s32 $0xFFFFFFB0  }
0x88: {  	_ =	swait.ge [sflag:s21], $0x50  }
0x89: {  	[sflag:s21] =	ssyncset.done $0x0  }
0x8a: {  	[sflag:s21] =	ssyncadd.s32 $0xFFFFFFB0  }
0x8b: {  	_ =	swait.ge [sflag:s22], $0x50  }
0x8c: {  	[sflag:s22] =	ssyncset.done $0x0  }
0x8d: {  	[sflag:s22] =	ssyncadd.s32 $0xFFFFFFB0  }
0x8e: {  	_ =	swait.ge [sflag:s21], $0x50  }
0x8f: {  	[sflag:s21] =	ssyncset.done $0x0  }
0x90: {  	[sflag:s21] =	ssyncadd.s32 $0xFFFFFFB0  }
0x91: {  	_ =	swait.ge [sflag:s22], $0x50  }
0x92: {  	[sflag:s22] =	ssyncset.done $0x0  }
0x93: {  	s29 =	sshll.u32 s2, $0x6;
	[sflag:s22] =	ssyncadd.s32 $0xFFFFFFB0  }
0x94: {  	s30 =	sshrl.u32 s7, $0x3;
	s0 =	sor.u32 $0x1C03, s29;
	[bflag:$0x0] =	sbarrier.arrive $0xFFFF  }
0x95: {  	[hbm:s23@s25], [sflag:s0] =	dma.strided [spmem:s30@s26], $0x50, s21, $0x10   }
0x96: {  	s28 =	sadd.s32 $0x1, s28;
	_ =	swait.ge [sflag:s10], $0x50  }
0x97: {  	p0 =	sne.s32 s28, s9;
	[sflag:s10] =	ssyncset.done $0x0  }
.Ltmp1:
0x98: {  	s31 =	sshrl.u32 s8, $0x3;
	[sflag:s10] =	ssyncadd.s32 $0xFFFFFFB0;
	(pc) =	sbr.rel @p0 .LBB2_1-.Ltmp1, $4  }
0x99: {  	[hbm:s24@s25], [sflag:s0] =	dma.strided [spmem:s31@s26], $0x50, s21, $0x10   }
0x9a: {  	_ =	swait.ge [sflag:s10], $0x50  }
0x9b: {  	[sflag:s10] =	ssyncset.done $0x0  }
0x9c: {  	[sflag:s10] =	ssyncadd.s32 $0xFFFFFFB0  }
0x9d: {  	_ =	sfence.sel $0x180000  }
0x9e: {  	[bflag:$0x0] =	sbarrier.arrive $0xFFFF  }
0x9f: {  	_ =	strace $0x90000047  }
0xa0: {  	[bflag:$0x2] =	sbarrier.arrive $0xFFFF  }
0xa1: {  	p0 =	sne.s32 s2, $0x0;
	s0 =	rddreg [dreg:$0x3]  }
0xa2: {  	s0 =	sadd.s32 @!p0 $0x100000, s0  }
0xa3: {  	[sflag:s0] =	ssyncadd.tile.s32 @!p0 $0x1;
	_ =	shalt  }
.Lfunc_end2:
_tile_overlayer_lowered:
.L_overlay_start_2:
0xa4: {  	(tag) =	ssettag $0x2  }
0xa5: {  	s0 =	rddreg [dreg:$0x0];
	s2 =	stileid.u32  }
0xa6: {  	s1 =	rddreg [dreg:$0x1];
	p0 =	sne.s32 s2, $0x0  }
0xa7: {  	s3 =	rddreg [dreg:$0x2];
	[bflag:$0x3] =	sbarrier.arrive $0xFFFF;
	s2 =	simm.s32 @!p0 $0x1C03  }
0xa8: {  	[timem:s3], [sflag:s2] =	dma.local @!p0 [hbm:s0], s1  }
0xa9: {  	s0 =	simm.s32 @!p0 $0x3  }
0xaa: {  	_ =	swait.ge @!p0 [sflag:s0], s1  }
0xab: {  	s1 =	ssub.s32 @!p0 $0x0, s1;
	[sflag:s0] =	ssyncset.done @!p0 $0x0  }
0xac: {  	[sflag:s0] =	ssyncadd.s32 @!p0 s1  }
0xad: {  	[bflag:$0x3] =	sbarrier.arrive $0xFFFF  }
0xae: {  	_ =	shalt  }

// kernel: kernel.9.cloned.1.call-start
scs
__scs_entry_jumppad:
0x0: {  	(pc) =	sbr.rel $0x88, $3  }
0x1: {  	(tag) =	ssettag $0x0;
	lr =	simm.s32 $0x1  }
0x2: {  	[smem:$0x3F9B] =	sst lr;
	_ =	strace $0xD0000000  }
0x3: {  	_ = 	snop  }
0x4: {  	_ = 	snop  }
0x5: {  	_ = 	snop  }
0x6: {  	_ = 	snop  }
0x7: {  	_ = 	snop  }
__scs_overlays_trampoline_lowered:
0x8: {  	[smem:$0x3FAA] =	sst s0  }
0x9: {  	[smem:$0x3FAB] =	sst s1  }
0xa: {  	[smem:$0x3FAC] =	sst s2  }
0xb: {  	[smem:$0x3FAD] =	sst s3  }
0xc: {  	[smem:$0x3FAE] =	sst s4  }
0xd: {  	[smem:$0x3FAF] =	sst s5  }
0xe: {  	[smem:$0x3FB0] =	sst s6  }
0xf: {  	[smem:$0x3FB1] =	sst s7  }
0x10: {  	[smem:$0x3FB2] =	sst s8  }
0x11: {  	[smem:$0x3FB3] =	sst s9;
	s0 =	simm.s32 @!p0 $0x0  }
0x12: {  	s1 =	sld [smem:$0x3F99];
	s0 =	simm.s32 @p0 $0x1  }
0x13: {  	[smem:$0x3FB4] =	sst s0;
	s0 =	simm.s32 @!p1 $0x0  }
0x14: {  	s2 =	sld [smem:$0x3F98];
	s0 =	simm.s32 @p1 $0x1  }
0x15: {  	[smem:$0x3FB5] =	sst s0;
	s0 =	simm.s32 @!p2 $0x0  }
0x16: {  	s3 =	sld [smem:$0x3FDB];
	s0 =	simm.s32 @p2 $0x1  }
0x17: {  	s4 =	simm.s32 $0x1BF5;
	[smem:$0x3FB7] =	sst s0  }
0x18: {  	s0 =	sld [smem:$0x3F9A];
	_ =	swait.ge [sflag:s4], $0x0  }
0x19: {  	s7 =	sld [smem:$0x3F9B]  }
0x1a: {  	s8 =	sadd.s32 $0xFFFFE003, lr  }
0x1b: {  	s9 =	sadd.s32 $0xFFFFFEF7, lr;
	s5 =	simm.s32 $0xFFFFFFFF;
	p2 =	slt.u32 s8, $0xFFFFF086  }
0x1c: {  	p1 =	slt.u32 s9, $0xF7A;
	s5 =	simm.s32 @!p2 $0x0  }
0x1d: {  	s5 =	simm.s32 @p1 $0x1;
	p0 =	seq.s32 s7, s2  }
0x1e: {  	s7 =	smul.u32 @!p0 $0xF7A, s2;
	p2 =	seq.s32 @!p0 s5, $0x0  }
0x1f: {  	s9 =	smul.u32 $0xF7A, s1;
	s8 =	simm.s32 @!p0 $0x1BF5;
	p2 =	por !p2, p0  }
0x20: {  	[sflag:s8] =	ssyncset.s32 @!p0 $0xFFFFF086;
	s6 =	sadd.s32 @!p0 s3, s7;
	s7 =	simm.s32 @!p0 $0x108  }
0x21: {  	s3 =	sadd.s32 s3, s9;
	s6 =	sadd.s32 @!p0 $0x88, s6;
	s7 =	simm.s32 @p2 $0x1082  }
0x22: {  	[simem:s7], [sflag:s8] =	dma.local @!p0 [hbm:s6], $0xF7A  }
0x23: {  	s9 =	sor.u32 $0xD0000000, s2;
	s6 =	simm.s32 $0x108;
	_ =	swait.ge @!p0 [sflag:s8], $0x0  }
0x24: {  	s3 =	sadd.s32 $0x88, s3;
	s6 =	simm.s32 @!p1 $0x1082;
	[sflag:s4] =	ssyncset.s32 $0xFFFFF086  }
0x25: {  	[simem:s6], [sflag:s4] =	dma.local [hbm:s3], $0xF7A  }
0x26: {  	[smem:$0x3F9B] =	sst s1;
	(tag) =	ssettag s2;
	_ =	strace s9  }
0x27: {  	s1 =	sld [smem:$0x3FAB]  }
0x28: {  	s2 =	sld [smem:$0x3FAC]  }
0x29: {  	s4 =	sld [smem:$0x3FAE]  }
0x2a: {  	p0 =	seq.s32 s5, $0x0;
	s5 =	sld [smem:$0x3FAF]  }
0x2b: {  	s6 =	sld [smem:$0x3FB0]  }
0x2c: {  	s7 =	sld [smem:$0x3FB1]  }
0x2d: {  	s3 =	simm.s32 $0x108;
	s8 =	sld [smem:$0x3FB2]  }
0x2e: {  	s3 =	simm.s32 @!p0 $0x1082;
	s9 =	sld [smem:$0x3FB3]  }
0x2f: {  	lr =	sadd.s32 s0, s3;
	s0 =	sld [smem:$0x3FAA]  }
0x30: {  	s3 =	sld [smem:$0x3FAD]  }
0x31: {  	[smem:$0x3FB6] =	sst s10  }
0x32: {  	s10 =	sld [smem:$0x3FB4];
	_ =	sdelay $0x3  }
0x33: {  	p0 =	seq.s32 s10, $0x1;
	s10 =	sld [smem:$0x3FB6];
	_ =	sdelay $0x3  }
0x34: {  	[smem:$0x3FB6] =	sst s10  }
0x35: {  	s10 =	sld [smem:$0x3FB5];
	_ =	sdelay $0x3  }
0x36: {  	p1 =	seq.s32 s10, $0x1;
	s10 =	sld [smem:$0x3FB6];
	_ =	sdelay $0x3  }
0x37: {  	[smem:$0x3FB6] =	sst s10  }
0x38: {  	s10 =	sld [smem:$0x3FB7]  }
0x39: {  	_ = 	snop;
	(pc) =	sbr.ind lr, $3  }
0x3a: {  	_ = 	snop  }
0x3b: {  	_ = 	snop  }
0x3c: {  	p2 =	seq.s32 s10, $0x1;
	s10 =	sld [smem:$0x3FB6]  }
0x3d: {  	_ =	shalt  }
0x3e: {  	_ =	shalt  }
0x3f: {  	_ =	shalt  }
0x40: {  	_ =	shalt  }
0x41: {  	_ =	shalt  }
0x42: {  	_ =	shalt  }
0x43: {  	_ =	shalt  }
0x44: {  	_ =	shalt  }
0x45: {  	_ =	shalt  }
0x46: {  	_ =	shalt  }
0x47: {  	_ =	shalt  }
0x48: {  	_ =	shalt  }
0x49: {  	_ =	shalt  }
0x4a: {  	_ =	shalt  }
0x4b: {  	_ =	shalt  }
0x4c: {  	_ =	shalt  }
0x4d: {  	_ =	shalt  }
0x4e: {  	_ =	shalt  }
0x4f: {  	_ =	shalt  }
0x50: {  	_ =	shalt  }
0x51: {  	_ =	shalt  }
0x52: {  	_ =	shalt  }
0x53: {  	_ =	shalt  }
0x54: {  	_ =	shalt  }
0x55: {  	_ =	shalt  }
0x56: {  	_ =	shalt  }
0x57: {  	_ =	shalt  }
0x58: {  	_ =	shalt  }
0x59: {  	_ =	shalt  }
0x5a: {  	_ =	shalt  }
0x5b: {  	_ =	shalt  }
0x5c: {  	_ =	shalt  }
0x5d: {  	_ =	shalt  }
0x5e: {  	_ =	shalt  }
0x5f: {  	_ =	shalt  }
0x60: {  	_ =	shalt  }
0x61: {  	_ =	shalt  }
0x62: {  	_ =	shalt  }
0x63: {  	_ =	shalt  }
0x64: {  	_ =	shalt  }
0x65: {  	_ =	shalt  }
0x66: {  	_ =	shalt  }
0x67: {  	_ =	shalt  }
0x68: {  	_ =	shalt  }
0x69: {  	_ =	shalt  }
0x6a: {  	_ =	shalt  }
0x6b: {  	_ =	shalt  }
0x6c: {  	_ =	shalt  }
0x6d: {  	_ =	shalt  }
0x6e: {  	_ =	shalt  }
0x6f: {  	_ =	shalt  }
0x70: {  	_ =	shalt  }
0x71: {  	_ =	shalt  }
0x72: {  	_ =	shalt  }
0x73: {  	_ =	shalt  }
0x74: {  	_ =	shalt  }
0x75: {  	_ =	shalt  }
0x76: {  	_ =	shalt  }
0x77: {  	_ =	shalt  }
0x78: {  	_ =	shalt  }
0x79: {  	_ =	shalt  }
0x7a: {  	_ =	shalt  }
0x7b: {  	_ =	shalt  }
0x7c: {  	_ =	shalt  }
0x7d: {  	_ =	shalt  }
0x7e: {  	_ =	shalt  }
0x7f: {  	_ =	shalt  }
0x80: {  	_ =	shalt  }
0x81: {  	_ =	shalt  }
0x82: {  	_ =	shalt  }
0x83: {  	_ =	shalt  }
0x84: {  	_ =	shalt  }
0x85: {  	_ =	shalt  }
0x86: {  	_ =	shalt  }
0x87: {  	_ =	shalt  }
.Lfunc_end0:
.L_simem_size_0:
called_computation.1_lowered:
.L_overlay_start_0:
0x88: {  	s2 =	sld [smem:$0x3FD9]  }
0x89: {  	s3 =	sld [smem:$0x3FFE];
	_ =	sdelay $0x1  }
0x8a: {  	s1 =	srdreg.scid  }
0x8b: {  	s0 =	sand.u32 $0x1, s1  }
0x8c: {  	s16 =	sshll.u32 s0, $0xA;
	s2 =	sadd.s32 s3, s2  }
0x8d: {  	s2 =	sadd.s32 s2, s16  }
0x8e: {  	[smem:$0x3FC2] =	sst s2  }
0x8f: {  	_ = 	snop  }
0x90: {  	(tm) =	ssettm $0x1  }
0x91: {  	s17 =	sld [smem:$0x3FFB];
	_ =	sdelay $0x3  }
0x92: {  	_ =	strace s17  }
0x93: {  	s2 =	sld [smem:$0x3FFC];
	_ =	sdelay $0x3  }
0x94: {  	_ =	strace s2  }
0x95: {  	s2 =	sld [smem:$0x3FFD];
	_ =	sdelay $0x3  }
0x96: {  	_ =	strace s2  }
0x97: {  	_ =	strace $0x8FFFFFFF  }
0x98: {  	s18 =	sld [smem:$0x3FDB];
	_ =	sdelay $0x1  }
0x99: {  	s19 =	simm.s32 $_scs_section_size  }
0x9a: {  	s4 =	simm.s32 $_size__tile_overlayer_lowered;
	s5 =	simm.s32 $_tile_overlayer_lowered  }
0x9b: {  	s22 =	simm.s32 $0x1BFF;
	s21 =	sshll.u32 s5, $0x1;
	s2 =	sadd.s32 s19, s18  }
0x9c: {  	s6 =	simm.s32 $0x0;
	s20 =	sshll.u32 s4, $0x1;
	s4 =	sadd.s32 s21, s2  }
0x9d: {  	[timem:s6], [sflag:s22] =	dma.local [hbm:s4], s20  }
0x9e: {  	_ =	swait.ge [sflag:s22], s20  }
0x9f: {  	s3 =	ssub.s32 $0x0, s20;
	[sflag:s22] =	ssyncset.done $0x0  }
0xa0: {  	[sflag:s22] =	ssyncadd.s32 s3;
	_ =	sdelay $0x1  }
0xa1: {  	s23 =	simm.s32 $0x1B8B  }
0xa2: {  	_ =	swait.ge [sflag:s23], $0x1  }
0xa3: {  	[sflag:s23] =	ssyncset.done $0x0  }
0xa4: {  	s25 =	simm.s32 $0x1B8E;
	s24 =	sld [smem:$0x3FFE];
	[sflag:s23] =	ssyncadd.s32 $0xFFFFFFFF  }
0xa5: {  	s26 =	simm.s32 $execute0_lowered;
	[smem:$0x3FD2] =	sst s25  }
0xa6: {  	s4 =	sshll.u32 s26, $0x1;
	_ =	strace $0x80000049;
	[dreg:$0x1] =	wrdreg $0xFFFFFFFF  }
0xa7: {  	s28 =	simm.s32 $_size_execute0_lowered;
	s2 =	sadd.s32 s2, s4;
	[dreg:$0x0] =	wrdreg $0x0  }
0xa8: {  	s4 =	sshll.u32 s28, $0x1;
	[dreg:$0x2] =	wrdreg s2  }
0xa9: {  	[dreg:$0x3] =	wrdreg s4  }
0xaa: {  	[dreg:$0x4] =	wrdreg $0xC0  }
0xab: {  	_ =	task [dreg:s6], $0x5FFFF  }
0xac: {  	[dreg:$0x1] =	wrdreg $0xFFFFFFFF  }
0xad: {  	[dreg:$0x0] =	wrdreg $0x60  }
0xae: {  	[dreg:$0x2] =	wrdreg s24  }
0xaf: {  	[dreg:$0x3] =	wrdreg $0xA9000  }
0xb0: {  	[dreg:$0x4] =	wrdreg $0x1E9000  }
0xb1: {  	[dreg:$0x5] =	wrdreg $0x1EB800  }
0xb2: {  	[dreg:$0x6] =	wrdreg $0x9  }
0xb3: {  	_ =	task.clear_ibuf [dreg:s6], $0x7FFFF;
	_ =	strace $0x90000049  }
0xb4: {  	s29 =	simm.s32 $0x9;
	_ =	strace $0x8000004B  }
0xb5: {  	_ =	swait.ge [sflag:s29], $0x1  }
0xb6: {  	[sflag:s29] =	ssyncadd.s32 $0xFFFFFFFF  }
0xb7: {  	_ =	strace $0x9000004B  }
0xb8: {  	_ =	sfence  }
0xb9: {  	s30 =	sld [smem:$0x0];
	_ =	sdelay $0x2  }
0xba: {  	s31 =	sshll.u32 s1, $0xD;
	s1 =	sshrl.u32 s1, $0x2  }
0xbb: {  	s3 =	sand.u32 $0x4000, s31;
	s1 =	sadd.s32 s1, s30  }
0xbc: {  	s0 =	sor.u32 s3, s0;
	s1 =	sshll.u32 s1, $0x11  }
0xbd: {  	s0 =	sor.u32 s1, s0  }
0xbe: {  	s0 =	sadd.s32 $0x8F2B, s0  }
0xbf: {  	[sflag:s0] =	ssyncadd.remote.s32 $0x1  }
0xc0: {  	_ =	sfence.sel $0xFFFF  }
0xc1: {  	[dreg:$0x0] =	wrdreg $0xFFFFFFFF;
	(pc) =	sbr.abs _section_cstart, $3  }
0xc2: {  	[dreg:$0x1] =	wrdreg $0xFFFFFFFF  }
0xc3: {  	_ =	task.clear_ibuf [dreg:s6], $0x2FFFF;
	_ =	strace $0x9FFFFFFF  }
0xc4: {  	(tm) =	ssettm $0x7FFFFFFF  }
0xc5: {  	_ =	shalt  }
tec
execute0_lowered:
.L_overlay_start_1:
0x0: {  	(tag) =	ssettag $0x1  }
0x1: {  	s2 =	rddreg [dreg:$0x0]  }
0x2: {  	s0 =	rddreg [dreg:$0x1]  }
0x3: {  	s1 =	rddreg [dreg:$0x2];
	s3 =	srdreg.scid  }
0x4: {  	s20 =	stileid.u32;
	s4 =	rddreg [dreg:$0x3];
	s5 =	simm.s32 $0x0  }
0x5: {  	s28 =	simm.s32 $0x1;
	s29 =	simm.s32 $0x6800;
	s30 =	simm.s32 $0xA800  }
0x6: {  	s31 =	simm.s32 $0x1480;
	s3 =	sand.u32 $0x1, s3;
	s6 =	sshll.u32 s20, $0x1  }
0x7: {  	[smem:$0x7FF] =	sst s5;
	s9 =	sadd.s32 $0x1C00, s2;
	s21 =	smul.u32 $0x280, s20  }
0x8: {  	s11 =	smul.u32 $0x50000, s20;
	p0 =	sne.s32 s20, $0x0;
	s6 =	sor.u32 s3, s6  }
0x9: {  	_ =	strace $0x8000004A;
	s8 =	smul.u32 $0x28000, s3;
	[dreg:$0x5] =	wrdreg s9  }
0xa: {  	s22 =	sshll.u32 s3, $0x4;
	s3 =	ssub.s32 $0x2, s3;
	s7 =	smul.u32 $0x500, s6  }
0xb: {  	s6 =	sadd.s32 $0x37000, s2;
	s12 =	sadd.s32 $0x80, s21;
	s23 =	sshrl.u32 s3, $0x1  }
0xc: {  	s11 =	sshrl.u32 s11, $0x2;
	s26 =	sadd.s32 $0x100, s21;
	s14 =	sadd.s32 $0x180, s21  }
0xd: {  	s15 =	sadd.s32 $0x200, s21;
	s10 =	sadd.s32 s8, s2;
	s13 =	sshll.u32 s12, $0x7  }
0xe: {  	s3 =	ssub.s32 s3, s23;
	s24 =	sadd.s32 s11, s0;
	s8 =	sshll.u32 s26, $0x7  }
0xf: {  	s16 =	sshll.u32 s14, $0x7;
	s17 =	sshll.u32 s15, $0x7;
	s18 =	sadd.s32 s12, s1  }
0x10: {  	s19 =	sadd.s32 s26, s1;
	s11 =	simm.s32 $0x6;
	s12 =	simm.s32 $0x4  }
0x11: {  	s7 =	sadd.s32 s7, s2;
	s2 =	sadd.s32 s22, s2;
	[dreg:$0x6] =	wrdreg s24  }
0x12: {  	s25 =	sadd.s32 s13, s0;
	s13 =	sadd.s32 s8, s0;
	[dreg:$0xb] =	wrdreg s18  }
0x13: {  	s16 =	sadd.s32 s16, s0;
	s17 =	sadd.s32 s17, s0;
	[dreg:$0xc] =	wrdreg s19  }
0x14: {  	s22 =	sadd.s32 s15, s1;
	s23 =	sadd.s32 $0x5F000, s10;
	[dreg:$0x7] =	wrdreg s25  }
0x15: {  	s24 =	smul.u32 $0x2800, s20;
	s3 =	smax.u32 s3, $0x1;
	[dreg:$0x8] =	wrdreg s13  }
0x16: {  	s10 =	simm.s32 $0x5;
	s15 =	simm.s32 $0x8;
	[dreg:$0x9] =	wrdreg s16  }
0x17: {  	[dreg:$0xa] =	wrdreg s17;
	s13 =	sadd.s32 s21, s1;
	s21 =	sadd.s32 s14, s1  }
0x18: {  	[dreg:$0xe] =	wrdreg s22;
	s18 =	sadd.s32 $0x23000, s7;
	s19 =	sadd.s32 $0x2D000, s7  }
0x19: {  	s2 =	sadd.s32 $0x2200, s2;
	s25 =	smul.u32 $0xA0, s20;
	[dreg:$0xf] =	wrdreg s3  }
0x1a: {  	s3 =	simm.s32 $0x2;
	s7 =	simm.s32 $0x3;
	s14 =	simm.s32 $0x7  }
0x1b: {  	s17 =	simm.s32 $0x2700;
	[dreg:$0xd] =	wrdreg s21;
	s21 =	simm.s32 $0x2800  }
0x1c: {  	s26 =	sadd.s32 s24, s23;
	s23 =	simm.s32 $0x9;
	s24 =	simm.s32 $0x0  }
0x1d: {  	[dreg:$0x10] =	wrdreg s26;
	s2 =	sadd.s32 s25, s2;
	s25 =	simm.s32 $0x1400  }
0x1e: {  	v0 =	vimm.f32 $0.0e+00;
	s26 =	simm.s32 $0x80;
	[dreg:$0x11] =	wrdreg s2;
	s2 =	simm.s32 $0xA880  }
.LBB2_1:
0x1f: {  	s9 =	sand.u32 $0xFE00, s5  }
0x20: {  	s16 =	sand.u32 $0x70, s5;
	s20 =	sshrl.u32 s9, $0x2  }
0x21: {  	s9 =	simm.s32 $0x40;
	s20 =	sor.u32 s16, s20;
	s16 =	simm.s32 $0x0  }
.LBB2_2:
0x22: {  	p1 =	sne.s32 s9, $0xFFC0  }
0x23: {  	[tilespmem:s20+$0x2800] =	vst v0;
	s16 =	sadd.s32 $0x10, s16;
	s20 =	smov.u32 s9;
	s9 =	sadd.s32 $0x40, s9  }
.Ltmp0:
0x24: {  	(pc) =	sbr.rel @p1 .LBB2_2-.Ltmp0, $4  }
0x25: {  	_ = 	snop  }
0x26: {  	s20 =	sand.u32 $0xFE00, s20  }
0x27: {  	s22 =	sand.u32 $0x70, s16;
	s20 =	sshrl.u32 s20, $0x2  }
0x28: {  	s20 =	sor.u32 s22, s20  }
0x29: {  	[tilespmem:s20+$0x2800] =	vst v0;
	s8 =	rddreg [dreg:$0x6]  }
0x2a: {  	[spmem:s8] =	stream.linear.scatter [tilespmem:s21], [sflag:$0x9], $0x4000, $0x38;
	[tilespmem:$0x1EE00] =	vst v63  }
0x2b: {  	_ =	swait.ge [sflag:s23], $0x4000  }
0x2c: {  	[sflag:s23] =	ssyncset.done $0x0  }
0x2d: {  	s16 =	rddreg [dreg:$0x7];
	[sflag:s23] =	ssyncadd.s32 $0xFFFFC000  }
0x2e: {  	[spmem:s16] =	stream.linear.scatter [tilespmem:s21], [sflag:$0x9], $0x4000, $0x38;
	[tilespmem:$0x1EE00] =	vst v63  }
0x2f: {  	_ =	swait.ge [sflag:s23], $0x4000  }
0x30: {  	[sflag:s23] =	ssyncset.done $0x0  }
0x31: {  	s20 =	rddreg [dreg:$0x8];
	[sflag:s23] =	ssyncadd.s32 $0xFFFFC000  }
0x32: {  	[spmem:s20] =	stream.linear.scatter [tilespmem:s21], [sflag:$0x9], $0x4000, $0x38;
	[tilespmem:$0x1EE00] =	vst v63  }
0x33: {  	_ =	swait.ge [sflag:s23], $0x4000  }
0x34: {  	[sflag:s23] =	ssyncset.done $0x0  }
0x35: {  	s22 =	rddreg [dreg:$0x9];
	[sflag:s23] =	ssyncadd.s32 $0xFFFFC000  }
0x36: {  	[spmem:s22] =	stream.linear.scatter [tilespmem:s21], [sflag:$0x9], $0x4000, $0x38;
	[tilespmem:$0x1EE00] =	vst v63  }
0x37: {  	_ =	swait.ge [sflag:s23], $0x4000  }
0x38: {  	[sflag:s23] =	ssyncset.done $0x0  }
0x39: {  	s9 =	rddreg [dreg:$0xa];
	[sflag:s23] =	ssyncadd.s32 $0xFFFFC000  }
0x3a: {  	[spmem:s9] =	stream.linear.scatter [tilespmem:s21], [sflag:$0x9], $0x4000, $0x38;
	[tilespmem:$0x1EE00] =	vst v63  }
0x3b: {  	_ =	swait.ge [sflag:s23], $0x4000  }
0x3c: {  	[sflag:s23] =	ssyncset.done $0x0  }
0x3d: {  	[sflag:s23] =	ssyncadd.s32 $0xFFFFC000  }
0x3e: {  	[spmem:s13] =	stream.linear.scatter [tilespmem:s21], [sflag:$0x9], $0x80, $0x38;
	[tilespmem:$0x1EE00] =	vst v63  }
0x3f: {  	_ =	swait.ge [sflag:s23], $0x80  }
0x40: {  	[sflag:s23] =	ssyncset.done $0x0  }
0x41: {  	s16 =	rddreg [dreg:$0xb];
	[sflag:s23] =	ssyncadd.s32 $0xFFFFFF80  }
0x42: {  	[spmem:s16] =	stream.linear.scatter [tilespmem:s21], [sflag:$0x9], $0x80, $0x38;
	[tilespmem:$0x1EE00] =	vst v63  }
0x43: {  	_ =	swait.ge [sflag:s23], $0x80  }
0x44: {  	[sflag:s23] =	ssyncset.done $0x0  }
0x45: {  	s20 =	rddreg [dreg:$0xc];
	[sflag:s23] =	ssyncadd.s32 $0xFFFFFF80  }
0x46: {  	[spmem:s20] =	stream.linear.scatter [tilespmem:s21], [sflag:$0x9], $0x80, $0x38;
	[tilespmem:$0x1EE00] =	vst v63  }
0x47: {  	_ =	swait.ge [sflag:s23], $0x80  }
0x48: {  	[sflag:s23] =	ssyncset.done $0x0  }
0x49: {  	s22 =	rddreg [dreg:$0xd];
	[sflag:s23] =	ssyncadd.s32 $0xFFFFFF80  }
0x4a: {  	[spmem:s22] =	stream.linear.scatter [tilespmem:s21], [sflag:$0x9], $0x80, $0x38;
	[tilespmem:$0x1EE00] =	vst v63  }
0x4b: {  	_ =	swait.ge [sflag:s23], $0x80  }
0x4c: {  	[sflag:s23] =	ssyncset.done $0x0  }
0x4d: {  	s9 =	rddreg [dreg:$0xe];
	[sflag:s23] =	ssyncadd.s32 $0xFFFFFF80  }
0x4e: {  	[spmem:s9] =	stream.linear.scatter [tilespmem:s21], [sflag:$0x9], $0x80, $0x38;
	[tilespmem:$0x1EE00] =	vst v63  }
0x4f: {  	_ =	swait.ge [sflag:s23], $0x80  }
0x50: {  	s16 =	simm.s32 @!p0 $0x1C09;
	[sflag:s23] =	ssyncset.done $0x0  }
0x51: {  	s9 =	sshrl.u32 @!p0 s4, $0x3;
	s8 =	rddreg [dreg:$0x5];
	[sflag:s23] =	ssyncadd.s32 $0xFFFFFF80  }
0x52: {  	[spmem:s9], [sflag:s16] =	dma.local @!p0 [hbm:s8], $0x500  }
0x53: {  	s9 =	simm.s32 @!p0 $0x9  }
0x54: {  	_ =	swait.ge @!p0 [sflag:s9], $0x500  }
0x55: {  	[sflag:s9] =	ssyncset.done @!p0 $0x0  }
0x56: {  	[sflag:s9] =	ssyncadd.s32 @!p0 $0xFFFFFB00  }
0x57: {  	[bflag:$0x0] =	sbarrier.arrive $0xFFFF  }
0x58: {  	[tilespmem:s5], [sflag:$0x9] =	stream.linear.gather [hbm4b:s18+s5], $0x1400, $0x38;
	[tilespmem:$0x1EE00] =	vst v63  }
0x59: {  	_ =	swait.ge [sflag:s23], $0x1400  }
0x5a: {  	[sflag:s23] =	ssyncset.done $0x0  }
0x5b: {  	[sflag:s23] =	ssyncadd.s32 $0xFFFFEC00  }
0x5c: {  	[tilespmem:s25], [sflag:$0x9] =	stream.linear.gather [hbm4b:s19+s5], $0x1400, $0x38;
	[tilespmem:$0x1EE00] =	vst v63  }
0x5d: {  	_ =	swait.ge [sflag:s23], $0x1400  }
0x5e: {  	[sflag:s23] =	ssyncset.done $0x0  }
0x5f: {  	[sflag:s23] =	ssyncadd.s32 $0xFFFFEC00  }
0x60: {  	[tilespmem:s21], [sflag:$0x1] =	stream.indirect.gather [hbm4b:s6+s26], $0x80, s5, s26, $0xb8;
	[tilespmem:$0x1EE00] =	vst v63  }
0x61: {  	_ =	swait.ge [sflag:s28], $0x4000  }
0x62: {  	[sflag:s28] =	ssyncset.done $0x0  }
0x63: {  	[sflag:s28] =	ssyncadd.s32 $0xFFFFC000  }
0x64: {  	[tilespmem:s29], [sflag:$0x2] =	stream.indirect.gather [hbm4b:s6+s26], $0x80, s26, s26, $0xb8;
	[tilespmem:$0x1EE00] =	vst v63  }
0x65: {  	_ = 	snop  }
0x66: {  	[spmem:s0] =	stream.indirect.scatter.add.f32 [tilespmem:s21], [sflag:$0x3], $0x80, s25, s26, $0xb8;
	[tilespmem:$0x1EE00] =	vst v63  }
0x67: {  	_ = 	snop  }
0x68: {  	[tilespmem:s30], [sflag:$0x5] =	stream.indirect.gather [spmem:s4], $0x1, s25, s26, $0xb8;
	[tilespmem:$0x1EE00] =	vst v63  }
0x69: {  	_ = 	snop  }
0x6a: {  	[tilespmem:s2], [sflag:$0x6] =	stream.indirect.gather [spmem:s4], $0x1, s31, s26, $0xb8;
	[tilespmem:$0x1EE00] =	vst v63  }
0x6b: {  	_ =	swait.ge [sflag:s3], $0x4000  }
0x6c: {  	[sflag:s3] =	ssyncset.done $0x0  }
0x6d: {  	[sflag:s3] =	ssyncadd.s32 $0xFFFFC000  }
0x6e: {  	_ =	swait.ge [sflag:s7], $0x4000  }
0x6f: {  	[sflag:s7] =	ssyncset.done $0x0  }
0x70: {  	s16 =	simm.s32 $0x100;
	[sflag:s7] =	ssyncadd.s32 $0xFFFFC000  }
0x71: {  	[tilespmem:s21], [sflag:$0x1] =	stream.indirect.gather [hbm4b:s6+s26], $0x80, s16, s26, $0xb8;
	[tilespmem:$0x1EE00] =	vst v63  }
0x72: {  	_ = 	snop  }
0x73: {  	[spmem:s0] =	stream.indirect.scatter.add.f32 [tilespmem:s29], [sflag:$0x4], $0x80, s31, s26, $0xb8;
	[tilespmem:$0x1EE00] =	vst v63  }
0x74: {  	_ =	swait.ge [sflag:s10], $0x80  }
0x75: {  	[sflag:s10] =	ssyncset.done $0x0  }
0x76: {  	[sflag:s10] =	ssyncadd.s32 $0xFFFFFF80  }
0x77: {  	[spmem:s1] =	stream.indirect.scatter.add.f32 [tilespmem:s30], [sflag:$0x7], $0x1, s5, s26, $0xb8;
	[tilespmem:$0x1EE00] =	vst v63  }
0x78: {  	_ =	swait.ge [sflag:s11], $0x80  }
0x79: {  	[sflag:s11] =	ssyncset.done $0x0  }
0x7a: {  	[sflag:s11] =	ssyncadd.s32 $0xFFFFFF80  }
0x7b: {  	[spmem:s1] =	stream.indirect.scatter.add.f32 [tilespmem:s2], [sflag:$0x8], $0x1, s26, s26, $0xb8;
	[tilespmem:$0x1EE00] =	vst v63  }
0x7c: {  	_ =	swait.ge [sflag:s28], $0x4000  }
0x7d: {  	[sflag:s28] =	ssyncset.done $0x0  }
0x7e: {  	[sflag:s28] =	ssyncadd.s32 $0xFFFFC000  }
0x7f: {  	_ =	swait.ge [sflag:s12], $0x4000  }
0x80: {  	[sflag:s12] =	ssyncset.done $0x0  }
0x81: {  	s9 =	simm.s32 $0x180;
	[sflag:s12] =	ssyncadd.s32 $0xFFFFC000  }
0x82: {  	[tilespmem:s29], [sflag:$0x2] =	stream.indirect.gather [hbm4b:s6+s26], $0x80, s9, s26, $0xb8;
	[tilespmem:$0x1EE00] =	vst v63  }
0x83: {  	s20 =	simm.s32 $0x1500  }
0x84: {  	[spmem:s0] =	stream.indirect.scatter.add.f32 [tilespmem:s21], [sflag:$0x3], $0x80, s20, s26, $0xb8;
	[tilespmem:$0x1EE00] =	vst v63  }
0x85: {  	_ =	swait.ge [sflag:s14], $0x80  }
0x86: {  	[sflag:s14] =	ssyncset.done $0x0  }
0x87: {  	[sflag:s14] =	ssyncadd.s32 $0xFFFFFF80  }
0x88: {  	_ =	swait.ge [sflag:s15], $0x80  }
0x89: {  	[sflag:s15] =	ssyncset.done $0x0  }
0x8a: {  	[sflag:s15] =	ssyncadd.s32 $0xFFFFFF80  }
0x8b: {  	[tilespmem:s30], [sflag:$0x5] =	stream.indirect.gather [spmem:s4], $0x1, s20, s26, $0xb8;
	[tilespmem:$0x1EE00] =	vst v63  }
0x8c: {  	s22 =	simm.s32 $0x1580  }
0x8d: {  	[tilespmem:s2], [sflag:$0x6] =	stream.indirect.gather [spmem:s4], $0x1, s22, s26, $0xb8;
	[tilespmem:$0x1EE00] =	vst v63  }
0x8e: {  	_ =	swait.ge [sflag:s3], $0x4000  }
0x8f: {  	[sflag:s3] =	ssyncset.done $0x0  }
0x90: {  	[sflag:s3] =	ssyncadd.s32 $0xFFFFC000  }
0x91: {  	_ =	swait.ge [sflag:s7], $0x4000  }
0x92: {  	[sflag:s7] =	ssyncset.done $0x0  }
0x93: {  	s8 =	simm.s32 $0x200;
	[sflag:s7] =	ssyncadd.s32 $0xFFFFC000  }
0x94: {  	[tilespmem:s21], [sflag:$0x1] =	stream.indirect.gather [hbm4b:s6+s26], $0x80, s8, s26, $0xb8;
	[tilespmem:$0x1EE00] =	vst v63  }
0x95: {  	_ = 	snop  }
0x96: {  	[spmem:s0] =	stream.indirect.scatter.add.f32 [tilespmem:s29], [sflag:$0x4], $0x80, s22, s26, $0xb8;
	[tilespmem:$0x1EE00] =	vst v63  }
0x97: {  	_ =	swait.ge [sflag:s10], $0x80  }
0x98: {  	[sflag:s10] =	ssyncset.done $0x0  }
0x99: {  	s22 =	simm.s32 $0x100;
	[sflag:s10] =	ssyncadd.s32 $0xFFFFFF80  }
0x9a: {  	[spmem:s1] =	stream.indirect.scatter.add.f32 [tilespmem:s30], [sflag:$0x7], $0x1, s22, s26, $0xb8;
	[tilespmem:$0x1EE00] =	vst v63  }
0x9b: {  	_ =	swait.ge [sflag:s11], $0x80  }
0x9c: {  	[sflag:s11] =	ssyncset.done $0x0  }
0x9d: {  	s16 =	simm.s32 $0xFFFFBC00;
	[sflag:s11] =	ssyncadd.s32 $0xFFFFFF80  }
.LBB2_4:
0x9e: {  	[spmem:s1] =	stream.indirect.scatter.add.f32 [tilespmem:s2], [sflag:$0x8], $0x1, s9, s26, $0xb8;
	[tilespmem:$0x1EE00] =	vst v63  }
0x9f: {  	s9 =	smov.u32 s16  }
0xa0: {  	p1 =	sne.s32 s16, $0xFFFFFC00;
	s16 =	sadd.s32 $0x400, s16;
	_ =	swait.ge [sflag:s28], $0x4000  }
0xa1: {  	[sflag:s28] =	ssyncset.done $0x0  }
0xa2: {  	[sflag:s28] =	ssyncadd.s32 $0xFFFFC000  }
0xa3: {  	_ =	swait.ge [sflag:s12], $0x4000  }
0xa4: {  	s20 =	sshra.s32 s9, $0x2;
	[sflag:s12] =	ssyncset.done $0x0  }
0xa5: {  	s9 =	sadd.s32 $0x1380, s20;
	[sflag:s12] =	ssyncadd.s32 $0xFFFFC000  }
0xa6: {  	[tilespmem:s29], [sflag:$0x2] =	stream.indirect.gather [hbm4b:s6+s26], $0x80, s9, s26, $0xb8;
	[tilespmem:$0x1EE00] =	vst v63  }
0xa7: {  	s22 =	sadd.s32 $0x2700, s20  }
0xa8: {  	[spmem:s0] =	stream.indirect.scatter.add.f32 [tilespmem:s21], [sflag:$0x3], $0x80, s22, s26, $0xb8;
	[tilespmem:$0x1EE00] =	vst v63  }
0xa9: {  	_ =	swait.ge [sflag:s14], $0x80  }
0xaa: {  	[sflag:s14] =	ssyncset.done $0x0  }
0xab: {  	[sflag:s14] =	ssyncadd.s32 $0xFFFFFF80  }
0xac: {  	_ =	swait.ge [sflag:s15], $0x80  }
0xad: {  	[sflag:s15] =	ssyncset.done $0x0  }
0xae: {  	[sflag:s15] =	ssyncadd.s32 $0xFFFFFF80  }
0xaf: {  	[tilespmem:s30], [sflag:$0x5] =	stream.indirect.gather [spmem:s4], $0x1, s22, s26, $0xb8;
	[tilespmem:$0x1EE00] =	vst v63  }
0xb0: {  	s22 =	sadd.s32 $0x2780, s20  }
0xb1: {  	[tilespmem:s2], [sflag:$0x6] =	stream.indirect.gather [spmem:s4], $0x1, s22, s26, $0xb8;
	[tilespmem:$0x1EE00] =	vst v63  }
0xb2: {  	_ =	swait.ge [sflag:s3], $0x4000  }
0xb3: {  	[sflag:s3] =	ssyncset.done $0x0  }
0xb4: {  	[sflag:s3] =	ssyncadd.s32 $0xFFFFC000  }
0xb5: {  	_ =	swait.ge [sflag:s7], $0x4000  }
0xb6: {  	[sflag:s7] =	ssyncset.done $0x0  }
0xb7: {  	s8 =	sadd.s32 $0x1400, s20;
	[sflag:s7] =	ssyncadd.s32 $0xFFFFC000  }
0xb8: {  	[tilespmem:s21], [sflag:$0x1] =	stream.indirect.gather [hbm4b:s6+s26], $0x80, s8, s26, $0xb8;
	[tilespmem:$0x1EE00] =	vst v63  }
0xb9: {  	_ = 	snop  }
0xba: {  	[spmem:s0] =	stream.indirect.scatter.add.f32 [tilespmem:s29], [sflag:$0x4], $0x80, s22, s26, $0xb8;
	[tilespmem:$0x1EE00] =	vst v63  }
0xbb: {  	_ =	swait.ge [sflag:s10], $0x80  }
0xbc: {  	[sflag:s10] =	ssyncset.done $0x0  }
.Ltmp1:
0xbd: {  	s8 =	sadd.s32 $0x1300, s20;
	[sflag:s10] =	ssyncadd.s32 $0xFFFFFF80;
	(pc) =	sbr.rel @p1 .LBB2_4-.Ltmp1, $4  }
0xbe: {  	[spmem:s1] =	stream.indirect.scatter.add.f32 [tilespmem:s30], [sflag:$0x7], $0x1, s8, s26, $0xb8;
	[tilespmem:$0x1EE00] =	vst v63  }
0xbf: {  	_ =	swait.ge [sflag:s11], $0x80  }
0xc0: {  	[sflag:s11] =	ssyncset.done $0x0  }
0xc1: {  	[sflag:s11] =	ssyncadd.s32 $0xFFFFFF80  }
0xc2: {  	[spmem:s1] =	stream.indirect.scatter.add.f32 [tilespmem:s2], [sflag:$0x8], $0x1, s9, s26, $0xb8;
	[tilespmem:$0x1EE00] =	vst v63  }
0xc3: {  	_ =	swait.ge [sflag:s28], $0x4000  }
0xc4: {  	[sflag:s28] =	ssyncset.done $0x0  }
0xc5: {  	[sflag:s28] =	ssyncadd.s32 $0xFFFFC000  }
0xc6: {  	_ =	swait.ge [sflag:s12], $0x4000  }
0xc7: {  	[sflag:s12] =	ssyncset.done $0x0  }
0xc8: {  	s8 =	simm.s32 $0x1380;
	[sflag:s12] =	ssyncadd.s32 $0xFFFFC000  }
0xc9: {  	[tilespmem:s29], [sflag:$0x2] =	stream.indirect.gather [hbm4b:s6+s26], $0x80, s8, s26, $0xb8;
	[tilespmem:$0x1EE00] =	vst v63  }
0xca: {  	_ = 	snop  }
0xcb: {  	[spmem:s0] =	stream.indirect.scatter.add.f32 [tilespmem:s21], [sflag:$0x3], $0x80, s17, s26, $0xb8;
	[tilespmem:$0x1EE00] =	vst v63  }
0xcc: {  	_ =	swait.ge [sflag:s3], $0x4000  }
0xcd: {  	[sflag:s3] =	ssyncset.done $0x0  }
0xce: {  	[sflag:s3] =	ssyncadd.s32 $0xFFFFC000  }
0xcf: {  	_ =	swait.ge [sflag:s7], $0x4000  }
0xd0: {  	[sflag:s7] =	ssyncset.done $0x0  }
0xd1: {  	s22 =	simm.s32 $0x2780;
	[sflag:s7] =	ssyncadd.s32 $0xFFFFC000  }
0xd2: {  	[spmem:s0] =	stream.indirect.scatter.add.f32 [tilespmem:s29], [sflag:$0x4], $0x80, s22, s26, $0xb8;
	[tilespmem:$0x1EE00] =	vst v63  }
0xd3: {  	_ =	swait.ge [sflag:s12], $0x4000  }
0xd4: {  	[sflag:s12] =	ssyncset.done $0x0  }
0xd5: {  	[sflag:s12] =	ssyncadd.s32 $0xFFFFC000  }
0xd6: {  	_ =	swait.ge [sflag:s14], $0x80  }
0xd7: {  	[sflag:s14] =	ssyncset.done $0x0  }
0xd8: {  	[sflag:s14] =	ssyncadd.s32 $0xFFFFFF80  }
0xd9: {  	_ =	swait.ge [sflag:s15], $0x80  }
0xda: {  	[sflag:s15] =	ssyncset.done $0x0  }
0xdb: {  	[sflag:s15] =	ssyncadd.s32 $0xFFFFFF80  }
0xdc: {  	[tilespmem:s30], [sflag:$0x5] =	stream.indirect.gather [spmem:s4], $0x1, s17, s26, $0xb8;
	[tilespmem:$0x1EE00] =	vst v63  }
0xdd: {  	_ = 	snop  }
0xde: {  	[tilespmem:s2], [sflag:$0x6] =	stream.indirect.gather [spmem:s4], $0x1, s22, s26, $0xb8;
	[tilespmem:$0x1EE00] =	vst v63  }
0xdf: {  	_ =	swait.ge [sflag:s10], $0x80  }
0xe0: {  	[sflag:s10] =	ssyncset.done $0x0  }
0xe1: {  	s16 =	simm.s32 $0x1300;
	[sflag:s10] =	ssyncadd.s32 $0xFFFFFF80  }
0xe2: {  	[spmem:s1] =	stream.indirect.scatter.add.f32 [tilespmem:s30], [sflag:$0x7], $0x1, s16, s26, $0xb8;
	[tilespmem:$0x1EE00] =	vst v63  }
0xe3: {  	_ =	swait.ge [sflag:s11], $0x80  }
0xe4: {  	[sflag:s11] =	ssyncset.done $0x0  }
0xe5: {  	[sflag:s11] =	ssyncadd.s32 $0xFFFFFF80  }
0xe6: {  	[spmem:s1] =	stream.indirect.scatter.add.f32 [tilespmem:s2], [sflag:$0x8], $0x1, s8, s26, $0xb8;
	[tilespmem:$0x1EE00] =	vst v63  }
0xe7: {  	_ =	swait.ge [sflag:s14], $0x80  }
0xe8: {  	[sflag:s14] =	ssyncset.done $0x0  }
0xe9: {  	[sflag:s14] =	ssyncadd.s32 $0xFFFFFF80  }
0xea: {  	_ =	swait.ge [sflag:s15], $0x80  }
0xeb: {  	[sflag:s15] =	ssyncset.done $0x0  }
0xec: {  	s20 =	sadd.s32 $0x280, s18;
	[sflag:s15] =	ssyncadd.s32 $0xFFFFFF80  }
0xed: {  	[tilespmem:s5], [sflag:$0x9] =	stream.linear.gather [hbm4b:s20+s5], $0x1380, $0x38;
	[tilespmem:$0x1EE00] =	vst v63  }
0xee: {  	_ =	swait.ge [sflag:s23], $0x1380  }
0xef: {  	[sflag:s23] =	ssyncset.done $0x0  }
0xf0: {  	s22 =	sadd.s32 $0x280, s19;
	[sflag:s23] =	ssyncadd.s32 $0xFFFFEC80  }
0xf1: {  	[tilespmem:s25], [sflag:$0x9] =	stream.linear.gather [hbm4b:s22+s5], $0x1380, $0x38;
	[tilespmem:$0x1EE00] =	vst v63  }
0xf2: {  	_ =	swait.ge [sflag:s23], $0x1380  }
0xf3: {  	[sflag:s23] =	ssyncset.done $0x0  }
0xf4: {  	[sflag:s23] =	ssyncadd.s32 $0xFFFFEC80  }
0xf5: {  	[tilespmem:s21], [sflag:$0x1] =	stream.indirect.gather [hbm4b:s6+s26], $0x80, s5, s26, $0xb8;
	[tilespmem:$0x1EE00] =	vst v63  }
0xf6: {  	_ =	swait.ge [sflag:s28], $0x4000  }
0xf7: {  	[sflag:s28] =	ssyncset.done $0x0  }
0xf8: {  	[sflag:s28] =	ssyncadd.s32 $0xFFFFC000  }
0xf9: {  	[tilespmem:s29], [sflag:$0x2] =	stream.indirect.gather [hbm4b:s6+s26], $0x80, s26, s26, $0xb8;
	[tilespmem:$0x1EE00] =	vst v63  }
0xfa: {  	_ = 	snop  }
0xfb: {  	[spmem:s0] =	stream.indirect.scatter.add.f32 [tilespmem:s21], [sflag:$0x3], $0x80, s25, s26, $0xb8;
	[tilespmem:$0x1EE00] =	vst v63  }
0xfc: {  	_ = 	snop  }
0xfd: {  	[tilespmem:s30], [sflag:$0x5] =	stream.indirect.gather [spmem:s4], $0x1, s25, s26, $0xb8;
	[tilespmem:$0x1EE00] =	vst v63  }
0xfe: {  	_ = 	snop  }
0xff: {  	[tilespmem:s2], [sflag:$0x6] =	stream.indirect.gather [spmem:s4], $0x1, s31, s26, $0xb8;
	[tilespmem:$0x1EE00] =	vst v63  }
0x100: {  	_ =	swait.ge [sflag:s3], $0x4000  }
0x101: {  	[sflag:s3] =	ssyncset.done $0x0  }
0x102: {  	[sflag:s3] =	ssyncadd.s32 $0xFFFFC000  }
0x103: {  	_ =	swait.ge [sflag:s7], $0x4000  }
0x104: {  	[sflag:s7] =	ssyncset.done $0x0  }
0x105: {  	s9 =	simm.s32 $0x100;
	[sflag:s7] =	ssyncadd.s32 $0xFFFFC000  }
0x106: {  	[tilespmem:s21], [sflag:$0x1] =	stream.indirect.gather [hbm4b:s6+s26], $0x80, s9, s26, $0xb8;
	[tilespmem:$0x1EE00] =	vst v63  }
0x107: {  	_ = 	snop  }
0x108: {  	[spmem:s0] =	stream.indirect.scatter.add.f32 [tilespmem:s29], [sflag:$0x4], $0x80, s31, s26, $0xb8;
	[tilespmem:$0x1EE00] =	vst v63  }
0x109: {  	_ =	swait.ge [sflag:s10], $0x80  }
0x10a: {  	[sflag:s10] =	ssyncset.done $0x0  }
0x10b: {  	[sflag:s10] =	ssyncadd.s32 $0xFFFFFF80  }
0x10c: {  	[spmem:s1] =	stream.indirect.scatter.add.f32 [tilespmem:s30], [sflag:$0x7], $0x1, s5, s26, $0xb8;
	[tilespmem:$0x1EE00] =	vst v63  }
0x10d: {  	_ =	swait.ge [sflag:s11], $0x80  }
0x10e: {  	[sflag:s11] =	ssyncset.done $0x0  }
0x10f: {  	[sflag:s11] =	ssyncadd.s32 $0xFFFFFF80  }
0x110: {  	[spmem:s1] =	stream.indirect.scatter.add.f32 [tilespmem:s2], [sflag:$0x8], $0x1, s26, s26, $0xb8;
	[tilespmem:$0x1EE00] =	vst v63  }
0x111: {  	_ =	swait.ge [sflag:s28], $0x4000  }
0x112: {  	[sflag:s28] =	ssyncset.done $0x0  }
0x113: {  	[sflag:s28] =	ssyncadd.s32 $0xFFFFC000  }
0x114: {  	_ =	swait.ge [sflag:s12], $0x4000  }
0x115: {  	[sflag:s12] =	ssyncset.done $0x0  }
0x116: {  	s9 =	simm.s32 $0x180;
	[sflag:s12] =	ssyncadd.s32 $0xFFFFC000  }
0x117: {  	[tilespmem:s29], [sflag:$0x2] =	stream.indirect.gather [hbm4b:s6+s26], $0x80, s9, s26, $0xb8;
	[tilespmem:$0x1EE00] =	vst v63  }
0x118: {  	s16 =	simm.s32 $0x1500  }
0x119: {  	[spmem:s0] =	stream.indirect.scatter.add.f32 [tilespmem:s21], [sflag:$0x3], $0x80, s16, s26, $0xb8;
	[tilespmem:$0x1EE00] =	vst v63  }
0x11a: {  	_ =	swait.ge [sflag:s14], $0x80  }
0x11b: {  	[sflag:s14] =	ssyncset.done $0x0  }
0x11c: {  	[sflag:s14] =	ssyncadd.s32 $0xFFFFFF80  }
0x11d: {  	_ =	swait.ge [sflag:s15], $0x80  }
0x11e: {  	[sflag:s15] =	ssyncset.done $0x0  }
0x11f: {  	[sflag:s15] =	ssyncadd.s32 $0xFFFFFF80  }
0x120: {  	[tilespmem:s30], [sflag:$0x5] =	stream.indirect.gather [spmem:s4], $0x1, s16, s26, $0xb8;
	[tilespmem:$0x1EE00] =	vst v63  }
0x121: {  	s20 =	simm.s32 $0x1580  }
0x122: {  	[tilespmem:s2], [sflag:$0x6] =	stream.indirect.gather [spmem:s4], $0x1, s20, s26, $0xb8;
	[tilespmem:$0x1EE00] =	vst v63  }
0x123: {  	_ =	swait.ge [sflag:s3], $0x4000  }
0x124: {  	[sflag:s3] =	ssyncset.done $0x0  }
0x125: {  	[sflag:s3] =	ssyncadd.s32 $0xFFFFC000  }
0x126: {  	_ =	swait.ge [sflag:s7], $0x4000  }
0x127: {  	[sflag:s7] =	ssyncset.done $0x0  }
0x128: {  	s16 =	simm.s32 $0x200;
	[sflag:s7] =	ssyncadd.s32 $0xFFFFC000  }
0x129: {  	[tilespmem:s21], [sflag:$0x1] =	stream.indirect.gather [hbm4b:s6+s26], $0x80, s16, s26, $0xb8;
	[tilespmem:$0x1EE00] =	vst v63  }
0x12a: {  	_ = 	snop  }
0x12b: {  	[spmem:s0] =	stream.indirect.scatter.add.f32 [tilespmem:s29], [sflag:$0x4], $0x80, s20, s26, $0xb8;
	[tilespmem:$0x1EE00] =	vst v63  }
0x12c: {  	_ =	swait.ge [sflag:s10], $0x80  }
0x12d: {  	[sflag:s10] =	ssyncset.done $0x0  }
0x12e: {  	s22 =	simm.s32 $0x100;
	[sflag:s10] =	ssyncadd.s32 $0xFFFFFF80  }
0x12f: {  	[spmem:s1] =	stream.indirect.scatter.add.f32 [tilespmem:s30], [sflag:$0x7], $0x1, s22, s26, $0xb8;
	[tilespmem:$0x1EE00] =	vst v63  }
0x130: {  	_ =	swait.ge [sflag:s11], $0x80  }
0x131: {  	[sflag:s11] =	ssyncset.done $0x0  }
0x132: {  	s16 =	simm.s32 $0xFFFFBC00;
	[sflag:s11] =	ssyncadd.s32 $0xFFFFFF80  }
.LBB2_6:
0x133: {  	[spmem:s1] =	stream.indirect.scatter.add.f32 [tilespmem:s2], [sflag:$0x8], $0x1, s9, s26, $0xb8;
	[tilespmem:$0x1EE00] =	vst v63  }
0x134: {  	s8 =	smov.u32 s16  }
0x135: {  	p1 =	sne.s32 s16, $0xFFFFFC00;
	s16 =	sadd.s32 $0x400, s16;
	_ =	swait.ge [sflag:s28], $0x4000  }
0x136: {  	[sflag:s28] =	ssyncset.done $0x0  }
0x137: {  	[sflag:s28] =	ssyncadd.s32 $0xFFFFC000  }
0x138: {  	_ =	swait.ge [sflag:s12], $0x4000  }
0x139: {  	s8 =	sshra.s32 s8, $0x2;
	[sflag:s12] =	ssyncset.done $0x0  }
0x13a: {  	s9 =	sadd.s32 $0x1380, s8;
	[sflag:s12] =	ssyncadd.s32 $0xFFFFC000  }
0x13b: {  	[tilespmem:s29], [sflag:$0x2] =	stream.indirect.gather [hbm4b:s6+s26], $0x80, s9, s26, $0xb8;
	[tilespmem:$0x1EE00] =	vst v63  }
0x13c: {  	s20 =	sadd.s32 $0x2700, s8  }
0x13d: {  	[spmem:s0] =	stream.indirect.scatter.add.f32 [tilespmem:s21], [sflag:$0x3], $0x80, s20, s26, $0xb8;
	[tilespmem:$0x1EE00] =	vst v63  }
0x13e: {  	_ =	swait.ge [sflag:s14], $0x80  }
0x13f: {  	[sflag:s14] =	ssyncset.done $0x0  }
0x140: {  	[sflag:s14] =	ssyncadd.s32 $0xFFFFFF80  }
0x141: {  	_ =	swait.ge [sflag:s15], $0x80  }
0x142: {  	[sflag:s15] =	ssyncset.done $0x0  }
0x143: {  	[sflag:s15] =	ssyncadd.s32 $0xFFFFFF80  }
0x144: {  	[tilespmem:s30], [sflag:$0x5] =	stream.indirect.gather [spmem:s4], $0x1, s20, s26, $0xb8;
	[tilespmem:$0x1EE00] =	vst v63  }
0x145: {  	s20 =	sadd.s32 $0x2780, s8  }
0x146: {  	[tilespmem:s2], [sflag:$0x6] =	stream.indirect.gather [spmem:s4], $0x1, s20, s26, $0xb8;
	[tilespmem:$0x1EE00] =	vst v63  }
0x147: {  	_ =	swait.ge [sflag:s3], $0x4000  }
0x148: {  	[sflag:s3] =	ssyncset.done $0x0  }
0x149: {  	[sflag:s3] =	ssyncadd.s32 $0xFFFFC000  }
0x14a: {  	_ =	swait.ge [sflag:s7], $0x4000  }
0x14b: {  	[sflag:s7] =	ssyncset.done $0x0  }
0x14c: {  	s22 =	sadd.s32 $0x1400, s8;
	[sflag:s7] =	ssyncadd.s32 $0xFFFFC000  }
0x14d: {  	[tilespmem:s21], [sflag:$0x1] =	stream.indirect.gather [hbm4b:s6+s26], $0x80, s22, s26, $0xb8;
	[tilespmem:$0x1EE00] =	vst v63  }
0x14e: {  	_ = 	snop  }
0x14f: {  	[spmem:s0] =	stream.indirect.scatter.add.f32 [tilespmem:s29], [sflag:$0x4], $0x80, s20, s26, $0xb8;
	[tilespmem:$0x1EE00] =	vst v63  }
0x150: {  	_ =	swait.ge [sflag:s10], $0x80  }
0x151: {  	[sflag:s10] =	ssyncset.done $0x0  }
.Ltmp2:
0x152: {  	s8 =	sadd.s32 $0x1300, s8;
	[sflag:s10] =	ssyncadd.s32 $0xFFFFFF80;
	(pc) =	sbr.rel @p1 .LBB2_6-.Ltmp2, $4  }
0x153: {  	[spmem:s1] =	stream.indirect.scatter.add.f32 [tilespmem:s30], [sflag:$0x7], $0x1, s8, s26, $0xb8;
	[tilespmem:$0x1EE00] =	vst v63  }
0x154: {  	_ =	swait.ge [sflag:s11], $0x80  }
0x155: {  	[sflag:s11] =	ssyncset.done $0x0  }
0x156: {  	[sflag:s11] =	ssyncadd.s32 $0xFFFFFF80  }
0x157: {  	[spmem:s1] =	stream.indirect.scatter.add.f32 [tilespmem:s2], [sflag:$0x8], $0x1, s9, s26, $0xb8;
	[tilespmem:$0x1EE00] =	vst v63  }
0x158: {  	_ =	swait.ge [sflag:s28], $0x4000  }
0x159: {  	[sflag:s28] =	ssyncset.done $0x0  }
0x15a: {  	[sflag:s28] =	ssyncadd.s32 $0xFFFFC000  }
0x15b: {  	_ =	swait.ge [sflag:s12], $0x4000  }
0x15c: {  	[sflag:s12] =	ssyncset.done $0x0  }
0x15d: {  	[sflag:s12] =	ssyncadd.s32 $0xFFFFC000  }
0x15e: {  	[spmem:s0] =	stream.indirect.scatter.add.f32 [tilespmem:s21], [sflag:$0x3], $0x80, s17, s26, $0xb8;
	[tilespmem:$0x1EE00] =	vst v63  }
0x15f: {  	_ =	swait.ge [sflag:s7], $0x4000  }
0x160: {  	[sflag:s7] =	ssyncset.done $0x0  }
0x161: {  	[sflag:s7] =	ssyncadd.s32 $0xFFFFC000  }
0x162: {  	_ =	swait.ge [sflag:s14], $0x80  }
0x163: {  	[sflag:s14] =	ssyncset.done $0x0  }
0x164: {  	[sflag:s14] =	ssyncadd.s32 $0xFFFFFF80  }
0x165: {  	_ =	swait.ge [sflag:s15], $0x80  }
0x166: {  	[sflag:s15] =	ssyncset.done $0x0  }
0x167: {  	[sflag:s15] =	ssyncadd.s32 $0xFFFFFF80  }
0x168: {  	[tilespmem:s30], [sflag:$0x5] =	stream.indirect.gather [spmem:s4], $0x1, s17, s26, $0xb8;
	[tilespmem:$0x1EE00] =	vst v63  }
0x169: {  	_ =	swait.ge [sflag:s10], $0x80  }
0x16a: {  	[sflag:s10] =	ssyncset.done $0x0  }
0x16b: {  	s8 =	simm.s32 $0x1300;
	[sflag:s10] =	ssyncadd.s32 $0xFFFFFF80  }
0x16c: {  	[spmem:s1] =	stream.indirect.scatter.add.f32 [tilespmem:s30], [sflag:$0x7], $0x1, s8, s26, $0xb8;
	[tilespmem:$0x1EE00] =	vst v63  }
0x16d: {  	_ =	swait.ge [sflag:s14], $0x80  }
0x16e: {  	[sflag:s14] =	ssyncset.done $0x0  }
0x16f: {  	[sflag:s14] =	ssyncadd.s32 $0xFFFFFF80  }
0x170: {  	s16 =	stileid.u32;
	[bflag:$0x0] =	sbarrier.arrive $0xFFFF  }
0x171: {  	s8 =	sshll.u32 s16, $0x6;
	s20 =	rddreg [dreg:$0x6]  }
0x172: {  	s8 =	sor.u32 $0x1C09, s8;
	s16 =	rddreg [dreg:$0x10];
	s9 =	sshrl.u32 s20, $0x3  }
0x173: {  	[hbm:s16], [sflag:s8] =	dma.local [spmem:s9], $0x2800  }
0x174: {  	_ =	swait.ge [sflag:s23], $0x2800  }
0x175: {  	s22 =	simm.s32 $0x10;
	s20 =	simm.s32 $0x20;
	[sflag:s23] =	ssyncset.done $0x0  }
0x176: {  	s9 =	sshrl.u32 s13, $0x3;
	s16 =	rddreg [dreg:$0x11];
	[sflag:s23] =	ssyncadd.s32 $0xFFFFD800  }
0x177: {  	[hbm:s16@s20], [sflag:s8] =	dma.strided [spmem:s9@s22], $0x50, s28, $0x10   }
0x178: {  	_ =	swait.ge [sflag:s23], $0x50  }
0x179: {  	s24 =	sadd.s32 $0x1, s24;
	s22 =	rddreg [dreg:$0xf]  }
0x17a: {  	p1 =	sne.s32 s24, s22  }
.Ltmp3:
0x17b: {  	_ = 	snop;
	(pc) =	sbr.rel @p1 .LBB2_1-.Ltmp3, $3  }
0x17c: {  	_ =	sdelay $0x1  }
0x17d: {  	[sflag:s23] =	ssyncset.done $0x0  }
0x17e: {  	[sflag:s23] =	ssyncadd.s32 $0xFFFFFFB0  }
0x17f: {  	_ =	sfence.sel $0x180000  }
0x180: {  	[bflag:$0x0] =	sbarrier.arrive $0xFFFF  }
0x181: {  	_ =	strace $0x9000004A  }
0x182: {  	[bflag:$0x2] =	sbarrier.arrive $0xFFFF  }
0x183: {  	s0 =	rddreg [dreg:$0x4]  }
0x184: {  	s0 =	sadd.s32 @!p0 $0x100000, s0  }
0x185: {  	[sflag:s0] =	ssyncadd.tile.s32 @!p0 $0x1;
	_ =	shalt  }
.Lfunc_end2:
_tile_overlayer_lowered:
.L_overlay_start_2:
0x186: {  	(tag) =	ssettag $0x2  }
0x187: {  	s0 =	rddreg [dreg:$0x0];
	s2 =	stileid.u32  }
0x188: {  	s1 =	rddreg [dreg:$0x1];
	p0 =	sne.s32 s2, $0x0  }
0x189: {  	s3 =	rddreg [dreg:$0x2];
	[bflag:$0x3] =	sbarrier.arrive $0xFFFF;
	s2 =	simm.s32 @!p0 $0x1C09  }
0x18a: {  	[timem:s3], [sflag:s2] =	dma.local @!p0 [hbm:s0], s1  }
0x18b: {  	s0 =	simm.s32 @!p0 $0x9  }
0x18c: {  	_ =	swait.ge @!p0 [sflag:s0], s1  }
0x18d: {  	s1 =	ssub.s32 @!p0 $0x0, s1;
	[sflag:s0] =	ssyncset.done @!p0 $0x0  }
0x18e: {  	[sflag:s0] =	ssyncadd.s32 @!p0 s1  }
0x18f: {  	[bflag:$0x3] =	sbarrier.arrive $0xFFFF  }
0x190: {  	_ =	shalt  }

</sc_bundles>
